<compile_context>
chip_gen: v7x
topology: tpu7x:2x2x1
jax: 0.10.2.dev20260603
libtpu: 0.0.44.dev20260713+nightly
codegen_flags: <defaults>
</compile_context>

<pallas_src>
import functools

import jax
import jax.numpy as jnp
from jax import lax
from jax.experimental import pallas as pl
from jax.experimental.pallas import tpu as pltpu
from jax.experimental.pallas import tpu_sc as plsc

N = 50000
E = 800000
H = 64

NC = 2
NS = 16
NW = NC * NS
LANES = 16

ROWS = 392
N_PAD = ROWS * 128

EPT = E // NW
CHUNK = 5000
NCHUNK = EPT // CHUNK
NVEC = CHUNK // LANES
TAIL = CHUNK - NVEC * LANES
UNROLL = 4
BUF = NVEC * LANES + LANES

HALF = N_PAD // 2
DUM = 16
ACC_ROWS = HALF + NS * DUM
ZPT = ACC_ROWS // NS
WPT = HALF // NS
E_PAD64 = 819200
EPT64 = E_PAD64 // NS
CH64 = 6400
NCH64 = EPT64 // CH64
NSUB = CH64 // 128

_MESH = plsc.VectorSubcoreMesh(core_axis_name="c", subcore_axis_name="s")

_SC_SCRATCH = [
    pltpu.VMEM((N_PAD,), jnp.float32),
    pltpu.VMEM((N_PAD,), jnp.float32),
    pltpu.VMEM((BUF,), jnp.int32),
    pltpu.VMEM((BUF,), jnp.int32),
    pltpu.VMEM((BUF,), jnp.int32),
    pltpu.VMEM((BUF,), jnp.int32),
    pltpu.SemaphoreType.DMA,
    pltpu.SemaphoreType.DMA,
    pltpu.SemaphoreType.DMA,
]


def _sc_pass_body(with_gather, sc_hbm, gt_hbm, g_hbm, out_hbm,
                  g_loc, t_loc, sb0, gb0, sb1, gb1, gsem, sem0, sem1):
    wid = lax.axis_index("s") * NC + lax.axis_index("c")
    base = wid * EPT
    sbufs, gbufs, sems = (sb0, sb1), (gb0, gb1), (sem0, sem1)

    if with_gather:
        gh = pltpu.async_copy(g_hbm, g_loc, gsem)

    def start(c):
        b = c % 2
        off = base + c * CHUNK
        h1 = pltpu.async_copy(sc_hbm.at[pl.ds(off, CHUNK)],
                              sbufs[b].at[pl.ds(0, CHUNK)], sems[b])
        h2 = pltpu.async_copy(gt_hbm.at[pl.ds(off, CHUNK)],
                              gbufs[b].at[pl.ds(0, CHUNK)], sems[b])
        return (h1, h2)

    hs = [None] * NCHUNK
    hs[0] = start(0)

    zv = jnp.zeros((LANES,), jnp.float32)
    ziv = jnp.zeros((LANES,), jnp.int32)
    for b in range(2):
        sbufs[b][pl.ds(NVEC * LANES, LANES)] = ziv
        gbufs[b][pl.ds(NVEC * LANES, LANES)] = ziv

    def zbody(i, carry):
        for k in range(8):
            t_loc[pl.ds(i * 128 + k * LANES, LANES)] = zv
        return carry
    lax.fori_loop(0, N_PAD // 128, zbody, 0)

    if with_gather:
        gh.wait()
    ones = jnp.ones((LANES,), jnp.float32)
    tail_mask = lax.iota(jnp.int32, LANES) < TAIL

    for c in range(NCHUNK):
        b = c % 2
        hs[c][0].wait()
        hs[c][1].wait()
        if c + 1 < NCHUNK:
            hs[c + 1] = start(c + 1)
        sbuf, gbuf = sbufs[b], gbufs[b]

        def body(i, carry):
            for k in range(UNROLL):
                off = i * (UNROLL * LANES) + k * LANES
                svec = sbuf[pl.ds(off, LANES)]
                if with_gather:
                    gvec = gbuf[pl.ds(off, LANES)]
                    vals = plsc.load_gather(g_loc, [gvec])
                else:
                    vals = ones
                plsc.addupdate_scatter(t_loc, [svec], vals)
            return carry
        lax.fori_loop(0, NVEC // UNROLL, body, 0)

        off = NVEC * LANES
        svec = sbuf[pl.ds(off, LANES)]
        if with_gather:
            gvec = gbuf[pl.ds(off, LANES)]
            vals = plsc.load_gather(g_loc, [gvec], mask=tail_mask)
        else:
            vals = ones
        plsc.addupdate_scatter(t_loc, [svec], vals, mask=tail_mask)

    pltpu.sync_copy(t_loc, out_hbm.at[wid])


_sc_spmv = pl.kernel(
    functools.partial(_sc_pass_body, True),
    out_type=jax.ShapeDtypeStruct((NW, N_PAD), jnp.float32),
    mesh=_MESH,
    compiler_params=pltpu.CompilerParams(needs_layout_passes=False),
    scratch_types=_SC_SCRATCH,
)


def _sc_deg_body(dst_hbm, out_hbm, *rest):
    _sc_pass_body(False, dst_hbm, dst_hbm, dst_hbm, out_hbm, *rest)


_sc_deg = pl.kernel(
    _sc_deg_body,
    out_type=jax.ShapeDtypeStruct((NW, N_PAD), jnp.float32),
    mesh=_MESH,
    compiler_params=pltpu.CompilerParams(needs_layout_passes=False),
    scratch_types=_SC_SCRATCH,
)


_SC64_SCRATCH = [
    pltpu.VMEM((CH64,), jnp.int32),
    pltpu.VMEM((CH64,), jnp.int32),
    pltpu.VMEM((2, 128), jnp.int32),
    pltpu.VMEM((128, H), jnp.float32),
    pltpu.VMEM((128, H), jnp.float32),
    pltpu.VMEM_SHARED((ACC_ROWS, H), jnp.float32),
    pltpu.SemaphoreType.DMA,
    pltpu.SemaphoreType.DMA,
    pltpu.SemaphoreType.DMA,
    pltpu.SemaphoreType.DMA,
    pltpu.SemaphoreType.DMA,
]


def _sc64_body(src_hbm, dst_hbm, ms_hbm, zacc_hbm, out_hbm,
               sbuf, dbuf, idx2, rowsA, rowsB, acc, esem, gA, gB, sA, sB):
    cid = lax.axis_index("c")
    sid = lax.axis_index("s")
    nbase = cid * HALF
    pltpu.sync_copy(zacc_hbm.at[pl.ds(sid * ZPT, ZPT)],
                    acc.at[pl.ds(sid * ZPT, ZPT)])
    plsc.subcore_barrier()
    dummy0 = HALF + sid * DUM
    dummyv = dummy0 + lax.iota(jnp.int32, LANES)
    ebase = sid * EPT64

    def chunk_body(c, carry):
        off = ebase + c * CH64
        h1 = pltpu.async_copy(src_hbm.at[pl.ds(off, CH64)], sbuf, esem)
        h2 = pltpu.async_copy(dst_hbm.at[pl.ds(off, CH64)], dbuf, esem)
        h1.wait()
        h2.wait()

        def pair_body(p, carry2):
            q0 = p * 2
            subs = ((q0, 0, rowsA, gA, sA), (q0 + 1, 1, rowsB, gB, sB))
            ghs = []
            for q, j, rows, gsem, _ in subs:
                ghs.append(pltpu.async_copy(
                    ms_hbm.at[sbuf.at[pl.ds(q * 128, 128)]], rows, gsem))
            for q, j, rows, _, _ in subs:
                def prep(k, carry3):
                    dvec = dbuf[pl.ds(q * 128 + k * LANES, LANES)]
                    local = dvec - nbase
                    ok = (local >= 0) & (local < HALF)
                    idx2[j, pl.ds(k * LANES, LANES)] = jnp.where(
                        ok, local, dummyv)
                    return carry3
                lax.fori_loop(0, 128 // LANES, prep, 0)
            shs = []
            for (q, j, rows, _, ssem), gh in zip(subs, ghs):
                gh.wait()
                shs.append(pltpu.async_copy(
                    rows, acc.at[idx2.at[j]], ssem, add=True))
            for sh in shs:
                sh.wait()
            return carry2
        lax.fori_loop(0, NSUB // 2, pair_body, 0)
        return carry
    lax.fori_loop(0, NCH64, chunk_body, 0)

    plsc.subcore_barrier()
    pltpu.sync_copy(acc.at[pl.ds(sid * WPT, WPT)],
                    out_hbm.at[pl.ds(nbase + sid * WPT, WPT)])


_sc64 = pl.kernel(
    _sc64_body,
    out_type=jax.ShapeDtypeStruct((N_PAD, H), jnp.float32),
    mesh=_MESH,
    compiler_params=pltpu.CompilerParams(needs_layout_passes=False,
                                         use_tc_tiling_on_sc=False),
    scratch_types=_SC64_SCRATCH,
)


def _r(a):
    return a.astype(jnp.bfloat16).astype(jnp.float32)


def _dinv2_body(parts_ref, x_ref, dinv_ref, gx_ref):
    deg = jnp.sum(parts_ref[...], axis=0) + 1.0
    dinv = lax.rsqrt(deg)
    dinv = dinv * (1.5 - 0.5 * deg * dinv * dinv)
    dinv = dinv * (1.5 - 0.5 * deg * dinv * dinv)
    idx = (lax.broadcasted_iota(jnp.int32, (ROWS, 128), 0) * 128
           + lax.broadcasted_iota(jnp.int32, (ROWS, 128), 1))
    dinv = jnp.where(idx < N, dinv, 0.0)
    dinv_ref[...] = dinv
    gx_ref[...] = dinv * x_ref[...]


def _merge_body(parts_ref, dinv_ref, gprev_ref, y_ref):
    t = jnp.sum(parts_ref[...], axis=0)
    y_ref[...] = dinv_ref[...] * (t + gprev_ref[...])


def _big1_body(y_ref, dinv_ref, W1T_ref, b1T_ref, W2T_ref, ms_ref):
    c1 = W1T_ref[...] * y_ref[...] + b1T_ref[...]
    M = jnp.dot(_r(W2T_ref[...]), _r(c1),
                precision=lax.Precision.HIGHEST)
    ms_ref[...] = dinv_ref[...] * M


def _big2_body(T_ref, ms_ref, dinv_ref, u_ref, b2T_ref, q_ref):
    c2 = dinv_ref[...] * (T_ref[...] + ms_ref[...]) + b2T_ref[...]
    q = jnp.sum(_r(c2) * u_ref[...], axis=1)
    q_ref[...] = q.reshape(1, H)


def _final_body(q_ref, W3_ref, b3_ref, l1W_ref, l1b_ref, l2W_ref, l2b_ref,
                out_ref):
    dot = functools.partial(jnp.dot, precision=lax.Precision.HIGHEST)
    pooled = dot(q_ref[...], _r(W3_ref[...])) + jnp.float32(N) * b3_ref[...]
    h = jnp.maximum(dot(_r(pooled), _r(l1W_ref[...])) + l1b_ref[...], 0.0)
    out_ref[...] = dot(h, l2W_ref[...]) + l2b_ref[...]


def kernel(x, edge_index, W1, b1, W2, b2, W3, b3,
           lin1_W, lin1_b, lin2_W, lin2_b):
    ei = edge_index.astype(jnp.int32)
    src, dst = ei[0], ei[1]

    deg_parts = _sc_deg(dst)
    x_pad2d = jnp.pad(x[:, 0], (0, N_PAD - N)).reshape(ROWS, 128)
    dinv2d, gx2d = pl.pallas_call(
        _dinv2_body,
        out_shape=(jax.ShapeDtypeStruct((ROWS, 128), jnp.float32),
                   jax.ShapeDtypeStruct((ROWS, 128), jnp.float32)),
    )(deg_parts.reshape(NW, ROWS, 128), x_pad2d)
    dinv = dinv2d.reshape(N_PAD)

    merge = pl.pallas_call(
        _merge_body,
        out_shape=jax.ShapeDtypeStruct((ROWS, 128), jnp.float32),
    )
    tu = _sc_spmv(src, dst, dinv)
    u2d = merge(tu.reshape(NW, ROWS, 128), dinv2d, dinv2d)
    ty = _sc_spmv(dst, src, gx2d.reshape(N_PAD))
    y2d = merge(ty.reshape(NW, ROWS, 128), dinv2d, gx2d)

    ms_cm = pl.pallas_call(
        _big1_body,
        out_shape=jax.ShapeDtypeStruct((H, N_PAD), jnp.float32),
    )(y2d.reshape(1, N_PAD), dinv2d.reshape(1, N_PAD),
      W1.reshape(H, 1), b1.reshape(H, 1), W2.T)

    ms_rm = ms_cm.T
    padv = N + (jnp.arange(E_PAD64 - E, dtype=jnp.int32) % (N_PAD - N))
    srcp = jnp.concatenate([src, padv])
    dstp = jnp.concatenate([dst, padv])
    zacc = jnp.zeros((ACC_ROWS, H), jnp.float32)
    T_rm = _sc64(srcp, dstp, ms_rm, zacc)

    q = pl.pallas_call(
        _big2_body,
        out_shape=jax.ShapeDtypeStruct((1, H), jnp.float32),
    )(T_rm.T, ms_cm, dinv2d.reshape(1, N_PAD), u2d.reshape(1, N_PAD),
      b2.reshape(H, 1))

    out = pl.pallas_call(
        _final_body,
        out_shape=jax.ShapeDtypeStruct((1, 1), jnp.float32),
    )(q, W3, b3.reshape(1, H), lin1_W, lin1_b.reshape(1, H),
      lin2_W, lin2_b.reshape(1, 1))
    return out

# --- scband reference (transcript-rebuilt; emitter-appended) ---
"""Pipeline reference for scband-basic-gcn-55946243998143 (READ-ONLY COPY).

The authoritative reference and input builder live on the scoring server;
editing this copy changes nothing except your own understanding.
"""

import jax, jax.numpy as jnp
import numpy as np

N_NODES = 50000
N_EDGES = 800000
HIDDEN = 64


def gcn_conv(x, edge_index, W, b, num_nodes):
    # PyG GCNConv: linear transform, add self-loops, symmetric normalization, scatter-add aggregate, add bias
    h = x @ W
    src = edge_index[0]
    dst = edge_index[1]
    loop = jnp.arange(num_nodes, dtype=edge_index.dtype)
    src = jnp.concatenate([src, loop])
    dst = jnp.concatenate([dst, loop])
    ones = jnp.ones(src.shape[0], dtype=h.dtype)
    deg = jax.ops.segment_sum(ones, dst, num_segments=num_nodes)
    dinv = jnp.where(deg > 0, deg ** -0.5, 0.0)
    norm = dinv[src] * dinv[dst]
    msg = h[src] * norm[:, None]
    out = jax.ops.segment_sum(msg, dst, num_segments=num_nodes)
    return out + b


def setup_inputs(seed: int = 0) -> dict:
    key = jax.random.key(seed)
    ks = jax.random.split(key, 12)
    x = jax.random.normal(ks[0], (N_NODES, 1), dtype=jnp.float32)
    edge_index = jax.random.randint(ks[1], (2, N_EDGES), 0, N_NODES, dtype=jnp.int64)
    def glorot(k, shape):
        fan_in, fan_out = shape[0], shape[1]
        lim = (6.0 / (fan_in + fan_out)) ** 0.5
        return jax.random.uniform(k, shape, dtype=jnp.float32, minval=-lim, maxval=lim)
    W1 = glorot(ks[2], (1, HIDDEN)); b1 = jnp.zeros((HIDDEN,), jnp.float32)
    W2 = glorot(ks[3], (HIDDEN, HIDDEN)); b2 = jnp.zeros((HIDDEN,), jnp.float32)
    W3 = glorot(ks[4], (HIDDEN, HIDDEN)); b3 = jnp.zeros((HIDDEN,), jnp.float32)
    lin1_W = glorot(ks[5], (HIDDEN, HIDDEN)); lin1_b = jnp.zeros((HIDDEN,), jnp.float32)
    lin2_W = glorot(ks[6], (HIDDEN, 1)); lin2_b = jnp.zeros((1,), jnp.float32)
    return {"x": x, "edge_index": edge_index, "W1": W1, "b1": b1, "W2": W2, "b2": b2,
            "W3": W3, "b3": b3, "lin1_W": lin1_W, "lin1_b": lin1_b, "lin2_W": lin2_W, "lin2_b": lin2_b}


def reference(x, edge_index, W1, b1, W2, b2, W3, b3, lin1_W, lin1_b, lin2_W, lin2_b):
    h = gcn_conv(x, edge_index, W1, b1, N_NODES)
    h = gcn_conv(h, edge_index, W2, b2, N_NODES)
    h = gcn_conv(h, edge_index, W3, b3, N_NODES)
    # global_add_pool with batch=None -> single graph sum pooling
    pooled = jnp.sum(h, axis=0, keepdims=True)
    h = jax.nn.relu(pooled @ lin1_W + lin1_b)
    # dropout p=0.5 is identity in eval mode
    out = h @ lin2_W + lin2_b
    return out

if __name__ == "__main__":
    import jax
    _d = setup_inputs()
    print(jax.jit(kernel)(*tuple(_d.values())))

</pallas_src>

<mosaic_0001>
#map = affine_map<(d0, d1) -> (0)>
#map1 = affine_map<(d0, d1) -> (0, 0)>
module attributes {stable_mosaic.version = 14 : i64} {
  func.func @_sc64_body(%arg0: i32, %arg1: i32, %arg2: memref<819200xi32, #tpu.memory_space<hbm>>, %arg3: memref<819200xi32, #tpu.memory_space<hbm>>, %arg4: memref<50176x64xf32, #tpu.memory_space<hbm>>, %arg5: memref<25344x64xf32, #tpu.memory_space<hbm>>, %arg6: memref<50176x64xf32, #tpu.memory_space<hbm>>, %arg7: memref<6400xi32, #tpu.memory_space<vmem>>, %arg8: memref<6400xi32, #tpu.memory_space<vmem>>, %arg9: memref<2x128xi32, #tpu.memory_space<vmem>>, %arg10: memref<128x64xf32, #tpu.memory_space<vmem>>, %arg11: memref<128x64xf32, #tpu.memory_space<vmem>>, %arg12: memref<25344x64xf32, #tpu.memory_space<vmem_shared>>, %arg13: memref<!tpu.dma_semaphore, #tpu.memory_space<semaphore_mem>>, %arg14: memref<!tpu.dma_semaphore, #tpu.memory_space<semaphore_mem>>, %arg15: memref<!tpu.dma_semaphore, #tpu.memory_space<semaphore_mem>>, %arg16: memref<!tpu.dma_semaphore, #tpu.memory_space<semaphore_mem>>, %arg17: memref<!tpu.dma_semaphore, #tpu.memory_space<semaphore_mem>>) attributes {dimension_semantics = [#tpu.dimension_semantics<core_parallel>, #tpu.dimension_semantics<subcore_parallel>], iteration_bounds = array<i64: 2, 16>, scalar_prefetch = 0 : i64, scratch_operands = 11 : i64, tpu.core_type = #tpu.core_type<sc_vector_subcore>, window_params = [{transform_indices = #map}, {transform_indices = #map}, {transform_indices = #map1}, {transform_indices = #map1}, {transform_indices = #map1}]} {
    %mul3A = arith.constant 25088 : i32
    %mul3A_0 = arith.muli %arg0, %mul3A : i32
    %mul3A_1 = arith.constant 1584 : i32
    %mul3A_2 = arith.muli %arg1, %mul3A_1 : i32
    %mul3A_3 = arith.constant 1584 : i32
    %mul3A_4 = arith.muli %arg1, %mul3A_3 : i32
    "tpu.region"() ({
      %run_scoped3A = tpu.sem_alloc : memref<!tpu.dma_semaphore, #tpu.memory_space<semaphore_mem>>
      %dma_start3A = arith.constant 0 : i32
      %dma_start3A_23 = tpu.memref_slice %arg12[%mul3A_4, %dma_start3A] : memref<25344x64xf32, #tpu.memory_space<vmem_shared>> -> memref<1584x64xf32, #tpu.memory_space<vmem_shared>>
      %dma_start3A_24 = arith.constant 0 : i32
      %dma_start3A_25 = tpu.memref_slice %arg5[%mul3A_2, %dma_start3A_24] : memref<25344x64xf32, #tpu.memory_space<hbm>> -> memref<1584x64xf32, #tpu.memory_space<hbm>>
      tpu.enqueue_dma source(%dma_start3A_25 : memref<1584x64xf32, #tpu.memory_space<hbm>>) target(%dma_start3A_23 : memref<1584x64xf32, #tpu.memory_space<vmem_shared>>) target_semaphore(%run_scoped3A : memref<!tpu.dma_semaphore, #tpu.memory_space<semaphore_mem>>)
      %dma_wait3A = arith.constant 0 : i32
      %dma_wait3A_26 = tpu.memref_slice %arg12[%mul3A_4, %dma_wait3A] : memref<25344x64xf32, #tpu.memory_space<vmem_shared>> -> memref<1584x64xf32, #tpu.memory_space<vmem_shared>>
      %dma_wait3A_27 = arith.constant 0 : i32
      %dma_wait3A_28 = tpu.memref_slice %arg5[%mul3A_2, %dma_wait3A_27] : memref<25344x64xf32, #tpu.memory_space<hbm>> -> memref<1584x64xf32, #tpu.memory_space<hbm>>
      tpu.wait_dma2 semaphore(%run_scoped3A : memref<!tpu.dma_semaphore, #tpu.memory_space<semaphore_mem>>) src(%dma_wait3A_28 : memref<1584x64xf32, #tpu.memory_space<hbm>>) dst(%dma_wait3A_26 : memref<1584x64xf32, #tpu.memory_space<vmem_shared>>)
      tpu.yield
    }) : () -> ()
    %barrier3A = arith.constant 0 : index
    tpu.barrier barrier_id(%barrier3A)
    %mul3A_5 = arith.constant 16 : i32
    %mul3A_6 = arith.muli %arg1, %mul3A_5 : i32
    %add3A = arith.constant 25088 : i32
    %add3A_7 = arith.addi %add3A, %mul3A_6 : i32
    %iota3A = tpu.iota {dimensions = array<i32: 0>} : vector<16xi32>
    %add3A_8 = vector.broadcast %add3A_7 : i32 to vector<16xi32>
    %add3A_9 = arith.addi %add3A_8, %iota3A : vector<16xi32>
    %mul3A_10 = arith.constant 51200 : i32
    %mul3A_11 = arith.muli %arg1, %mul3A_10 : i32
    %scan3A = arith.constant 0 : i32
    %scan3A_12 = arith.constant 0 : i32
    %scan3A_13 = arith.constant 8 : i32
    %scan3A_14 = arith.addi %scan3A_12, %scan3A_13 : i32
    %scan3A_15 = arith.constant 1 : i32
    scf.for %scan3A_23 = %scan3A_12 to %scan3A_14 step %scan3A_15  : i32 {
      %mul3A_24 = arith.constant 6400 : i32
      %mul3A_25 = arith.muli %scan3A_23, %mul3A_24 : i32
      %add3A_26 = arith.addi %mul3A_11, %mul3A_25 : i32
      %dma_start3A = tpu.memref_slice %arg2[%add3A_26] : memref<819200xi32, #tpu.memory_space<hbm>> -> memref<6400xi32, #tpu.memory_space<hbm>>
      %dma_start3A_27 = tpu.memref_slice %arg2[%add3A_26] : memref<819200xi32, #tpu.memory_space<hbm>> -> memref<6400xi32, #tpu.memory_space<hbm>>
      tpu.enqueue_dma source(%dma_start3A_27 : memref<6400xi32, #tpu.memory_space<hbm>>) target(%arg7 : memref<6400xi32, #tpu.memory_space<vmem>>) target_semaphore(%arg13 : memref<!tpu.dma_semaphore, #tpu.memory_space<semaphore_mem>>)
      %dma_start3A_28 = tpu.memref_slice %arg3[%add3A_26] : memref<819200xi32, #tpu.memory_space<hbm>> -> memref<6400xi32, #tpu.memory_space<hbm>>
      %dma_start3A_29 = tpu.memref_slice %arg3[%add3A_26] : memref<819200xi32, #tpu.memory_space<hbm>> -> memref<6400xi32, #tpu.memory_space<hbm>>
      tpu.enqueue_dma source(%dma_start3A_29 : memref<6400xi32, #tpu.memory_space<hbm>>) target(%arg8 : memref<6400xi32, #tpu.memory_space<vmem>>) target_semaphore(%arg13 : memref<!tpu.dma_semaphore, #tpu.memory_space<semaphore_mem>>)
      %dma_wait3A = tpu.memref_slice %arg2[%add3A_26] : memref<819200xi32, #tpu.memory_space<hbm>> -> memref<6400xi32, #tpu.memory_space<hbm>>
      %dma_wait3A_30 = tpu.memref_slice %arg2[%add3A_26] : memref<819200xi32, #tpu.memory_space<hbm>> -> memref<6400xi32, #tpu.memory_space<hbm>>
      tpu.wait_dma2 semaphore(%arg13 : memref<!tpu.dma_semaphore, #tpu.memory_space<semaphore_mem>>) src(%dma_wait3A_30 : memref<6400xi32, #tpu.memory_space<hbm>>) dst(%arg7 : memref<6400xi32, #tpu.memory_space<vmem>>)
      %dma_wait3A_31 = tpu.memref_slice %arg3[%add3A_26] : memref<819200xi32, #tpu.memory_space<hbm>> -> memref<6400xi32, #tpu.memory_space<hbm>>
      %dma_wait3A_32 = tpu.memref_slice %arg3[%add3A_26] : memref<819200xi32, #tpu.memory_space<hbm>> -> memref<6400xi32, #tpu.memory_space<hbm>>
      tpu.wait_dma2 semaphore(%arg13 : memref<!tpu.dma_semaphore, #tpu.memory_space<semaphore_mem>>) src(%dma_wait3A_32 : memref<6400xi32, #tpu.memory_space<hbm>>) dst(%arg8 : memref<6400xi32, #tpu.memory_space<vmem>>)
      %scan3A_33 = arith.constant 0 : i32
      %scan3A_34 = arith.constant 0 : i32
      %scan3A_35 = arith.constant 25 : i32
      %scan3A_36 = arith.addi %scan3A_34, %scan3A_35 : i32
      %scan3A_37 = arith.constant 1 : i32
      scf.for %scan3A_39 = %scan3A_34 to %scan3A_36 step %scan3A_37  : i32 {
        %mul3A_40 = arith.constant 2 : i32
        %mul3A_41 = arith.muli %scan3A_39, %mul3A_40 : i32
        %add3A_42 = arith.constant 1 : i32
        %add3A_43 = arith.addi %mul3A_41, %add3A_42 : i32
        %mul3A_44 = arith.constant 128 : i32
        %mul3A_45 = arith.muli %mul3A_41, %mul3A_44 : i32
        %dma_start3A_46 = tpu.memref_slice %arg7[%mul3A_45] : memref<6400xi32, #tpu.memory_space<vmem>> -> memref<128xi32, #tpu.memory_space<vmem>>
        %dma_start3A_47 = arith.constant 0 : i32
        %dma_start3A_48 = arith.constant 0 : i32
        %dma_start3A_49 = tpu.memref_slice %arg4[%dma_start3A_47, %dma_start3A_48] : memref<50176x64xf32, #tpu.memory_space<hbm>> -> memref<50176x64xf32, #tpu.memory_space<hbm>>
        tpu.enqueue_indirect_dma source(%dma_start3A_49 : memref<50176x64xf32, #tpu.memory_space<hbm>>) target(%arg10 : memref<128x64xf32, #tpu.memory_space<vmem>>) offsets(%dma_start3A_46 : memref<128xi32, #tpu.memory_space<vmem>>) semaphore(%arg14 : memref<!tpu.dma_semaphore, #tpu.memory_space<semaphore_mem>>)
        %mul3A_50 = arith.constant 128 : i32
        %mul3A_51 = arith.muli %add3A_43, %mul3A_50 : i32
        %dma_start3A_52 = tpu.memref_slice %arg7[%mul3A_51] : memref<6400xi32, #tpu.memory_space<vmem>> -> memref<128xi32, #tpu.memory_space<vmem>>
        %dma_start3A_53 = arith.constant 0 : i32
        %dma_start3A_54 = arith.constant 0 : i32
        %dma_start3A_55 = tpu.memref_slice %arg4[%dma_start3A_53, %dma_start3A_54] : memref<50176x64xf32, #tpu.memory_space<hbm>> -> memref<50176x64xf32, #tpu.memory_space<hbm>>
        tpu.enqueue_indirect_dma source(%dma_start3A_55 : memref<50176x64xf32, #tpu.memory_space<hbm>>) target(%arg11 : memref<128x64xf32, #tpu.memory_space<vmem>>) offsets(%dma_start3A_52 : memref<128xi32, #tpu.memory_space<vmem>>) semaphore(%arg15 : memref<!tpu.dma_semaphore, #tpu.memory_space<semaphore_mem>>)
        %scan3A_56 = arith.constant 0 : i32
        %scan3A_57 = arith.constant 0 : i32
        %scan3A_58 = arith.constant 8 : i32
        %scan3A_59 = arith.addi %scan3A_57, %scan3A_58 : i32
        %scan3A_60 = arith.constant 1 : i32
        scf.for %scan3A_104 = %scan3A_57 to %scan3A_59 step %scan3A_60  : i32 {
          %mul3A_105 = arith.constant 128 : i32
          %mul3A_106 = arith.muli %mul3A_41, %mul3A_105 : i32
          %mul3A_107 = arith.constant 16 : i32
          %mul3A_108 = arith.muli %scan3A_104, %mul3A_107 : i32
          %add3A_109 = arith.addi %mul3A_106, %mul3A_108 : i32
          %get3A = arith.index_cast %add3A_109 : i32 to index
          %get3A_110 = tpu.vector_load %arg8[%get3A] {strides = array<i32>} : memref<6400xi32, #tpu.memory_space<vmem>>, vector<16xi32>,
          %sub3A = vector.broadcast %mul3A_0 : i32 to vector<16xi32>
          %sub3A_111 = arith.subi %get3A_110, %sub3A : vector<16xi32>
          %ge3A = arith.constant 0 : i32
          %ge3A_112 = vector.broadcast %ge3A : i32 to vector<16xi32>
          %ge3A_113 = arith.cmpi sge, %sub3A_111, %ge3A_112 : vector<16xi32>
          %lt3A = arith.constant 25088 : i32
          %lt3A_114 = vector.broadcast %lt3A : i32 to vector<16xi32>
          %lt3A_115 = arith.cmpi slt, %sub3A_111, %lt3A_114 : vector<16xi32>
          %and3A = arith.andi %ge3A_113, %lt3A_115 : vector<16xi1>
          %select_n3A = arith.select %and3A, %sub3A_111, %add3A_9 : vector<16xi1>, vector<16xi32>
          %mul3A_116 = arith.constant 16 : i32
          %mul3A_117 = arith.muli %scan3A_104, %mul3A_116 : i32
          %swap3A = arith.constant 0 : i32
          %swap3A_118 = arith.index_cast %swap3A : i32 to index
          %swap3A_119 = arith.index_cast %mul3A_117 : i32 to index
          %swap3A_120 = tpu.vector_load %arg9[%swap3A_118, %swap3A_119] {strides = array<i32>} : memref<2x128xi32, #tpu.memory_space<vmem>>, vector<16xi32>,
          tpu.vector_store %arg9[%swap3A_118, %swap3A_119], %select_n3A {strides = array<i32>} : memref<2x128xi32, #tpu.memory_space<vmem>>, vector<16xi32>,
        }
        %scan3A_61 = arith.constant 8 : i32
        %scan3A_62 = arith.constant 0 : i32
        %scan3A_63 = arith.constant 0 : i32
        %scan3A_64 = arith.constant 8 : i32
        %scan3A_65 = arith.addi %scan3A_63, %scan3A_64 : i32
        %scan3A_66 = arith.constant 1 : i32
        scf.for %scan3A_104 = %scan3A_63 to %scan3A_65 step %scan3A_66  : i32 {
          %mul3A_105 = arith.constant 128 : i32
          %mul3A_106 = arith.muli %add3A_43, %mul3A_105 : i32
          %mul3A_107 = arith.constant 16 : i32
          %mul3A_108 = arith.muli %scan3A_104, %mul3A_107 : i32
          %add3A_109 = arith.addi %mul3A_106, %mul3A_108 : i32
          %get3A = arith.index_cast %add3A_109 : i32 to index
          %get3A_110 = tpu.vector_load %arg8[%get3A] {strides = array<i32>} : memref<6400xi32, #tpu.memory_space<vmem>>, vector<16xi32>,
          %sub3A = vector.broadcast %mul3A_0 : i32 to vector<16xi32>
          %sub3A_111 = arith.subi %get3A_110, %sub3A : vector<16xi32>
          %ge3A = arith.constant 0 : i32
          %ge3A_112 = vector.broadcast %ge3A : i32 to vector<16xi32>
          %ge3A_113 = arith.cmpi sge, %sub3A_111, %ge3A_112 : vector<16xi32>
          %lt3A = arith.constant 25088 : i32
          %lt3A_114 = vector.broadcast %lt3A : i32 to vector<16xi32>
          %lt3A_115 = arith.cmpi slt, %sub3A_111, %lt3A_114 : vector<16xi32>
          %and3A = arith.andi %ge3A_113, %lt3A_115 : vector<16xi1>
          %select_n3A = arith.select %and3A, %sub3A_111, %add3A_9 : vector<16xi1>, vector<16xi32>
          %mul3A_116 = arith.constant 16 : i32
          %mul3A_117 = arith.muli %scan3A_104, %mul3A_116 : i32
          %swap3A = arith.constant 1 : i32
          %swap3A_118 = arith.index_cast %swap3A : i32 to index
          %swap3A_119 = arith.index_cast %mul3A_117 : i32 to index
          %swap3A_120 = tpu.vector_load %arg9[%swap3A_118, %swap3A_119] {strides = array<i32>} : memref<2x128xi32, #tpu.memory_space<vmem>>, vector<16xi32>,
          tpu.vector_store %arg9[%swap3A_118, %swap3A_119], %select_n3A {strides = array<i32>} : memref<2x128xi32, #tpu.memory_space<vmem>>, vector<16xi32>,
        }
        %scan3A_67 = arith.constant 8 : i32
        %dma_wait3A_68 = tpu.memref_slice %arg7[%mul3A_45] : memref<6400xi32, #tpu.memory_space<vmem>> -> memref<128xi32, #tpu.memory_space<vmem>>
        %dma_wait3A_69 = arith.constant 0 : i32
        %dma_wait3A_70 = arith.constant 0 : i32
        %dma_wait3A_71 = tpu.memref_slice %arg4[%dma_wait3A_69, %dma_wait3A_70] : memref<50176x64xf32, #tpu.memory_space<hbm>> -> memref<50176x64xf32, #tpu.memory_space<hbm>>
        tpu.wait_indirect_dma semaphore(%arg14 : memref<!tpu.dma_semaphore, #tpu.memory_space<semaphore_mem>>) src(%dma_wait3A_71 : memref<50176x64xf32, #tpu.memory_space<hbm>>) dst(%arg10 : memref<128x64xf32, #tpu.memory_space<vmem>>)
        %dma_start3A_72 = arith.constant 0 : i32
        %dma_start3A_73 = arith.constant 0 : i32
        %dma_start3A_74 = tpu.memref_slice %arg9[%dma_start3A_72, %dma_start3A_73] : memref<2x128xi32, #tpu.memory_space<vmem>> -> memref<1x128xi32, #tpu.memory_space<vmem>>
        %dma_start3A_75 = tpu.memref_squeeze %dma_start3A_74 : memref<1x128xi32, #tpu.memory_space<vmem>> -> memref<128xi32, #tpu.memory_space<vmem>>
        %dma_start3A_76 = arith.constant 0 : i32
        %dma_start3A_77 = arith.constant 0 : i32
        %dma_start3A_78 = tpu.memref_slice %arg12[%dma_start3A_76, %dma_start3A_77] : memref<25344x64xf32, #tpu.memory_space<vmem_shared>> -> memref<25344x64xf32, #tpu.memory_space<vmem_shared>>
        tpu.enqueue_indirect_dma source(%arg10 : memref<128x64xf32, #tpu.memory_space<vmem>>) target(%dma_start3A_78 : memref<25344x64xf32, #tpu.memory_space<vmem_shared>>) offsets(%dma_start3A_75 : memref<128xi32, #tpu.memory_space<vmem>>) semaphore(%arg16 : memref<!tpu.dma_semaphore, #tpu.memory_space<semaphore_mem>>) {add = true}
        %dma_wait3A_79 = tpu.memref_slice %arg7[%mul3A_51] : memref<6400xi32, #tpu.memory_space<vmem>> -> memref<128xi32, #tpu.memory_space<vmem>>
        %dma_wait3A_80 = arith.constant 0 : i32
        %dma_wait3A_81 = arith.constant 0 : i32
        %dma_wait3A_82 = tpu.memref_slice %arg4[%dma_wait3A_80, %dma_wait3A_81] : memref<50176x64xf32, #tpu.memory_space<hbm>> -> memref<50176x64xf32, #tpu.memory_space<hbm>>
        tpu.wait_indirect_dma semaphore(%arg15 : memref<!tpu.dma_semaphore, #tpu.memory_space<semaphore_mem>>) src(%dma_wait3A_82 : memref<50176x64xf32, #tpu.memory_space<hbm>>) dst(%arg11 : memref<128x64xf32, #tpu.memory_space<vmem>>)
        %dma_start3A_83 = arith.constant 1 : i32
        %dma_start3A_84 = arith.constant 0 : i32
        %dma_start3A_85 = tpu.memref_slice %arg9[%dma_start3A_83, %dma_start3A_84] : memref<2x128xi32, #tpu.memory_space<vmem>> -> memref<1x128xi32, #tpu.memory_space<vmem>>
        %dma_start3A_86 = tpu.memref_squeeze %dma_start3A_85 : memref<1x128xi32, #tpu.memory_space<vmem>> -> memref<128xi32, #tpu.memory_space<vmem>>
        %dma_start3A_87 = arith.constant 0 : i32
        %dma_start3A_88 = arith.constant 0 : i32
        %dma_start3A_89 = tpu.memref_slice %arg12[%dma_start3A_87, %dma_start3A_88] : memref<25344x64xf32, #tpu.memory_space<vmem_shared>> -> memref<25344x64xf32, #tpu.memory_space<vmem_shared>>
        tpu.enqueue_indirect_dma source(%arg11 : memref<128x64xf32, #tpu.memory_space<vmem>>) target(%dma_start3A_89 : memref<25344x64xf32, #tpu.memory_space<vmem_shared>>) offsets(%dma_start3A_86 : memref<128xi32, #tpu.memory_space<vmem>>) semaphore(%arg17 : memref<!tpu.dma_semaphore, #tpu.memory_space<semaphore_mem>>) {add = true}
        %dma_wait3A_90 = arith.constant 0 : i32
        %dma_wait3A_91 = arith.constant 0 : i32
        %dma_wait3A_92 = tpu.memref_slice %arg9[%dma_wait3A_90, %dma_wait3A_91] : memref<2x128xi32, #tpu.memory_space<vmem>> -> memref<1x128xi32, #tpu.memory_space<vmem>>
        %dma_wait3A_93 = tpu.memref_squeeze %dma_wait3A_92 : memref<1x128xi32, #tpu.memory_space<vmem>> -> memref<128xi32, #tpu.memory_space<vmem>>
        %dma_wait3A_94 = arith.constant 0 : i32
        %dma_wait3A_95 = arith.constant 0 : i32
        %dma_wait3A_96 = tpu.memref_slice %arg12[%dma_wait3A_94, %dma_wait3A_95] : memref<25344x64xf32, #tpu.memory_space<vmem_shared>> -> memref<25344x64xf32, #tpu.memory_space<vmem_shared>>
        tpu.wait_indirect_dma semaphore(%arg16 : memref<!tpu.dma_semaphore, #tpu.memory_space<semaphore_mem>>) src(%arg10 : memref<128x64xf32, #tpu.memory_space<vmem>>) dst(%dma_wait3A_96 : memref<25344x64xf32, #tpu.memory_space<vmem_shared>>)
        %dma_wait3A_97 = arith.constant 1 : i32
        %dma_wait3A_98 = arith.constant 0 : i32
        %dma_wait3A_99 = tpu.memref_slice %arg9[%dma_wait3A_97, %dma_wait3A_98] : memref<2x128xi32, #tpu.memory_space<vmem>> -> memref<1x128xi32, #tpu.memory_space<vmem>>
        %dma_wait3A_100 = tpu.memref_squeeze %dma_wait3A_99 : memref<1x128xi32, #tpu.memory_space<vmem>> -> memref<128xi32, #tpu.memory_space<vmem>>
        %dma_wait3A_101 = arith.constant 0 : i32
        %dma_wait3A_102 = arith.constant 0 : i32
        %dma_wait3A_103 = tpu.memref_slice %arg12[%dma_wait3A_101, %dma_wait3A_102] : memref<25344x64xf32, #tpu.memory_space<vmem_shared>> -> memref<25344x64xf32, #tpu.memory_space<vmem_shared>>
        tpu.wait_indirect_dma semaphore(%arg17 : memref<!tpu.dma_semaphore, #tpu.memory_space<semaphore_mem>>) src(%arg11 : memref<128x64xf32, #tpu.memory_space<vmem>>) dst(%dma_wait3A_103 : memref<25344x64xf32, #tpu.memory_space<vmem_shared>>)
      }
      %scan3A_38 = arith.constant 25 : i32
    }
    %scan3A_16 = arith.constant 8 : i32
    %barrier3A_17 = arith.constant 0 : index
    tpu.barrier barrier_id(%barrier3A_17)
    %mul3A_18 = arith.constant 1568 : i32
    %mul3A_19 = arith.muli %arg1, %mul3A_18 : i32
    %mul3A_20 = arith.constant 1568 : i32
    %mul3A_21 = arith.muli %arg1, %mul3A_20 : i32
    %add3A_22 = arith.addi %mul3A_0, %mul3A_21 : i32
    "tpu.region"() ({
      %run_scoped3A = tpu.sem_alloc : memref<!tpu.dma_semaphore, #tpu.memory_space<semaphore_mem>>
      %dma_start3A = arith.constant 0 : i32
      %dma_start3A_23 = tpu.memref_slice %arg6[%add3A_22, %dma_start3A] : memref<50176x64xf32, #tpu.memory_space<hbm>> -> memref<1568x64xf32, #tpu.memory_space<hbm>>
      %dma_start3A_24 = arith.constant 0 : i32
      %dma_start3A_25 = tpu.memref_slice %arg12[%mul3A_19, %dma_start3A_24] : memref<25344x64xf32, #tpu.memory_space<vmem_shared>> -> memref<1568x64xf32, #tpu.memory_space<vmem_shared>>
      tpu.enqueue_dma source(%dma_start3A_25 : memref<1568x64xf32, #tpu.memory_space<vmem_shared>>) target(%dma_start3A_23 : memref<1568x64xf32, #tpu.memory_space<hbm>>) target_semaphore(%run_scoped3A : memref<!tpu.dma_semaphore, #tpu.memory_space<semaphore_mem>>)
      %dma_wait3A = arith.constant 0 : i32
      %dma_wait3A_26 = tpu.memref_slice %arg6[%add3A_22, %dma_wait3A] : memref<50176x64xf32, #tpu.memory_space<hbm>> -> memref<1568x64xf32, #tpu.memory_space<hbm>>
      %dma_wait3A_27 = arith.constant 0 : i32
      %dma_wait3A_28 = tpu.memref_slice %arg12[%mul3A_19, %dma_wait3A_27] : memref<25344x64xf32, #tpu.memory_space<vmem_shared>> -> memref<1568x64xf32, #tpu.memory_space<vmem_shared>>
      tpu.wait_dma2 semaphore(%run_scoped3A : memref<!tpu.dma_semaphore, #tpu.memory_space<semaphore_mem>>) src(%dma_wait3A_28 : memref<1568x64xf32, #tpu.memory_space<vmem_shared>>) dst(%dma_wait3A_26 : memref<1568x64xf32, #tpu.memory_space<hbm>>)
      tpu.yield
    }) : () -> ()
    return
  }
}

#map = affine_map<(d0, d1) -> (0)>
#map1 = affine_map<(d0, d1) -> (0, 0)>
module attributes {stable_mosaic.version = 14 : i64} {
  func.func @_sc_deg_body(%arg0: i32, %arg1: i32, %arg2: memref<800000xi32, #tpu.memory_space<hbm>>, %arg3: memref<32x50176xf32, #tpu.memory_space<hbm>>, %arg4: memref<50176xf32, #tpu.memory_space<vmem>>, %arg5: memref<50176xf32, #tpu.memory_space<vmem>>, %arg6: memref<5008xi32, #tpu.memory_space<vmem>>, %arg7: memref<5008xi32, #tpu.memory_space<vmem>>, %arg8: memref<5008xi32, #tpu.memory_space<vmem>>, %arg9: memref<5008xi32, #tpu.memory_space<vmem>>, %arg10: memref<!tpu.dma_semaphore, #tpu.memory_space<semaphore_mem>>, %arg11: memref<!tpu.dma_semaphore, #tpu.memory_space<semaphore_mem>>, %arg12: memref<!tpu.dma_semaphore, #tpu.memory_space<semaphore_mem>>) attributes {dimension_semantics = [#tpu.dimension_semantics<core_parallel>, #tpu.dimension_semantics<subcore_parallel>], iteration_bounds = array<i64: 2, 16>, scalar_prefetch = 0 : i64, scratch_operands = 9 : i64, tpu.core_type = #tpu.core_type<sc_vector_subcore>, window_params = [{transform_indices = #map}, {transform_indices = #map1}]} {
    %mul3A = arith.constant 2 : i32
    %mul3A_0 = arith.muli %arg1, %mul3A : i32
    %add3A = arith.addi %mul3A_0, %arg0 : i32
    %mul3A_1 = arith.constant 25000 : i32
    %mul3A_2 = arith.muli %add3A, %mul3A_1 : i32
    %add3A_3 = arith.constant 0 : i32
    %add3A_4 = arith.addi %mul3A_2, %add3A_3 : i32
    %dma_start3A = arith.constant 0 : i32
    %dma_start3A_5 = tpu.memref_slice %arg6[%dma_start3A] : memref<5008xi32, #tpu.memory_space<vmem>> -> memref<5000xi32, #tpu.memory_space<vmem>>
    %dma_start3A_6 = tpu.memref_slice %arg2[%add3A_4] : memref<800000xi32, #tpu.memory_space<hbm>> -> memref<5000xi32, #tpu.memory_space<hbm>>
    %dma_start3A_7 = arith.constant 0 : i32
    %dma_start3A_8 = tpu.memref_slice %arg6[%dma_start3A_7] : memref<5008xi32, #tpu.memory_space<vmem>> -> memref<5000xi32, #tpu.memory_space<vmem>>
    %dma_start3A_9 = tpu.memref_slice %arg2[%add3A_4] : memref<800000xi32, #tpu.memory_space<hbm>> -> memref<5000xi32, #tpu.memory_space<hbm>>
    tpu.enqueue_dma source(%dma_start3A_9 : memref<5000xi32, #tpu.memory_space<hbm>>) target(%dma_start3A_8 : memref<5000xi32, #tpu.memory_space<vmem>>) target_semaphore(%arg11 : memref<!tpu.dma_semaphore, #tpu.memory_space<semaphore_mem>>)
    %dma_start3A_10 = arith.constant 0 : i32
    %dma_start3A_11 = tpu.memref_slice %arg7[%dma_start3A_10] : memref<5008xi32, #tpu.memory_space<vmem>> -> memref<5000xi32, #tpu.memory_space<vmem>>
    %dma_start3A_12 = tpu.memref_slice %arg2[%add3A_4] : memref<800000xi32, #tpu.memory_space<hbm>> -> memref<5000xi32, #tpu.memory_space<hbm>>
    %dma_start3A_13 = arith.constant 0 : i32
    %dma_start3A_14 = tpu.memref_slice %arg7[%dma_start3A_13] : memref<5008xi32, #tpu.memory_space<vmem>> -> memref<5000xi32, #tpu.memory_space<vmem>>
    %dma_start3A_15 = tpu.memref_slice %arg2[%add3A_4] : memref<800000xi32, #tpu.memory_space<hbm>> -> memref<5000xi32, #tpu.memory_space<hbm>>
    tpu.enqueue_dma source(%dma_start3A_15 : memref<5000xi32, #tpu.memory_space<hbm>>) target(%dma_start3A_14 : memref<5000xi32, #tpu.memory_space<vmem>>) target_semaphore(%arg11 : memref<!tpu.dma_semaphore, #tpu.memory_space<semaphore_mem>>)
    %broadcast_in_dim3A = arith.constant 0.000000e+00 : f32
    %broadcast_in_dim3A_16 = vector.broadcast %broadcast_in_dim3A : f32 to vector<16xf32>
    %broadcast_in_dim3A_17 = arith.constant 0 : i32
    %broadcast_in_dim3A_18 = vector.broadcast %broadcast_in_dim3A_17 : i32 to vector<16xi32>
    %swap3A = arith.constant 4992 : index
    %swap3A_19 = tpu.vector_load %arg6[%swap3A] {strides = array<i32>} : memref<5008xi32, #tpu.memory_space<vmem>>, vector<16xi32>,
    tpu.vector_store %arg6[%swap3A], %broadcast_in_dim3A_18 {strides = array<i32>} : memref<5008xi32, #tpu.memory_space<vmem>>, vector<16xi32>,
    %swap3A_20 = arith.constant 4992 : index
    %swap3A_21 = tpu.vector_load %arg7[%swap3A_20] {strides = array<i32>} : memref<5008xi32, #tpu.memory_space<vmem>>, vector<16xi32>,
    tpu.vector_store %arg7[%swap3A_20], %broadcast_in_dim3A_18 {strides = array<i32>} : memref<5008xi32, #tpu.memory_space<vmem>>, vector<16xi32>,
    %swap3A_22 = arith.constant 4992 : index
    %swap3A_23 = tpu.vector_load %arg8[%swap3A_22] {strides = array<i32>} : memref<5008xi32, #tpu.memory_space<vmem>>, vector<16xi32>,
    tpu.vector_store %arg8[%swap3A_22], %broadcast_in_dim3A_18 {strides = array<i32>} : memref<5008xi32, #tpu.memory_space<vmem>>, vector<16xi32>,
    %swap3A_24 = arith.constant 4992 : index
    %swap3A_25 = tpu.vector_load %arg9[%swap3A_24] {strides = array<i32>} : memref<5008xi32, #tpu.memory_space<vmem>>, vector<16xi32>,
    tpu.vector_store %arg9[%swap3A_24], %broadcast_in_dim3A_18 {strides = array<i32>} : memref<5008xi32, #tpu.memory_space<vmem>>, vector<16xi32>,
    %scan3A = arith.constant 0 : i32
    %scan3A_26 = arith.constant 0 : i32
    %scan3A_27 = arith.constant 392 : i32
    %scan3A_28 = arith.addi %scan3A_26, %scan3A_27 : i32
    %scan3A_29 = arith.constant 1 : i32
    scf.for %scan3A_189 = %scan3A_26 to %scan3A_28 step %scan3A_29  : i32 {
      %mul3A_190 = arith.constant 128 : i32
      %mul3A_191 = arith.muli %scan3A_189, %mul3A_190 : i32
      %add3A_192 = arith.constant 0 : i32
      %add3A_193 = arith.addi %mul3A_191, %add3A_192 : i32
      %swap3A_194 = arith.index_cast %add3A_193 : i32 to index
      %swap3A_195 = tpu.vector_load %arg5[%swap3A_194] {strides = array<i32>} : memref<50176xf32, #tpu.memory_space<vmem>>, vector<16xf32>,
      tpu.vector_store %arg5[%swap3A_194], %broadcast_in_dim3A_16 {strides = array<i32>} : memref<50176xf32, #tpu.memory_space<vmem>>, vector<16xf32>,
      %mul3A_196 = arith.constant 128 : i32
      %mul3A_197 = arith.muli %scan3A_189, %mul3A_196 : i32
      %add3A_198 = arith.constant 16 : i32
      %add3A_199 = arith.addi %mul3A_197, %add3A_198 : i32
      %swap3A_200 = arith.index_cast %add3A_199 : i32 to index
      %swap3A_201 = tpu.vector_load %arg5[%swap3A_200] {strides = array<i32>} : memref<50176xf32, #tpu.memory_space<vmem>>, vector<16xf32>,
      tpu.vector_store %arg5[%swap3A_200], %broadcast_in_dim3A_16 {strides = array<i32>} : memref<50176xf32, #tpu.memory_space<vmem>>, vector<16xf32>,
      %mul3A_202 = arith.constant 128 : i32
      %mul3A_203 = arith.muli %scan3A_189, %mul3A_202 : i32
      %add3A_204 = arith.constant 32 : i32
      %add3A_205 = arith.addi %mul3A_203, %add3A_204 : i32
      %swap3A_206 = arith.index_cast %add3A_205 : i32 to index
      %swap3A_207 = tpu.vector_load %arg5[%swap3A_206] {strides = array<i32>} : memref<50176xf32, #tpu.memory_space<vmem>>, vector<16xf32>,
      tpu.vector_store %arg5[%swap3A_206], %broadcast_in_dim3A_16 {strides = array<i32>} : memref<50176xf32, #tpu.memory_space<vmem>>, vector<16xf32>,
      %mul3A_208 = arith.constant 128 : i32
      %mul3A_209 = arith.muli %scan3A_189, %mul3A_208 : i32
      %add3A_210 = arith.constant 48 : i32
      %add3A_211 = arith.addi %mul3A_209, %add3A_210 : i32
      %swap3A_212 = arith.index_cast %add3A_211 : i32 to index
      %swap3A_213 = tpu.vector_load %arg5[%swap3A_212] {strides = array<i32>} : memref<50176xf32, #tpu.memory_space<vmem>>, vector<16xf32>,
      tpu.vector_store %arg5[%swap3A_212], %broadcast_in_dim3A_16 {strides = array<i32>} : memref<50176xf32, #tpu.memory_space<vmem>>, vector<16xf32>,
      %mul3A_214 = arith.constant 128 : i32
      %mul3A_215 = arith.muli %scan3A_189, %mul3A_214 : i32
      %add3A_216 = arith.constant 64 : i32
      %add3A_217 = arith.addi %mul3A_215, %add3A_216 : i32
      %swap3A_218 = arith.index_cast %add3A_217 : i32 to index
      %swap3A_219 = tpu.vector_load %arg5[%swap3A_218] {strides = array<i32>} : memref<50176xf32, #tpu.memory_space<vmem>>, vector<16xf32>,
      tpu.vector_store %arg5[%swap3A_218], %broadcast_in_dim3A_16 {strides = array<i32>} : memref<50176xf32, #tpu.memory_space<vmem>>, vector<16xf32>,
      %mul3A_220 = arith.constant 128 : i32
      %mul3A_221 = arith.muli %scan3A_189, %mul3A_220 : i32
      %add3A_222 = arith.constant 80 : i32
      %add3A_223 = arith.addi %mul3A_221, %add3A_222 : i32
      %swap3A_224 = arith.index_cast %add3A_223 : i32 to index
      %swap3A_225 = tpu.vector_load %arg5[%swap3A_224] {strides = array<i32>} : memref<50176xf32, #tpu.memory_space<vmem>>, vector<16xf32>,
      tpu.vector_store %arg5[%swap3A_224], %broadcast_in_dim3A_16 {strides = array<i32>} : memref<50176xf32, #tpu.memory_space<vmem>>, vector<16xf32>,
      %mul3A_226 = arith.constant 128 : i32
      %mul3A_227 = arith.muli %scan3A_189, %mul3A_226 : i32
      %add3A_228 = arith.constant 96 : i32
      %add3A_229 = arith.addi %mul3A_227, %add3A_228 : i32
      %swap3A_230 = arith.index_cast %add3A_229 : i32 to index
      %swap3A_231 = tpu.vector_load %arg5[%swap3A_230] {strides = array<i32>} : memref<50176xf32, #tpu.memory_space<vmem>>, vector<16xf32>,
      tpu.vector_store %arg5[%swap3A_230], %broadcast_in_dim3A_16 {strides = array<i32>} : memref<50176xf32, #tpu.memory_space<vmem>>, vector<16xf32>,
      %mul3A_232 = arith.constant 128 : i32
      %mul3A_233 = arith.muli %scan3A_189, %mul3A_232 : i32
      %add3A_234 = arith.constant 112 : i32
      %add3A_235 = arith.addi %mul3A_233, %add3A_234 : i32
      %swap3A_236 = arith.index_cast %add3A_235 : i32 to index
      %swap3A_237 = tpu.vector_load %arg5[%swap3A_236] {strides = array<i32>} : memref<50176xf32, #tpu.memory_space<vmem>>, vector<16xf32>,
      tpu.vector_store %arg5[%swap3A_236], %broadcast_in_dim3A_16 {strides = array<i32>} : memref<50176xf32, #tpu.memory_space<vmem>>, vector<16xf32>,
    }
    %scan3A_30 = arith.constant 392 : i32
    %broadcast_in_dim3A_31 = arith.constant 1.000000e+00 : f32
    %broadcast_in_dim3A_32 = vector.broadcast %broadcast_in_dim3A_31 : f32 to vector<16xf32>
    %iota3A = tpu.iota {dimensions = array<i32: 0>} : vector<16xi32>
    %lt3A = arith.constant 8 : i32
    %lt3A_33 = vector.broadcast %lt3A : i32 to vector<16xi32>
    %lt3A_34 = arith.cmpi slt, %iota3A, %lt3A_33 : vector<16xi32>
    %dma_wait3A = arith.constant 0 : i32
    %dma_wait3A_35 = tpu.memref_slice %arg6[%dma_wait3A] : memref<5008xi32, #tpu.memory_space<vmem>> -> memref<5000xi32, #tpu.memory_space<vmem>>
    %dma_wait3A_36 = tpu.memref_slice %arg2[%add3A_4] : memref<800000xi32, #tpu.memory_space<hbm>> -> memref<5000xi32, #tpu.memory_space<hbm>>
    %dma_wait3A_37 = arith.constant 0 : i32
    %dma_wait3A_38 = tpu.memref_slice %arg6[%dma_wait3A_37] : memref<5008xi32, #tpu.memory_space<vmem>> -> memref<5000xi32, #tpu.memory_space<vmem>>
    %dma_wait3A_39 = tpu.memref_slice %arg2[%add3A_4] : memref<800000xi32, #tpu.memory_space<hbm>> -> memref<5000xi32, #tpu.memory_space<hbm>>
    tpu.wait_dma2 semaphore(%arg11 : memref<!tpu.dma_semaphore, #tpu.memory_space<semaphore_mem>>) src(%dma_wait3A_39 : memref<5000xi32, #tpu.memory_space<hbm>>) dst(%dma_wait3A_38 : memref<5000xi32, #tpu.memory_space<vmem>>)
    %dma_wait3A_40 = arith.constant 0 : i32
    %dma_wait3A_41 = tpu.memref_slice %arg7[%dma_wait3A_40] : memref<5008xi32, #tpu.memory_space<vmem>> -> memref<5000xi32, #tpu.memory_space<vmem>>
    %dma_wait3A_42 = tpu.memref_slice %arg2[%add3A_4] : memref<800000xi32, #tpu.memory_space<hbm>> -> memref<5000xi32, #tpu.memory_space<hbm>>
    %dma_wait3A_43 = arith.constant 0 : i32
    %dma_wait3A_44 = tpu.memref_slice %arg7[%dma_wait3A_43] : memref<5008xi32, #tpu.memory_space<vmem>> -> memref<5000xi32, #tpu.memory_space<vmem>>
    %dma_wait3A_45 = tpu.memref_slice %arg2[%add3A_4] : memref<800000xi32, #tpu.memory_space<hbm>> -> memref<5000xi32, #tpu.memory_space<hbm>>
    tpu.wait_dma2 semaphore(%arg11 : memref<!tpu.dma_semaphore, #tpu.memory_space<semaphore_mem>>) src(%dma_wait3A_45 : memref<5000xi32, #tpu.memory_space<hbm>>) dst(%dma_wait3A_44 : memref<5000xi32, #tpu.memory_space<vmem>>)
    %add3A_46 = arith.constant 5000 : i32
    %add3A_47 = arith.addi %mul3A_2, %add3A_46 : i32
    %dma_start3A_48 = arith.constant 0 : i32
    %dma_start3A_49 = tpu.memref_slice %arg8[%dma_start3A_48] : memref<5008xi32, #tpu.memory_space<vmem>> -> memref<5000xi32, #tpu.memory_space<vmem>>
    %dma_start3A_50 = tpu.memref_slice %arg2[%add3A_47] : memref<800000xi32, #tpu.memory_space<hbm>> -> memref<5000xi32, #tpu.memory_space<hbm>>
    %dma_start3A_51 = arith.constant 0 : i32
    %dma_start3A_52 = tpu.memref_slice %arg8[%dma_start3A_51] : memref<5008xi32, #tpu.memory_space<vmem>> -> memref<5000xi32, #tpu.memory_space<vmem>>
    %dma_start3A_53 = tpu.memref_slice %arg2[%add3A_47] : memref<800000xi32, #tpu.memory_space<hbm>> -> memref<5000xi32, #tpu.memory_space<hbm>>
    tpu.enqueue_dma source(%dma_start3A_53 : memref<5000xi32, #tpu.memory_space<hbm>>) target(%dma_start3A_52 : memref<5000xi32, #tpu.memory_space<vmem>>) target_semaphore(%arg12 : memref<!tpu.dma_semaphore, #tpu.memory_space<semaphore_mem>>)
    %dma_start3A_54 = arith.constant 0 : i32
    %dma_start3A_55 = tpu.memref_slice %arg9[%dma_start3A_54] : memref<5008xi32, #tpu.memory_space<vmem>> -> memref<5000xi32, #tpu.memory_space<vmem>>
    %dma_start3A_56 = tpu.memref_slice %arg2[%add3A_47] : memref<800000xi32, #tpu.memory_space<hbm>> -> memref<5000xi32, #tpu.memory_space<hbm>>
    %dma_start3A_57 = arith.constant 0 : i32
    %dma_start3A_58 = tpu.memref_slice %arg9[%dma_start3A_57] : memref<5008xi32, #tpu.memory_space<vmem>> -> memref<5000xi32, #tpu.memory_space<vmem>>
    %dma_start3A_59 = tpu.memref_slice %arg2[%add3A_47] : memref<800000xi32, #tpu.memory_space<hbm>> -> memref<5000xi32, #tpu.memory_space<hbm>>
    tpu.enqueue_dma source(%dma_start3A_59 : memref<5000xi32, #tpu.memory_space<hbm>>) target(%dma_start3A_58 : memref<5000xi32, #tpu.memory_space<vmem>>) target_semaphore(%arg12 : memref<!tpu.dma_semaphore, #tpu.memory_space<semaphore_mem>>)
    %scan3A_60 = arith.constant 0 : i32
    %scan3A_61 = arith.constant 0 : i32
    %scan3A_62 = arith.constant 78 : i32
    %scan3A_63 = arith.addi %scan3A_61, %scan3A_62 : i32
    %scan3A_64 = arith.constant 1 : i32
    scf.for %scan3A_189 = %scan3A_61 to %scan3A_63 step %scan3A_64  : i32 {
      %mul3A_190 = arith.constant 64 : i32
      %mul3A_191 = arith.muli %scan3A_189, %mul3A_190 : i32
      %add3A_192 = arith.constant 0 : i32
      %add3A_193 = arith.addi %mul3A_191, %add3A_192 : i32
      %get3A_194 = arith.index_cast %add3A_193 : i32 to index
      %get3A_195 = tpu.vector_load %arg6[%get3A_194] {strides = array<i32>} : memref<5008xi32, #tpu.memory_space<vmem>>, vector<16xi32>,
      tpu.vector_store_idx %arg5[%get3A_195], %broadcast_in_dim3A_32 {add = true} : memref<50176xf32, #tpu.memory_space<vmem>>[vector<16xi32>], vector<16xf32>,
      %mul3A_196 = arith.constant 64 : i32
      %mul3A_197 = arith.muli %scan3A_189, %mul3A_196 : i32
      %add3A_198 = arith.constant 16 : i32
      %add3A_199 = arith.addi %mul3A_197, %add3A_198 : i32
      %get3A_200 = arith.index_cast %add3A_199 : i32 to index
      %get3A_201 = tpu.vector_load %arg6[%get3A_200] {strides = array<i32>} : memref<5008xi32, #tpu.memory_space<vmem>>, vector<16xi32>,
      tpu.vector_store_idx %arg5[%get3A_201], %broadcast_in_dim3A_32 {add = true} : memref<50176xf32, #tpu.memory_space<vmem>>[vector<16xi32>], vector<16xf32>,
      %mul3A_202 = arith.constant 64 : i32
      %mul3A_203 = arith.muli %scan3A_189, %mul3A_202 : i32
      %add3A_204 = arith.constant 32 : i32
      %add3A_205 = arith.addi %mul3A_203, %add3A_204 : i32
      %get3A_206 = arith.index_cast %add3A_205 : i32 to index
      %get3A_207 = tpu.vector_load %arg6[%get3A_206] {strides = array<i32>} : memref<5008xi32, #tpu.memory_space<vmem>>, vector<16xi32>,
      tpu.vector_store_idx %arg5[%get3A_207], %broadcast_in_dim3A_32 {add = true} : memref<50176xf32, #tpu.memory_space<vmem>>[vector<16xi32>], vector<16xf32>,
      %mul3A_208 = arith.constant 64 : i32
      %mul3A_209 = arith.muli %scan3A_189, %mul3A_208 : i32
      %add3A_210 = arith.constant 48 : i32
      %add3A_211 = arith.addi %mul3A_209, %add3A_210 : i32
      %get3A_212 = arith.index_cast %add3A_211 : i32 to index
      %get3A_213 = tpu.vector_load %arg6[%get3A_212] {strides = array<i32>} : memref<5008xi32, #tpu.memory_space<vmem>>, vector<16xi32>,
      tpu.vector_store_idx %arg5[%get3A_213], %broadcast_in_dim3A_32 {add = true} : memref<50176xf32, #tpu.memory_space<vmem>>[vector<16xi32>], vector<16xf32>,
    }
    %scan3A_65 = arith.constant 78 : i32
    %get3A = arith.constant 4992 : index
    %get3A_66 = tpu.vector_load %arg6[%get3A] {strides = array<i32>} : memref<5008xi32, #tpu.memory_space<vmem>>, vector<16xi32>,
    tpu.vector_store_idx %arg5[%get3A_66], %broadcast_in_dim3A_32 masked %lt3A_34 {add = true} : memref<50176xf32, #tpu.memory_space<vmem>>[vector<16xi32>], vector<16xf32>, vector<16xi1>
    %dma_wait3A_67 = arith.constant 0 : i32
    %dma_wait3A_68 = tpu.memref_slice %arg8[%dma_wait3A_67] : memref<5008xi32, #tpu.memory_space<vmem>> -> memref<5000xi32, #tpu.memory_space<vmem>>
    %dma_wait3A_69 = tpu.memref_slice %arg2[%add3A_47] : memref<800000xi32, #tpu.memory_space<hbm>> -> memref<5000xi32, #tpu.memory_space<hbm>>
    %dma_wait3A_70 = arith.constant 0 : i32
    %dma_wait3A_71 = tpu.memref_slice %arg8[%dma_wait3A_70] : memref<5008xi32, #tpu.memory_space<vmem>> -> memref<5000xi32, #tpu.memory_space<vmem>>
    %dma_wait3A_72 = tpu.memref_slice %arg2[%add3A_47] : memref<800000xi32, #tpu.memory_space<hbm>> -> memref<5000xi32, #tpu.memory_space<hbm>>
    tpu.wait_dma2 semaphore(%arg12 : memref<!tpu.dma_semaphore, #tpu.memory_space<semaphore_mem>>) src(%dma_wait3A_72 : memref<5000xi32, #tpu.memory_space<hbm>>) dst(%dma_wait3A_71 : memref<5000xi32, #tpu.memory_space<vmem>>)
    %dma_wait3A_73 = arith.constant 0 : i32
    %dma_wait3A_74 = tpu.memref_slice %arg9[%dma_wait3A_73] : memref<5008xi32, #tpu.memory_space<vmem>> -> memref<5000xi32, #tpu.memory_space<vmem>>
    %dma_wait3A_75 = tpu.memref_slice %arg2[%add3A_47] : memref<800000xi32, #tpu.memory_space<hbm>> -> memref<5000xi32, #tpu.memory_space<hbm>>
    %dma_wait3A_76 = arith.constant 0 : i32
    %dma_wait3A_77 = tpu.memref_slice %arg9[%dma_wait3A_76] : memref<5008xi32, #tpu.memory_space<vmem>> -> memref<5000xi32, #tpu.memory_space<vmem>>
    %dma_wait3A_78 = tpu.memref_slice %arg2[%add3A_47] : memref<800000xi32, #tpu.memory_space<hbm>> -> memref<5000xi32, #tpu.memory_space<hbm>>
    tpu.wait_dma2 semaphore(%arg12 : memref<!tpu.dma_semaphore, #tpu.memory_space<semaphore_mem>>) src(%dma_wait3A_78 : memref<5000xi32, #tpu.memory_space<hbm>>) dst(%dma_wait3A_77 : memref<5000xi32, #tpu.memory_space<vmem>>)
    %add3A_79 = arith.constant 10000 : i32
    %add3A_80 = arith.addi %mul3A_2, %add3A_79 : i32
    %dma_start3A_81 = arith.constant 0 : i32
    %dma_start3A_82 = tpu.memref_slice %arg6[%dma_start3A_81] : memref<5008xi32, #tpu.memory_space<vmem>> -> memref<5000xi32, #tpu.memory_space<vmem>>
    %dma_start3A_83 = tpu.memref_slice %arg2[%add3A_80] : memref<800000xi32, #tpu.memory_space<hbm>> -> memref<5000xi32, #tpu.memory_space<hbm>>
    %dma_start3A_84 = arith.constant 0 : i32
    %dma_start3A_85 = tpu.memref_slice %arg6[%dma_start3A_84] : memref<5008xi32, #tpu.memory_space<vmem>> -> memref<5000xi32, #tpu.memory_space<vmem>>
    %dma_start3A_86 = tpu.memref_slice %arg2[%add3A_80] : memref<800000xi32, #tpu.memory_space<hbm>> -> memref<5000xi32, #tpu.memory_space<hbm>>
    tpu.enqueue_dma source(%dma_start3A_86 : memref<5000xi32, #tpu.memory_space<hbm>>) target(%dma_start3A_85 : memref<5000xi32, #tpu.memory_space<vmem>>) target_semaphore(%arg11 : memref<!tpu.dma_semaphore, #tpu.memory_space<semaphore_mem>>)
    %dma_start3A_87 = arith.constant 0 : i32
    %dma_start3A_88 = tpu.memref_slice %arg7[%dma_start3A_87] : memref<5008xi32, #tpu.memory_space<vmem>> -> memref<5000xi32, #tpu.memory_space<vmem>>
    %dma_start3A_89 = tpu.memref_slice %arg2[%add3A_80] : memref<800000xi32, #tpu.memory_space<hbm>> -> memref<5000xi32, #tpu.memory_space<hbm>>
    %dma_start3A_90 = arith.constant 0 : i32
    %dma_start3A_91 = tpu.memref_slice %arg7[%dma_start3A_90] : memref<5008xi32, #tpu.memory_space<vmem>> -> memref<5000xi32, #tpu.memory_space<vmem>>
    %dma_start3A_92 = tpu.memref_slice %arg2[%add3A_80] : memref<800000xi32, #tpu.memory_space<hbm>> -> memref<5000xi32, #tpu.memory_space<hbm>>
    tpu.enqueue_dma source(%dma_start3A_92 : memref<5000xi32, #tpu.memory_space<hbm>>) target(%dma_start3A_91 : memref<5000xi32, #tpu.memory_space<vmem>>) target_semaphore(%arg11 : memref<!tpu.dma_semaphore, #tpu.memory_space<semaphore_mem>>)
    %scan3A_93 = arith.constant 0 : i32
    %scan3A_94 = arith.constant 0 : i32
    %scan3A_95 = arith.constant 78 : i32
    %scan3A_96 = arith.addi %scan3A_94, %scan3A_95 : i32
    %scan3A_97 = arith.constant 1 : i32
    scf.for %scan3A_189 = %scan3A_94 to %scan3A_96 step %scan3A_97  : i32 {
      %mul3A_190 = arith.constant 64 : i32
      %mul3A_191 = arith.muli %scan3A_189, %mul3A_190 : i32
      %add3A_192 = arith.constant 0 : i32
      %add3A_193 = arith.addi %mul3A_191, %add3A_192 : i32
      %get3A_194 = arith.index_cast %add3A_193 : i32 to index
      %get3A_195 = tpu.vector_load %arg8[%get3A_194] {strides = array<i32>} : memref<5008xi32, #tpu.memory_space<vmem>>, vector<16xi32>,
      tpu.vector_store_idx %arg5[%get3A_195], %broadcast_in_dim3A_32 {add = true} : memref<50176xf32, #tpu.memory_space<vmem>>[vector<16xi32>], vector<16xf32>,
      %mul3A_196 = arith.constant 64 : i32
      %mul3A_197 = arith.muli %scan3A_189, %mul3A_196 : i32
      %add3A_198 = arith.constant 16 : i32
      %add3A_199 = arith.addi %mul3A_197, %add3A_198 : i32
      %get3A_200 = arith.index_cast %add3A_199 : i32 to index
      %get3A_201 = tpu.vector_load %arg8[%get3A_200] {strides = array<i32>} : memref<5008xi32, #tpu.memory_space<vmem>>, vector<16xi32>,
      tpu.vector_store_idx %arg5[%get3A_201], %broadcast_in_dim3A_32 {add = true} : memref<50176xf32, #tpu.memory_space<vmem>>[vector<16xi32>], vector<16xf32>,
      %mul3A_202 = arith.constant 64 : i32
      %mul3A_203 = arith.muli %scan3A_189, %mul3A_202 : i32
      %add3A_204 = arith.constant 32 : i32
      %add3A_205 = arith.addi %mul3A_203, %add3A_204 : i32
      %get3A_206 = arith.index_cast %add3A_205 : i32 to index
      %get3A_207 = tpu.vector_load %arg8[%get3A_206] {strides = array<i32>} : memref<5008xi32, #tpu.memory_space<vmem>>, vector<16xi32>,
      tpu.vector_store_idx %arg5[%get3A_207], %broadcast_in_dim3A_32 {add = true} : memref<50176xf32, #tpu.memory_space<vmem>>[vector<16xi32>], vector<16xf32>,
      %mul3A_208 = arith.constant 64 : i32
      %mul3A_209 = arith.muli %scan3A_189, %mul3A_208 : i32
      %add3A_210 = arith.constant 48 : i32
      %add3A_211 = arith.addi %mul3A_209, %add3A_210 : i32
      %get3A_212 = arith.index_cast %add3A_211 : i32 to index
      %get3A_213 = tpu.vector_load %arg8[%get3A_212] {strides = array<i32>} : memref<5008xi32, #tpu.memory_space<vmem>>, vector<16xi32>,
      tpu.vector_store_idx %arg5[%get3A_213], %broadcast_in_dim3A_32 {add = true} : memref<50176xf32, #tpu.memory_space<vmem>>[vector<16xi32>], vector<16xf32>,
    }
    %scan3A_98 = arith.constant 78 : i32
    %get3A_99 = arith.constant 4992 : index
    %get3A_100 = tpu.vector_load %arg8[%get3A_99] {strides = array<i32>} : memref<5008xi32, #tpu.memory_space<vmem>>, vector<16xi32>,
    tpu.vector_store_idx %arg5[%get3A_100], %broadcast_in_dim3A_32 masked %lt3A_34 {add = true} : memref<50176xf32, #tpu.memory_space<vmem>>[vector<16xi32>], vector<16xf32>, vector<16xi1>
    %dma_wait3A_101 = arith.constant 0 : i32
    %dma_wait3A_102 = tpu.memref_slice %arg6[%dma_wait3A_101] : memref<5008xi32, #tpu.memory_space<vmem>> -> memref<5000xi32, #tpu.memory_space<vmem>>
    %dma_wait3A_103 = tpu.memref_slice %arg2[%add3A_80] : memref<800000xi32, #tpu.memory_space<hbm>> -> memref<5000xi32, #tpu.memory_space<hbm>>
    %dma_wait3A_104 = arith.constant 0 : i32
    %dma_wait3A_105 = tpu.memref_slice %arg6[%dma_wait3A_104] : memref<5008xi32, #tpu.memory_space<vmem>> -> memref<5000xi32, #tpu.memory_space<vmem>>
    %dma_wait3A_106 = tpu.memref_slice %arg2[%add3A_80] : memref<800000xi32, #tpu.memory_space<hbm>> -> memref<5000xi32, #tpu.memory_space<hbm>>
    tpu.wait_dma2 semaphore(%arg11 : memref<!tpu.dma_semaphore, #tpu.memory_space<semaphore_mem>>) src(%dma_wait3A_106 : memref<5000xi32, #tpu.memory_space<hbm>>) dst(%dma_wait3A_105 : memref<5000xi32, #tpu.memory_space<vmem>>)
    %dma_wait3A_107 = arith.constant 0 : i32
    %dma_wait3A_108 = tpu.memref_slice %arg7[%dma_wait3A_107] : memref<5008xi32, #tpu.memory_space<vmem>> -> memref<5000xi32, #tpu.memory_space<vmem>>
    %dma_wait3A_109 = tpu.memref_slice %arg2[%add3A_80] : memref<800000xi32, #tpu.memory_space<hbm>> -> memref<5000xi32, #tpu.memory_space<hbm>>
    %dma_wait3A_110 = arith.constant 0 : i32
    %dma_wait3A_111 = tpu.memref_slice %arg7[%dma_wait3A_110] : memref<5008xi32, #tpu.memory_space<vmem>> -> memref<5000xi32, #tpu.memory_space<vmem>>
    %dma_wait3A_112 = tpu.memref_slice %arg2[%add3A_80] : memref<800000xi32, #tpu.memory_space<hbm>> -> memref<5000xi32, #tpu.memory_space<hbm>>
    tpu.wait_dma2 semaphore(%arg11 : memref<!tpu.dma_semaphore, #tpu.memory_space<semaphore_mem>>) src(%dma_wait3A_112 : memref<5000xi32, #tpu.memory_space<hbm>>) dst(%dma_wait3A_111 : memref<5000xi32, #tpu.memory_space<vmem>>)
    %add3A_113 = arith.constant 15000 : i32
    %add3A_114 = arith.addi %mul3A_2, %add3A_113 : i32
    %dma_start3A_115 = arith.constant 0 : i32
    %dma_start3A_116 = tpu.memref_slice %arg8[%dma_start3A_115] : memref<5008xi32, #tpu.memory_space<vmem>> -> memref<5000xi32, #tpu.memory_space<vmem>>
    %dma_start3A_117 = tpu.memref_slice %arg2[%add3A_114] : memref<800000xi32, #tpu.memory_space<hbm>> -> memref<5000xi32, #tpu.memory_space<hbm>>
    %dma_start3A_118 = arith.constant 0 : i32
    %dma_start3A_119 = tpu.memref_slice %arg8[%dma_start3A_118] : memref<5008xi32, #tpu.memory_space<vmem>> -> memref<5000xi32, #tpu.memory_space<vmem>>
    %dma_start3A_120 = tpu.memref_slice %arg2[%add3A_114] : memref<800000xi32, #tpu.memory_space<hbm>> -> memref<5000xi32, #tpu.memory_space<hbm>>
    tpu.enqueue_dma source(%dma_start3A_120 : memref<5000xi32, #tpu.memory_space<hbm>>) target(%dma_start3A_119 : memref<5000xi32, #tpu.memory_space<vmem>>) target_semaphore(%arg12 : memref<!tpu.dma_semaphore, #tpu.memory_space<semaphore_mem>>)
    %dma_start3A_121 = arith.constant 0 : i32
    %dma_start3A_122 = tpu.memref_slice %arg9[%dma_start3A_121] : memref<5008xi32, #tpu.memory_space<vmem>> -> memref<5000xi32, #tpu.memory_space<vmem>>
    %dma_start3A_123 = tpu.memref_slice %arg2[%add3A_114] : memref<800000xi32, #tpu.memory_space<hbm>> -> memref<5000xi32, #tpu.memory_space<hbm>>
    %dma_start3A_124 = arith.constant 0 : i32
    %dma_start3A_125 = tpu.memref_slice %arg9[%dma_start3A_124] : memref<5008xi32, #tpu.memory_space<vmem>> -> memref<5000xi32, #tpu.memory_space<vmem>>
    %dma_start3A_126 = tpu.memref_slice %arg2[%add3A_114] : memref<800000xi32, #tpu.memory_space<hbm>> -> memref<5000xi32, #tpu.memory_space<hbm>>
    tpu.enqueue_dma source(%dma_start3A_126 : memref<5000xi32, #tpu.memory_space<hbm>>) target(%dma_start3A_125 : memref<5000xi32, #tpu.memory_space<vmem>>) target_semaphore(%arg12 : memref<!tpu.dma_semaphore, #tpu.memory_space<semaphore_mem>>)
    %scan3A_127 = arith.constant 0 : i32
    %scan3A_128 = arith.constant 0 : i32
    %scan3A_129 = arith.constant 78 : i32
    %scan3A_130 = arith.addi %scan3A_128, %scan3A_129 : i32
    %scan3A_131 = arith.constant 1 : i32
    scf.for %scan3A_189 = %scan3A_128 to %scan3A_130 step %scan3A_131  : i32 {
      %mul3A_190 = arith.constant 64 : i32
      %mul3A_191 = arith.muli %scan3A_189, %mul3A_190 : i32
      %add3A_192 = arith.constant 0 : i32
      %add3A_193 = arith.addi %mul3A_191, %add3A_192 : i32
      %get3A_194 = arith.index_cast %add3A_193 : i32 to index
      %get3A_195 = tpu.vector_load %arg6[%get3A_194] {strides = array<i32>} : memref<5008xi32, #tpu.memory_space<vmem>>, vector<16xi32>,
      tpu.vector_store_idx %arg5[%get3A_195], %broadcast_in_dim3A_32 {add = true} : memref<50176xf32, #tpu.memory_space<vmem>>[vector<16xi32>], vector<16xf32>,
      %mul3A_196 = arith.constant 64 : i32
      %mul3A_197 = arith.muli %scan3A_189, %mul3A_196 : i32
      %add3A_198 = arith.constant 16 : i32
      %add3A_199 = arith.addi %mul3A_197, %add3A_198 : i32
      %get3A_200 = arith.index_cast %add3A_199 : i32 to index
      %get3A_201 = tpu.vector_load %arg6[%get3A_200] {strides = array<i32>} : memref<5008xi32, #tpu.memory_space<vmem>>, vector<16xi32>,
      tpu.vector_store_idx %arg5[%get3A_201], %broadcast_in_dim3A_32 {add = true} : memref<50176xf32, #tpu.memory_space<vmem>>[vector<16xi32>], vector<16xf32>,
      %mul3A_202 = arith.constant 64 : i32
      %mul3A_203 = arith.muli %scan3A_189, %mul3A_202 : i32
      %add3A_204 = arith.constant 32 : i32
      %add3A_205 = arith.addi %mul3A_203, %add3A_204 : i32
      %get3A_206 = arith.index_cast %add3A_205 : i32 to index
      %get3A_207 = tpu.vector_load %arg6[%get3A_206] {strides = array<i32>} : memref<5008xi32, #tpu.memory_space<vmem>>, vector<16xi32>,
      tpu.vector_store_idx %arg5[%get3A_207], %broadcast_in_dim3A_32 {add = true} : memref<50176xf32, #tpu.memory_space<vmem>>[vector<16xi32>], vector<16xf32>,
      %mul3A_208 = arith.constant 64 : i32
      %mul3A_209 = arith.muli %scan3A_189, %mul3A_208 : i32
      %add3A_210 = arith.constant 48 : i32
      %add3A_211 = arith.addi %mul3A_209, %add3A_210 : i32
      %get3A_212 = arith.index_cast %add3A_211 : i32 to index
      %get3A_213 = tpu.vector_load %arg6[%get3A_212] {strides = array<i32>} : memref<5008xi32, #tpu.memory_space<vmem>>, vector<16xi32>,
      tpu.vector_store_idx %arg5[%get3A_213], %broadcast_in_dim3A_32 {add = true} : memref<50176xf32, #tpu.memory_space<vmem>>[vector<16xi32>], vector<16xf32>,
    }
    %scan3A_132 = arith.constant 78 : i32
    %get3A_133 = arith.constant 4992 : index
    %get3A_134 = tpu.vector_load %arg6[%get3A_133] {strides = array<i32>} : memref<5008xi32, #tpu.memory_space<vmem>>, vector<16xi32>,
    tpu.vector_store_idx %arg5[%get3A_134], %broadcast_in_dim3A_32 masked %lt3A_34 {add = true} : memref<50176xf32, #tpu.memory_space<vmem>>[vector<16xi32>], vector<16xf32>, vector<16xi1>
    %dma_wait3A_135 = arith.constant 0 : i32
    %dma_wait3A_136 = tpu.memref_slice %arg8[%dma_wait3A_135] : memref<5008xi32, #tpu.memory_space<vmem>> -> memref<5000xi32, #tpu.memory_space<vmem>>
    %dma_wait3A_137 = tpu.memref_slice %arg2[%add3A_114] : memref<800000xi32, #tpu.memory_space<hbm>> -> memref<5000xi32, #tpu.memory_space<hbm>>
    %dma_wait3A_138 = arith.constant 0 : i32
    %dma_wait3A_139 = tpu.memref_slice %arg8[%dma_wait3A_138] : memref<5008xi32, #tpu.memory_space<vmem>> -> memref<5000xi32, #tpu.memory_space<vmem>>
    %dma_wait3A_140 = tpu.memref_slice %arg2[%add3A_114] : memref<800000xi32, #tpu.memory_space<hbm>> -> memref<5000xi32, #tpu.memory_space<hbm>>
    tpu.wait_dma2 semaphore(%arg12 : memref<!tpu.dma_semaphore, #tpu.memory_space<semaphore_mem>>) src(%dma_wait3A_140 : memref<5000xi32, #tpu.memory_space<hbm>>) dst(%dma_wait3A_139 : memref<5000xi32, #tpu.memory_space<vmem>>)
    %dma_wait3A_141 = arith.constant 0 : i32
    %dma_wait3A_142 = tpu.memref_slice %arg9[%dma_wait3A_141] : memref<5008xi32, #tpu.memory_space<vmem>> -> memref<5000xi32, #tpu.memory_space<vmem>>
    %dma_wait3A_143 = tpu.memref_slice %arg2[%add3A_114] : memref<800000xi32, #tpu.memory_space<hbm>> -> memref<5000xi32, #tpu.memory_space<hbm>>
    %dma_wait3A_144 = arith.constant 0 : i32
    %dma_wait3A_145 = tpu.memref_slice %arg9[%dma_wait3A_144] : memref<5008xi32, #tpu.memory_space<vmem>> -> memref<5000xi32, #tpu.memory_space<vmem>>
    %dma_wait3A_146 = tpu.memref_slice %arg2[%add3A_114] : memref<800000xi32, #tpu.memory_space<hbm>> -> memref<5000xi32, #tpu.memory_space<hbm>>
    tpu.wait_dma2 semaphore(%arg12 : memref<!tpu.dma_semaphore, #tpu.memory_space<semaphore_mem>>) src(%dma_wait3A_146 : memref<5000xi32, #tpu.memory_space<hbm>>) dst(%dma_wait3A_145 : memref<5000xi32, #tpu.memory_space<vmem>>)
    %add3A_147 = arith.constant 20000 : i32
    %add3A_148 = arith.addi %mul3A_2, %add3A_147 : i32
    %dma_start3A_149 = arith.constant 0 : i32
    %dma_start3A_150 = tpu.memref_slice %arg6[%dma_start3A_149] : memref<5008xi32, #tpu.memory_space<vmem>> -> memref<5000xi32, #tpu.memory_space<vmem>>
    %dma_start3A_151 = tpu.memref_slice %arg2[%add3A_148] : memref<800000xi32, #tpu.memory_space<hbm>> -> memref<5000xi32, #tpu.memory_space<hbm>>
    %dma_start3A_152 = arith.constant 0 : i32
    %dma_start3A_153 = tpu.memref_slice %arg6[%dma_start3A_152] : memref<5008xi32, #tpu.memory_space<vmem>> -> memref<5000xi32, #tpu.memory_space<vmem>>
    %dma_start3A_154 = tpu.memref_slice %arg2[%add3A_148] : memref<800000xi32, #tpu.memory_space<hbm>> -> memref<5000xi32, #tpu.memory_space<hbm>>
    tpu.enqueue_dma source(%dma_start3A_154 : memref<5000xi32, #tpu.memory_space<hbm>>) target(%dma_start3A_153 : memref<5000xi32, #tpu.memory_space<vmem>>) target_semaphore(%arg11 : memref<!tpu.dma_semaphore, #tpu.memory_space<semaphore_mem>>)
    %dma_start3A_155 = arith.constant 0 : i32
    %dma_start3A_156 = tpu.memref_slice %arg7[%dma_start3A_155] : memref<5008xi32, #tpu.memory_space<vmem>> -> memref<5000xi32, #tpu.memory_space<vmem>>
    %dma_start3A_157 = tpu.memref_slice %arg2[%add3A_148] : memref<800000xi32, #tpu.memory_space<hbm>> -> memref<5000xi32, #tpu.memory_space<hbm>>
    %dma_start3A_158 = arith.constant 0 : i32
    %dma_start3A_159 = tpu.memref_slice %arg7[%dma_start3A_158] : memref<5008xi32, #tpu.memory_space<vmem>> -> memref<5000xi32, #tpu.memory_space<vmem>>
    %dma_start3A_160 = tpu.memref_slice %arg2[%add3A_148] : memref<800000xi32, #tpu.memory_space<hbm>> -> memref<5000xi32, #tpu.memory_space<hbm>>
    tpu.enqueue_dma source(%dma_start3A_160 : memref<5000xi32, #tpu.memory_space<hbm>>) target(%dma_start3A_159 : memref<5000xi32, #tpu.memory_space<vmem>>) target_semaphore(%arg11 : memref<!tpu.dma_semaphore, #tpu.memory_space<semaphore_mem>>)
    %scan3A_161 = arith.constant 0 : i32
    %scan3A_162 = arith.constant 0 : i32
    %scan3A_163 = arith.constant 78 : i32
    %scan3A_164 = arith.addi %scan3A_162, %scan3A_163 : i32
    %scan3A_165 = arith.constant 1 : i32
    scf.for %scan3A_189 = %scan3A_162 to %scan3A_164 step %scan3A_165  : i32 {
      %mul3A_190 = arith.constant 64 : i32
      %mul3A_191 = arith.muli %scan3A_189, %mul3A_190 : i32
      %add3A_192 = arith.constant 0 : i32
      %add3A_193 = arith.addi %mul3A_191, %add3A_192 : i32
      %get3A_194 = arith.index_cast %add3A_193 : i32 to index
      %get3A_195 = tpu.vector_load %arg8[%get3A_194] {strides = array<i32>} : memref<5008xi32, #tpu.memory_space<vmem>>, vector<16xi32>,
      tpu.vector_store_idx %arg5[%get3A_195], %broadcast_in_dim3A_32 {add = true} : memref<50176xf32, #tpu.memory_space<vmem>>[vector<16xi32>], vector<16xf32>,
      %mul3A_196 = arith.constant 64 : i32
      %mul3A_197 = arith.muli %scan3A_189, %mul3A_196 : i32
      %add3A_198 = arith.constant 16 : i32
      %add3A_199 = arith.addi %mul3A_197, %add3A_198 : i32
      %get3A_200 = arith.index_cast %add3A_199 : i32 to index
      %get3A_201 = tpu.vector_load %arg8[%get3A_200] {strides = array<i32>} : memref<5008xi32, #tpu.memory_space<vmem>>, vector<16xi32>,
      tpu.vector_store_idx %arg5[%get3A_201], %broadcast_in_dim3A_32 {add = true} : memref<50176xf32, #tpu.memory_space<vmem>>[vector<16xi32>], vector<16xf32>,
      %mul3A_202 = arith.constant 64 : i32
      %mul3A_203 = arith.muli %scan3A_189, %mul3A_202 : i32
      %add3A_204 = arith.constant 32 : i32
      %add3A_205 = arith.addi %mul3A_203, %add3A_204 : i32
      %get3A_206 = arith.index_cast %add3A_205 : i32 to index
      %get3A_207 = tpu.vector_load %arg8[%get3A_206] {strides = array<i32>} : memref<5008xi32, #tpu.memory_space<vmem>>, vector<16xi32>,
      tpu.vector_store_idx %arg5[%get3A_207], %broadcast_in_dim3A_32 {add = true} : memref<50176xf32, #tpu.memory_space<vmem>>[vector<16xi32>], vector<16xf32>,
      %mul3A_208 = arith.constant 64 : i32
      %mul3A_209 = arith.muli %scan3A_189, %mul3A_208 : i32
      %add3A_210 = arith.constant 48 : i32
      %add3A_211 = arith.addi %mul3A_209, %add3A_210 : i32
      %get3A_212 = arith.index_cast %add3A_211 : i32 to index
      %get3A_213 = tpu.vector_load %arg8[%get3A_212] {strides = array<i32>} : memref<5008xi32, #tpu.memory_space<vmem>>, vector<16xi32>,
      tpu.vector_store_idx %arg5[%get3A_213], %broadcast_in_dim3A_32 {add = true} : memref<50176xf32, #tpu.memory_space<vmem>>[vector<16xi32>], vector<16xf32>,
    }
    %scan3A_166 = arith.constant 78 : i32
    %get3A_167 = arith.constant 4992 : index
    %get3A_168 = tpu.vector_load %arg8[%get3A_167] {strides = array<i32>} : memref<5008xi32, #tpu.memory_space<vmem>>, vector<16xi32>,
    tpu.vector_store_idx %arg5[%get3A_168], %broadcast_in_dim3A_32 masked %lt3A_34 {add = true} : memref<50176xf32, #tpu.memory_space<vmem>>[vector<16xi32>], vector<16xf32>, vector<16xi1>
    %dma_wait3A_169 = arith.constant 0 : i32
    %dma_wait3A_170 = tpu.memref_slice %arg6[%dma_wait3A_169] : memref<5008xi32, #tpu.memory_space<vmem>> -> memref<5000xi32, #tpu.memory_space<vmem>>
    %dma_wait3A_171 = tpu.memref_slice %arg2[%add3A_148] : memref<800000xi32, #tpu.memory_space<hbm>> -> memref<5000xi32, #tpu.memory_space<hbm>>
    %dma_wait3A_172 = arith.constant 0 : i32
    %dma_wait3A_173 = tpu.memref_slice %arg6[%dma_wait3A_172] : memref<5008xi32, #tpu.memory_space<vmem>> -> memref<5000xi32, #tpu.memory_space<vmem>>
    %dma_wait3A_174 = tpu.memref_slice %arg2[%add3A_148] : memref<800000xi32, #tpu.memory_space<hbm>> -> memref<5000xi32, #tpu.memory_space<hbm>>
    tpu.wait_dma2 semaphore(%arg11 : memref<!tpu.dma_semaphore, #tpu.memory_space<semaphore_mem>>) src(%dma_wait3A_174 : memref<5000xi32, #tpu.memory_space<hbm>>) dst(%dma_wait3A_173 : memref<5000xi32, #tpu.memory_space<vmem>>)
    %dma_wait3A_175 = arith.constant 0 : i32
    %dma_wait3A_176 = tpu.memref_slice %arg7[%dma_wait3A_175] : memref<5008xi32, #tpu.memory_space<vmem>> -> memref<5000xi32, #tpu.memory_space<vmem>>
    %dma_wait3A_177 = tpu.memref_slice %arg2[%add3A_148] : memref<800000xi32, #tpu.memory_space<hbm>> -> memref<5000xi32, #tpu.memory_space<hbm>>
    %dma_wait3A_178 = arith.constant 0 : i32
    %dma_wait3A_179 = tpu.memref_slice %arg7[%dma_wait3A_178] : memref<5008xi32, #tpu.memory_space<vmem>> -> memref<5000xi32, #tpu.memory_space<vmem>>
    %dma_wait3A_180 = tpu.memref_slice %arg2[%add3A_148] : memref<800000xi32, #tpu.memory_space<hbm>> -> memref<5000xi32, #tpu.memory_space<hbm>>
    tpu.wait_dma2 semaphore(%arg11 : memref<!tpu.dma_semaphore, #tpu.memory_space<semaphore_mem>>) src(%dma_wait3A_180 : memref<5000xi32, #tpu.memory_space<hbm>>) dst(%dma_wait3A_179 : memref<5000xi32, #tpu.memory_space<vmem>>)
    %scan3A_181 = arith.constant 0 : i32
    %scan3A_182 = arith.constant 0 : i32
    %scan3A_183 = arith.constant 78 : i32
    %scan3A_184 = arith.addi %scan3A_182, %scan3A_183 : i32
    %scan3A_185 = arith.constant 1 : i32
    scf.for %scan3A_189 = %scan3A_182 to %scan3A_184 step %scan3A_185  : i32 {
      %mul3A_190 = arith.constant 64 : i32
      %mul3A_191 = arith.muli %scan3A_189, %mul3A_190 : i32
      %add3A_192 = arith.constant 0 : i32
      %add3A_193 = arith.addi %mul3A_191, %add3A_192 : i32
      %get3A_194 = arith.index_cast %add3A_193 : i32 to index
      %get3A_195 = tpu.vector_load %arg6[%get3A_194] {strides = array<i32>} : memref<5008xi32, #tpu.memory_space<vmem>>, vector<16xi32>,
      tpu.vector_store_idx %arg5[%get3A_195], %broadcast_in_dim3A_32 {add = true} : memref<50176xf32, #tpu.memory_space<vmem>>[vector<16xi32>], vector<16xf32>,
      %mul3A_196 = arith.constant 64 : i32
      %mul3A_197 = arith.muli %scan3A_189, %mul3A_196 : i32
      %add3A_198 = arith.constant 16 : i32
      %add3A_199 = arith.addi %mul3A_197, %add3A_198 : i32
      %get3A_200 = arith.index_cast %add3A_199 : i32 to index
      %get3A_201 = tpu.vector_load %arg6[%get3A_200] {strides = array<i32>} : memref<5008xi32, #tpu.memory_space<vmem>>, vector<16xi32>,
      tpu.vector_store_idx %arg5[%get3A_201], %broadcast_in_dim3A_32 {add = true} : memref<50176xf32, #tpu.memory_space<vmem>>[vector<16xi32>], vector<16xf32>,
      %mul3A_202 = arith.constant 64 : i32
      %mul3A_203 = arith.muli %scan3A_189, %mul3A_202 : i32
      %add3A_204 = arith.constant 32 : i32
      %add3A_205 = arith.addi %mul3A_203, %add3A_204 : i32
      %get3A_206 = arith.index_cast %add3A_205 : i32 to index
      %get3A_207 = tpu.vector_load %arg6[%get3A_206] {strides = array<i32>} : memref<5008xi32, #tpu.memory_space<vmem>>, vector<16xi32>,
      tpu.vector_store_idx %arg5[%get3A_207], %broadcast_in_dim3A_32 {add = true} : memref<50176xf32, #tpu.memory_space<vmem>>[vector<16xi32>], vector<16xf32>,
      %mul3A_208 = arith.constant 64 : i32
      %mul3A_209 = arith.muli %scan3A_189, %mul3A_208 : i32
      %add3A_210 = arith.constant 48 : i32
      %add3A_211 = arith.addi %mul3A_209, %add3A_210 : i32
      %get3A_212 = arith.index_cast %add3A_211 : i32 to index
      %get3A_213 = tpu.vector_load %arg6[%get3A_212] {strides = array<i32>} : memref<5008xi32, #tpu.memory_space<vmem>>, vector<16xi32>,
      tpu.vector_store_idx %arg5[%get3A_213], %broadcast_in_dim3A_32 {add = true} : memref<50176xf32, #tpu.memory_space<vmem>>[vector<16xi32>], vector<16xf32>,
    }
    %scan3A_186 = arith.constant 78 : i32
    %get3A_187 = arith.constant 4992 : index
    %get3A_188 = tpu.vector_load %arg6[%get3A_187] {strides = array<i32>} : memref<5008xi32, #tpu.memory_space<vmem>>, vector<16xi32>,
    tpu.vector_store_idx %arg5[%get3A_188], %broadcast_in_dim3A_32 masked %lt3A_34 {add = true} : memref<50176xf32, #tpu.memory_space<vmem>>[vector<16xi32>], vector<16xf32>, vector<16xi1>
    "tpu.region"() ({
      %run_scoped3A = tpu.sem_alloc : memref<!tpu.dma_semaphore, #tpu.memory_space<semaphore_mem>>
      %dma_start3A_189 = arith.constant 0 : i32
      %dma_start3A_190 = tpu.memref_slice %arg3[%add3A, %dma_start3A_189] : memref<32x50176xf32, #tpu.memory_space<hbm>> -> memref<1x50176xf32, #tpu.memory_space<hbm>>
      %dma_start3A_191 = tpu.memref_squeeze %dma_start3A_190 : memref<1x50176xf32, #tpu.memory_space<hbm>> -> memref<50176xf32, #tpu.memory_space<hbm>>
      %dma_start3A_192 = arith.constant 0 : i32
      %dma_start3A_193 = tpu.memref_slice %arg3[%add3A, %dma_start3A_192] : memref<32x50176xf32, #tpu.memory_space<hbm>> -> memref<1x50176xf32, #tpu.memory_space<hbm>>
      %dma_start3A_194 = tpu.memref_squeeze %dma_start3A_193 : memref<1x50176xf32, #tpu.memory_space<hbm>> -> memref<50176xf32, #tpu.memory_space<hbm>>
      tpu.enqueue_dma source(%arg5 : memref<50176xf32, #tpu.memory_space<vmem>>) target(%dma_start3A_194 : memref<50176xf32, #tpu.memory_space<hbm>>) target_semaphore(%run_scoped3A : memref<!tpu.dma_semaphore, #tpu.memory_space<semaphore_mem>>)
      %dma_wait3A_195 = arith.constant 0 : i32
      %dma_wait3A_196 = tpu.memref_slice %arg3[%add3A, %dma_wait3A_195] : memref<32x50176xf32, #tpu.memory_space<hbm>> -> memref<1x50176xf32, #tpu.memory_space<hbm>>
      %dma_wait3A_197 = tpu.memref_squeeze %dma_wait3A_196 : memref<1x50176xf32, #tpu.memory_space<hbm>> -> memref<50176xf32, #tpu.memory_space<hbm>>
      %dma_wait3A_198 = arith.constant 0 : i32
      %dma_wait3A_199 = tpu.memref_slice %arg3[%add3A, %dma_wait3A_198] : memref<32x50176xf32, #tpu.memory_space<hbm>> -> memref<1x50176xf32, #tpu.memory_space<hbm>>
      %dma_wait3A_200 = tpu.memref_squeeze %dma_wait3A_199 : memref<1x50176xf32, #tpu.memory_space<hbm>> -> memref<50176xf32, #tpu.memory_space<hbm>>
      tpu.wait_dma2 semaphore(%run_scoped3A : memref<!tpu.dma_semaphore, #tpu.memory_space<semaphore_mem>>) src(%arg5 : memref<50176xf32, #tpu.memory_space<vmem>>) dst(%dma_wait3A_200 : memref<50176xf32, #tpu.memory_space<hbm>>)
      tpu.yield
    }) : () -> ()
    return
  }
}

#map = affine_map<(d0, d1) -> (0)>
#map1 = affine_map<(d0, d1) -> (0, 0)>
module attributes {stable_mosaic.version = 14 : i64} {
  func.func @_sc_pass_body(%arg0: i32, %arg1: i32, %arg2: memref<800000xi32, #tpu.memory_space<hbm>>, %arg3: memref<800000xi32, #tpu.memory_space<hbm>>, %arg4: memref<50176xf32, #tpu.memory_space<hbm>>, %arg5: memref<32x50176xf32, #tpu.memory_space<hbm>>, %arg6: memref<50176xf32, #tpu.memory_space<vmem>>, %arg7: memref<50176xf32, #tpu.memory_space<vmem>>, %arg8: memref<5008xi32, #tpu.memory_space<vmem>>, %arg9: memref<5008xi32, #tpu.memory_space<vmem>>, %arg10: memref<5008xi32, #tpu.memory_space<vmem>>, %arg11: memref<5008xi32, #tpu.memory_space<vmem>>, %arg12: memref<!tpu.dma_semaphore, #tpu.memory_space<semaphore_mem>>, %arg13: memref<!tpu.dma_semaphore, #tpu.memory_space<semaphore_mem>>, %arg14: memref<!tpu.dma_semaphore, #tpu.memory_space<semaphore_mem>>) attributes {dimension_semantics = [#tpu.dimension_semantics<core_parallel>, #tpu.dimension_semantics<subcore_parallel>], iteration_bounds = array<i64: 2, 16>, scalar_prefetch = 0 : i64, scratch_operands = 9 : i64, tpu.core_type = #tpu.core_type<sc_vector_subcore>, window_params = [{transform_indices = #map}, {transform_indices = #map}, {transform_indices = #map}, {transform_indices = #map1}]} {
    %mul3A = arith.constant 2 : i32
    %mul3A_0 = arith.muli %arg1, %mul3A : i32
    %add3A = arith.addi %mul3A_0, %arg0 : i32
    %mul3A_1 = arith.constant 25000 : i32
    %mul3A_2 = arith.muli %add3A, %mul3A_1 : i32
    tpu.enqueue_dma source(%arg4 : memref<50176xf32, #tpu.memory_space<hbm>>) target(%arg6 : memref<50176xf32, #tpu.memory_space<vmem>>) target_semaphore(%arg12 : memref<!tpu.dma_semaphore, #tpu.memory_space<semaphore_mem>>)
    %add3A_3 = arith.constant 0 : i32
    %add3A_4 = arith.addi %mul3A_2, %add3A_3 : i32
    %dma_start3A = arith.constant 0 : i32
    %dma_start3A_5 = tpu.memref_slice %arg8[%dma_start3A] : memref<5008xi32, #tpu.memory_space<vmem>> -> memref<5000xi32, #tpu.memory_space<vmem>>
    %dma_start3A_6 = tpu.memref_slice %arg2[%add3A_4] : memref<800000xi32, #tpu.memory_space<hbm>> -> memref<5000xi32, #tpu.memory_space<hbm>>
    %dma_start3A_7 = arith.constant 0 : i32
    %dma_start3A_8 = tpu.memref_slice %arg8[%dma_start3A_7] : memref<5008xi32, #tpu.memory_space<vmem>> -> memref<5000xi32, #tpu.memory_space<vmem>>
    %dma_start3A_9 = tpu.memref_slice %arg2[%add3A_4] : memref<800000xi32, #tpu.memory_space<hbm>> -> memref<5000xi32, #tpu.memory_space<hbm>>
    tpu.enqueue_dma source(%dma_start3A_9 : memref<5000xi32, #tpu.memory_space<hbm>>) target(%dma_start3A_8 : memref<5000xi32, #tpu.memory_space<vmem>>) target_semaphore(%arg13 : memref<!tpu.dma_semaphore, #tpu.memory_space<semaphore_mem>>)
    %dma_start3A_10 = arith.constant 0 : i32
    %dma_start3A_11 = tpu.memref_slice %arg9[%dma_start3A_10] : memref<5008xi32, #tpu.memory_space<vmem>> -> memref<5000xi32, #tpu.memory_space<vmem>>
    %dma_start3A_12 = tpu.memref_slice %arg3[%add3A_4] : memref<800000xi32, #tpu.memory_space<hbm>> -> memref<5000xi32, #tpu.memory_space<hbm>>
    %dma_start3A_13 = arith.constant 0 : i32
    %dma_start3A_14 = tpu.memref_slice %arg9[%dma_start3A_13] : memref<5008xi32, #tpu.memory_space<vmem>> -> memref<5000xi32, #tpu.memory_space<vmem>>
    %dma_start3A_15 = tpu.memref_slice %arg3[%add3A_4] : memref<800000xi32, #tpu.memory_space<hbm>> -> memref<5000xi32, #tpu.memory_space<hbm>>
    tpu.enqueue_dma source(%dma_start3A_15 : memref<5000xi32, #tpu.memory_space<hbm>>) target(%dma_start3A_14 : memref<5000xi32, #tpu.memory_space<vmem>>) target_semaphore(%arg13 : memref<!tpu.dma_semaphore, #tpu.memory_space<semaphore_mem>>)
    %broadcast_in_dim3A = arith.constant 0.000000e+00 : f32
    %broadcast_in_dim3A_16 = vector.broadcast %broadcast_in_dim3A : f32 to vector<16xf32>
    %broadcast_in_dim3A_17 = arith.constant 0 : i32
    %broadcast_in_dim3A_18 = vector.broadcast %broadcast_in_dim3A_17 : i32 to vector<16xi32>
    %swap3A = arith.constant 4992 : index
    %swap3A_19 = tpu.vector_load %arg8[%swap3A] {strides = array<i32>} : memref<5008xi32, #tpu.memory_space<vmem>>, vector<16xi32>,
    tpu.vector_store %arg8[%swap3A], %broadcast_in_dim3A_18 {strides = array<i32>} : memref<5008xi32, #tpu.memory_space<vmem>>, vector<16xi32>,
    %swap3A_20 = arith.constant 4992 : index
    %swap3A_21 = tpu.vector_load %arg9[%swap3A_20] {strides = array<i32>} : memref<5008xi32, #tpu.memory_space<vmem>>, vector<16xi32>,
    tpu.vector_store %arg9[%swap3A_20], %broadcast_in_dim3A_18 {strides = array<i32>} : memref<5008xi32, #tpu.memory_space<vmem>>, vector<16xi32>,
    %swap3A_22 = arith.constant 4992 : index
    %swap3A_23 = tpu.vector_load %arg10[%swap3A_22] {strides = array<i32>} : memref<5008xi32, #tpu.memory_space<vmem>>, vector<16xi32>,
    tpu.vector_store %arg10[%swap3A_22], %broadcast_in_dim3A_18 {strides = array<i32>} : memref<5008xi32, #tpu.memory_space<vmem>>, vector<16xi32>,
    %swap3A_24 = arith.constant 4992 : index
    %swap3A_25 = tpu.vector_load %arg11[%swap3A_24] {strides = array<i32>} : memref<5008xi32, #tpu.memory_space<vmem>>, vector<16xi32>,
    tpu.vector_store %arg11[%swap3A_24], %broadcast_in_dim3A_18 {strides = array<i32>} : memref<5008xi32, #tpu.memory_space<vmem>>, vector<16xi32>,
    %scan3A = arith.constant 0 : i32
    %scan3A_26 = arith.constant 0 : i32
    %scan3A_27 = arith.constant 392 : i32
    %scan3A_28 = arith.addi %scan3A_26, %scan3A_27 : i32
    %scan3A_29 = arith.constant 1 : i32
    scf.for %scan3A_203 = %scan3A_26 to %scan3A_28 step %scan3A_29  : i32 {
      %mul3A_204 = arith.constant 128 : i32
      %mul3A_205 = arith.muli %scan3A_203, %mul3A_204 : i32
      %add3A_206 = arith.constant 0 : i32
      %add3A_207 = arith.addi %mul3A_205, %add3A_206 : i32
      %swap3A_208 = arith.index_cast %add3A_207 : i32 to index
      %swap3A_209 = tpu.vector_load %arg7[%swap3A_208] {strides = array<i32>} : memref<50176xf32, #tpu.memory_space<vmem>>, vector<16xf32>,
      tpu.vector_store %arg7[%swap3A_208], %broadcast_in_dim3A_16 {strides = array<i32>} : memref<50176xf32, #tpu.memory_space<vmem>>, vector<16xf32>,
      %mul3A_210 = arith.constant 128 : i32
      %mul3A_211 = arith.muli %scan3A_203, %mul3A_210 : i32
      %add3A_212 = arith.constant 16 : i32
      %add3A_213 = arith.addi %mul3A_211, %add3A_212 : i32
      %swap3A_214 = arith.index_cast %add3A_213 : i32 to index
      %swap3A_215 = tpu.vector_load %arg7[%swap3A_214] {strides = array<i32>} : memref<50176xf32, #tpu.memory_space<vmem>>, vector<16xf32>,
      tpu.vector_store %arg7[%swap3A_214], %broadcast_in_dim3A_16 {strides = array<i32>} : memref<50176xf32, #tpu.memory_space<vmem>>, vector<16xf32>,
      %mul3A_216 = arith.constant 128 : i32
      %mul3A_217 = arith.muli %scan3A_203, %mul3A_216 : i32
      %add3A_218 = arith.constant 32 : i32
      %add3A_219 = arith.addi %mul3A_217, %add3A_218 : i32
      %swap3A_220 = arith.index_cast %add3A_219 : i32 to index
      %swap3A_221 = tpu.vector_load %arg7[%swap3A_220] {strides = array<i32>} : memref<50176xf32, #tpu.memory_space<vmem>>, vector<16xf32>,
      tpu.vector_store %arg7[%swap3A_220], %broadcast_in_dim3A_16 {strides = array<i32>} : memref<50176xf32, #tpu.memory_space<vmem>>, vector<16xf32>,
      %mul3A_222 = arith.constant 128 : i32
      %mul3A_223 = arith.muli %scan3A_203, %mul3A_222 : i32
      %add3A_224 = arith.constant 48 : i32
      %add3A_225 = arith.addi %mul3A_223, %add3A_224 : i32
      %swap3A_226 = arith.index_cast %add3A_225 : i32 to index
      %swap3A_227 = tpu.vector_load %arg7[%swap3A_226] {strides = array<i32>} : memref<50176xf32, #tpu.memory_space<vmem>>, vector<16xf32>,
      tpu.vector_store %arg7[%swap3A_226], %broadcast_in_dim3A_16 {strides = array<i32>} : memref<50176xf32, #tpu.memory_space<vmem>>, vector<16xf32>,
      %mul3A_228 = arith.constant 128 : i32
      %mul3A_229 = arith.muli %scan3A_203, %mul3A_228 : i32
      %add3A_230 = arith.constant 64 : i32
      %add3A_231 = arith.addi %mul3A_229, %add3A_230 : i32
      %swap3A_232 = arith.index_cast %add3A_231 : i32 to index
      %swap3A_233 = tpu.vector_load %arg7[%swap3A_232] {strides = array<i32>} : memref<50176xf32, #tpu.memory_space<vmem>>, vector<16xf32>,
      tpu.vector_store %arg7[%swap3A_232], %broadcast_in_dim3A_16 {strides = array<i32>} : memref<50176xf32, #tpu.memory_space<vmem>>, vector<16xf32>,
      %mul3A_234 = arith.constant 128 : i32
      %mul3A_235 = arith.muli %scan3A_203, %mul3A_234 : i32
      %add3A_236 = arith.constant 80 : i32
      %add3A_237 = arith.addi %mul3A_235, %add3A_236 : i32
      %swap3A_238 = arith.index_cast %add3A_237 : i32 to index
      %swap3A_239 = tpu.vector_load %arg7[%swap3A_238] {strides = array<i32>} : memref<50176xf32, #tpu.memory_space<vmem>>, vector<16xf32>,
      tpu.vector_store %arg7[%swap3A_238], %broadcast_in_dim3A_16 {strides = array<i32>} : memref<50176xf32, #tpu.memory_space<vmem>>, vector<16xf32>,
      %mul3A_240 = arith.constant 128 : i32
      %mul3A_241 = arith.muli %scan3A_203, %mul3A_240 : i32
      %add3A_242 = arith.constant 96 : i32
      %add3A_243 = arith.addi %mul3A_241, %add3A_242 : i32
      %swap3A_244 = arith.index_cast %add3A_243 : i32 to index
      %swap3A_245 = tpu.vector_load %arg7[%swap3A_244] {strides = array<i32>} : memref<50176xf32, #tpu.memory_space<vmem>>, vector<16xf32>,
      tpu.vector_store %arg7[%swap3A_244], %broadcast_in_dim3A_16 {strides = array<i32>} : memref<50176xf32, #tpu.memory_space<vmem>>, vector<16xf32>,
      %mul3A_246 = arith.constant 128 : i32
      %mul3A_247 = arith.muli %scan3A_203, %mul3A_246 : i32
      %add3A_248 = arith.constant 112 : i32
      %add3A_249 = arith.addi %mul3A_247, %add3A_248 : i32
      %swap3A_250 = arith.index_cast %add3A_249 : i32 to index
      %swap3A_251 = tpu.vector_load %arg7[%swap3A_250] {strides = array<i32>} : memref<50176xf32, #tpu.memory_space<vmem>>, vector<16xf32>,
      tpu.vector_store %arg7[%swap3A_250], %broadcast_in_dim3A_16 {strides = array<i32>} : memref<50176xf32, #tpu.memory_space<vmem>>, vector<16xf32>,
    }
    %scan3A_30 = arith.constant 392 : i32
    tpu.wait_dma2 semaphore(%arg12 : memref<!tpu.dma_semaphore, #tpu.memory_space<semaphore_mem>>) src(%arg4 : memref<50176xf32, #tpu.memory_space<hbm>>) dst(%arg6 : memref<50176xf32, #tpu.memory_space<vmem>>)
    %broadcast_in_dim3A_31 = arith.constant 1.000000e+00 : f32
    %broadcast_in_dim3A_32 = vector.broadcast %broadcast_in_dim3A_31 : f32 to vector<16xf32>
    %iota3A = tpu.iota {dimensions = array<i32: 0>} : vector<16xi32>
    %lt3A = arith.constant 8 : i32
    %lt3A_33 = vector.broadcast %lt3A : i32 to vector<16xi32>
    %lt3A_34 = arith.cmpi slt, %iota3A, %lt3A_33 : vector<16xi32>
    %dma_wait3A = arith.constant 0 : i32
    %dma_wait3A_35 = tpu.memref_slice %arg8[%dma_wait3A] : memref<5008xi32, #tpu.memory_space<vmem>> -> memref<5000xi32, #tpu.memory_space<vmem>>
    %dma_wait3A_36 = tpu.memref_slice %arg2[%add3A_4] : memref<800000xi32, #tpu.memory_space<hbm>> -> memref<5000xi32, #tpu.memory_space<hbm>>
    %dma_wait3A_37 = arith.constant 0 : i32
    %dma_wait3A_38 = tpu.memref_slice %arg8[%dma_wait3A_37] : memref<5008xi32, #tpu.memory_space<vmem>> -> memref<5000xi32, #tpu.memory_space<vmem>>
    %dma_wait3A_39 = tpu.memref_slice %arg2[%add3A_4] : memref<800000xi32, #tpu.memory_space<hbm>> -> memref<5000xi32, #tpu.memory_space<hbm>>
    tpu.wait_dma2 semaphore(%arg13 : memref<!tpu.dma_semaphore, #tpu.memory_space<semaphore_mem>>) src(%dma_wait3A_39 : memref<5000xi32, #tpu.memory_space<hbm>>) dst(%dma_wait3A_38 : memref<5000xi32, #tpu.memory_space<vmem>>)
    %dma_wait3A_40 = arith.constant 0 : i32
    %dma_wait3A_41 = tpu.memref_slice %arg9[%dma_wait3A_40] : memref<5008xi32, #tpu.memory_space<vmem>> -> memref<5000xi32, #tpu.memory_space<vmem>>
    %dma_wait3A_42 = tpu.memref_slice %arg3[%add3A_4] : memref<800000xi32, #tpu.memory_space<hbm>> -> memref<5000xi32, #tpu.memory_space<hbm>>
    %dma_wait3A_43 = arith.constant 0 : i32
    %dma_wait3A_44 = tpu.memref_slice %arg9[%dma_wait3A_43] : memref<5008xi32, #tpu.memory_space<vmem>> -> memref<5000xi32, #tpu.memory_space<vmem>>
    %dma_wait3A_45 = tpu.memref_slice %arg3[%add3A_4] : memref<800000xi32, #tpu.memory_space<hbm>> -> memref<5000xi32, #tpu.memory_space<hbm>>
    tpu.wait_dma2 semaphore(%arg13 : memref<!tpu.dma_semaphore, #tpu.memory_space<semaphore_mem>>) src(%dma_wait3A_45 : memref<5000xi32, #tpu.memory_space<hbm>>) dst(%dma_wait3A_44 : memref<5000xi32, #tpu.memory_space<vmem>>)
    %add3A_46 = arith.constant 5000 : i32
    %add3A_47 = arith.addi %mul3A_2, %add3A_46 : i32
    %dma_start3A_48 = arith.constant 0 : i32
    %dma_start3A_49 = tpu.memref_slice %arg10[%dma_start3A_48] : memref<5008xi32, #tpu.memory_space<vmem>> -> memref<5000xi32, #tpu.memory_space<vmem>>
    %dma_start3A_50 = tpu.memref_slice %arg2[%add3A_47] : memref<800000xi32, #tpu.memory_space<hbm>> -> memref<5000xi32, #tpu.memory_space<hbm>>
    %dma_start3A_51 = arith.constant 0 : i32
    %dma_start3A_52 = tpu.memref_slice %arg10[%dma_start3A_51] : memref<5008xi32, #tpu.memory_space<vmem>> -> memref<5000xi32, #tpu.memory_space<vmem>>
    %dma_start3A_53 = tpu.memref_slice %arg2[%add3A_47] : memref<800000xi32, #tpu.memory_space<hbm>> -> memref<5000xi32, #tpu.memory_space<hbm>>
    tpu.enqueue_dma source(%dma_start3A_53 : memref<5000xi32, #tpu.memory_space<hbm>>) target(%dma_start3A_52 : memref<5000xi32, #tpu.memory_space<vmem>>) target_semaphore(%arg14 : memref<!tpu.dma_semaphore, #tpu.memory_space<semaphore_mem>>)
    %dma_start3A_54 = arith.constant 0 : i32
    %dma_start3A_55 = tpu.memref_slice %arg11[%dma_start3A_54] : memref<5008xi32, #tpu.memory_space<vmem>> -> memref<5000xi32, #tpu.memory_space<vmem>>
    %dma_start3A_56 = tpu.memref_slice %arg3[%add3A_47] : memref<800000xi32, #tpu.memory_space<hbm>> -> memref<5000xi32, #tpu.memory_space<hbm>>
    %dma_start3A_57 = arith.constant 0 : i32
    %dma_start3A_58 = tpu.memref_slice %arg11[%dma_start3A_57] : memref<5008xi32, #tpu.memory_space<vmem>> -> memref<5000xi32, #tpu.memory_space<vmem>>
    %dma_start3A_59 = tpu.memref_slice %arg3[%add3A_47] : memref<800000xi32, #tpu.memory_space<hbm>> -> memref<5000xi32, #tpu.memory_space<hbm>>
    tpu.enqueue_dma source(%dma_start3A_59 : memref<5000xi32, #tpu.memory_space<hbm>>) target(%dma_start3A_58 : memref<5000xi32, #tpu.memory_space<vmem>>) target_semaphore(%arg14 : memref<!tpu.dma_semaphore, #tpu.memory_space<semaphore_mem>>)
    %scan3A_60 = arith.constant 0 : i32
    %scan3A_61 = arith.constant 0 : i32
    %scan3A_62 = arith.constant 78 : i32
    %scan3A_63 = arith.addi %scan3A_61, %scan3A_62 : i32
    %scan3A_64 = arith.constant 1 : i32
    scf.for %scan3A_203 = %scan3A_61 to %scan3A_63 step %scan3A_64  : i32 {
      %mul3A_204 = arith.constant 64 : i32
      %mul3A_205 = arith.muli %scan3A_203, %mul3A_204 : i32
      %add3A_206 = arith.constant 0 : i32
      %add3A_207 = arith.addi %mul3A_205, %add3A_206 : i32
      %get3A_208 = arith.index_cast %add3A_207 : i32 to index
      %get3A_209 = tpu.vector_load %arg8[%get3A_208] {strides = array<i32>} : memref<5008xi32, #tpu.memory_space<vmem>>, vector<16xi32>,
      %get3A_210 = arith.index_cast %add3A_207 : i32 to index
      %get3A_211 = tpu.vector_load %arg9[%get3A_210] {strides = array<i32>} : memref<5008xi32, #tpu.memory_space<vmem>>, vector<16xi32>,
      %gather3A_212 = tpu.vector_load_idx %arg6[%get3A_211] : memref<50176xf32, #tpu.memory_space<vmem>>[vector<16xi32>], vector<16xf32>,
      tpu.vector_store_idx %arg7[%get3A_209], %gather3A_212 {add = true} : memref<50176xf32, #tpu.memory_space<vmem>>[vector<16xi32>], vector<16xf32>,
      %mul3A_213 = arith.constant 64 : i32
      %mul3A_214 = arith.muli %scan3A_203, %mul3A_213 : i32
      %add3A_215 = arith.constant 16 : i32
      %add3A_216 = arith.addi %mul3A_214, %add3A_215 : i32
      %get3A_217 = arith.index_cast %add3A_216 : i32 to index
      %get3A_218 = tpu.vector_load %arg8[%get3A_217] {strides = array<i32>} : memref<5008xi32, #tpu.memory_space<vmem>>, vector<16xi32>,
      %get3A_219 = arith.index_cast %add3A_216 : i32 to index
      %get3A_220 = tpu.vector_load %arg9[%get3A_219] {strides = array<i32>} : memref<5008xi32, #tpu.memory_space<vmem>>, vector<16xi32>,
      %gather3A_221 = tpu.vector_load_idx %arg6[%get3A_220] : memref<50176xf32, #tpu.memory_space<vmem>>[vector<16xi32>], vector<16xf32>,
      tpu.vector_store_idx %arg7[%get3A_218], %gather3A_221 {add = true} : memref<50176xf32, #tpu.memory_space<vmem>>[vector<16xi32>], vector<16xf32>,
      %mul3A_222 = arith.constant 64 : i32
      %mul3A_223 = arith.muli %scan3A_203, %mul3A_222 : i32
      %add3A_224 = arith.constant 32 : i32
      %add3A_225 = arith.addi %mul3A_223, %add3A_224 : i32
      %get3A_226 = arith.index_cast %add3A_225 : i32 to index
      %get3A_227 = tpu.vector_load %arg8[%get3A_226] {strides = array<i32>} : memref<5008xi32, #tpu.memory_space<vmem>>, vector<16xi32>,
      %get3A_228 = arith.index_cast %add3A_225 : i32 to index
      %get3A_229 = tpu.vector_load %arg9[%get3A_228] {strides = array<i32>} : memref<5008xi32, #tpu.memory_space<vmem>>, vector<16xi32>,
      %gather3A_230 = tpu.vector_load_idx %arg6[%get3A_229] : memref<50176xf32, #tpu.memory_space<vmem>>[vector<16xi32>], vector<16xf32>,
      tpu.vector_store_idx %arg7[%get3A_227], %gather3A_230 {add = true} : memref<50176xf32, #tpu.memory_space<vmem>>[vector<16xi32>], vector<16xf32>,
      %mul3A_231 = arith.constant 64 : i32
      %mul3A_232 = arith.muli %scan3A_203, %mul3A_231 : i32
      %add3A_233 = arith.constant 48 : i32
      %add3A_234 = arith.addi %mul3A_232, %add3A_233 : i32
      %get3A_235 = arith.index_cast %add3A_234 : i32 to index
      %get3A_236 = tpu.vector_load %arg8[%get3A_235] {strides = array<i32>} : memref<5008xi32, #tpu.memory_space<vmem>>, vector<16xi32>,
      %get3A_237 = arith.index_cast %add3A_234 : i32 to index
      %get3A_238 = tpu.vector_load %arg9[%get3A_237] {strides = array<i32>} : memref<5008xi32, #tpu.memory_space<vmem>>, vector<16xi32>,
      %gather3A_239 = tpu.vector_load_idx %arg6[%get3A_238] : memref<50176xf32, #tpu.memory_space<vmem>>[vector<16xi32>], vector<16xf32>,
      tpu.vector_store_idx %arg7[%get3A_236], %gather3A_239 {add = true} : memref<50176xf32, #tpu.memory_space<vmem>>[vector<16xi32>], vector<16xf32>,
    }
    %scan3A_65 = arith.constant 78 : i32
    %get3A = arith.constant 4992 : index
    %get3A_66 = tpu.vector_load %arg8[%get3A] {strides = array<i32>} : memref<5008xi32, #tpu.memory_space<vmem>>, vector<16xi32>,
    %get3A_67 = arith.constant 4992 : index
    %get3A_68 = tpu.vector_load %arg9[%get3A_67] {strides = array<i32>} : memref<5008xi32, #tpu.memory_space<vmem>>, vector<16xi32>,
    %gather3A = tpu.vector_load_idx %arg6[%get3A_68] masked %lt3A_34 : memref<50176xf32, #tpu.memory_space<vmem>>[vector<16xi32>], vector<16xf32>, vector<16xi1>
    tpu.vector_store_idx %arg7[%get3A_66], %gather3A masked %lt3A_34 {add = true} : memref<50176xf32, #tpu.memory_space<vmem>>[vector<16xi32>], vector<16xf32>, vector<16xi1>
    %dma_wait3A_69 = arith.constant 0 : i32
    %dma_wait3A_70 = tpu.memref_slice %arg10[%dma_wait3A_69] : memref<5008xi32, #tpu.memory_space<vmem>> -> memref<5000xi32, #tpu.memory_space<vmem>>
    %dma_wait3A_71 = tpu.memref_slice %arg2[%add3A_47] : memref<800000xi32, #tpu.memory_space<hbm>> -> memref<5000xi32, #tpu.memory_space<hbm>>
    %dma_wait3A_72 = arith.constant 0 : i32
    %dma_wait3A_73 = tpu.memref_slice %arg10[%dma_wait3A_72] : memref<5008xi32, #tpu.memory_space<vmem>> -> memref<5000xi32, #tpu.memory_space<vmem>>
    %dma_wait3A_74 = tpu.memref_slice %arg2[%add3A_47] : memref<800000xi32, #tpu.memory_space<hbm>> -> memref<5000xi32, #tpu.memory_space<hbm>>
    tpu.wait_dma2 semaphore(%arg14 : memref<!tpu.dma_semaphore, #tpu.memory_space<semaphore_mem>>) src(%dma_wait3A_74 : memref<5000xi32, #tpu.memory_space<hbm>>) dst(%dma_wait3A_73 : memref<5000xi32, #tpu.memory_space<vmem>>)
    %dma_wait3A_75 = arith.constant 0 : i32
    %dma_wait3A_76 = tpu.memref_slice %arg11[%dma_wait3A_75] : memref<5008xi32, #tpu.memory_space<vmem>> -> memref<5000xi32, #tpu.memory_space<vmem>>
    %dma_wait3A_77 = tpu.memref_slice %arg3[%add3A_47] : memref<800000xi32, #tpu.memory_space<hbm>> -> memref<5000xi32, #tpu.memory_space<hbm>>
    %dma_wait3A_78 = arith.constant 0 : i32
    %dma_wait3A_79 = tpu.memref_slice %arg11[%dma_wait3A_78] : memref<5008xi32, #tpu.memory_space<vmem>> -> memref<5000xi32, #tpu.memory_space<vmem>>
    %dma_wait3A_80 = tpu.memref_slice %arg3[%add3A_47] : memref<800000xi32, #tpu.memory_space<hbm>> -> memref<5000xi32, #tpu.memory_space<hbm>>
    tpu.wait_dma2 semaphore(%arg14 : memref<!tpu.dma_semaphore, #tpu.memory_space<semaphore_mem>>) src(%dma_wait3A_80 : memref<5000xi32, #tpu.memory_space<hbm>>) dst(%dma_wait3A_79 : memref<5000xi32, #tpu.memory_space<vmem>>)
    %add3A_81 = arith.constant 10000 : i32
    %add3A_82 = arith.addi %mul3A_2, %add3A_81 : i32
    %dma_start3A_83 = arith.constant 0 : i32
    %dma_start3A_84 = tpu.memref_slice %arg8[%dma_start3A_83] : memref<5008xi32, #tpu.memory_space<vmem>> -> memref<5000xi32, #tpu.memory_space<vmem>>
    %dma_start3A_85 = tpu.memref_slice %arg2[%add3A_82] : memref<800000xi32, #tpu.memory_space<hbm>> -> memref<5000xi32, #tpu.memory_space<hbm>>
    %dma_start3A_86 = arith.constant 0 : i32
    %dma_start3A_87 = tpu.memref_slice %arg8[%dma_start3A_86] : memref<5008xi32, #tpu.memory_space<vmem>> -> memref<5000xi32, #tpu.memory_space<vmem>>
    %dma_start3A_88 = tpu.memref_slice %arg2[%add3A_82] : memref<800000xi32, #tpu.memory_space<hbm>> -> memref<5000xi32, #tpu.memory_space<hbm>>
    tpu.enqueue_dma source(%dma_start3A_88 : memref<5000xi32, #tpu.memory_space<hbm>>) target(%dma_start3A_87 : memref<5000xi32, #tpu.memory_space<vmem>>) target_semaphore(%arg13 : memref<!tpu.dma_semaphore, #tpu.memory_space<semaphore_mem>>)
    %dma_start3A_89 = arith.constant 0 : i32
    %dma_start3A_90 = tpu.memref_slice %arg9[%dma_start3A_89] : memref<5008xi32, #tpu.memory_space<vmem>> -> memref<5000xi32, #tpu.memory_space<vmem>>
    %dma_start3A_91 = tpu.memref_slice %arg3[%add3A_82] : memref<800000xi32, #tpu.memory_space<hbm>> -> memref<5000xi32, #tpu.memory_space<hbm>>
    %dma_start3A_92 = arith.constant 0 : i32
    %dma_start3A_93 = tpu.memref_slice %arg9[%dma_start3A_92] : memref<5008xi32, #tpu.memory_space<vmem>> -> memref<5000xi32, #tpu.memory_space<vmem>>
    %dma_start3A_94 = tpu.memref_slice %arg3[%add3A_82] : memref<800000xi32, #tpu.memory_space<hbm>> -> memref<5000xi32, #tpu.memory_space<hbm>>
    tpu.enqueue_dma source(%dma_start3A_94 : memref<5000xi32, #tpu.memory_space<hbm>>) target(%dma_start3A_93 : memref<5000xi32, #tpu.memory_space<vmem>>) target_semaphore(%arg13 : memref<!tpu.dma_semaphore, #tpu.memory_space<semaphore_mem>>)
    %scan3A_95 = arith.constant 0 : i32
    %scan3A_96 = arith.constant 0 : i32
    %scan3A_97 = arith.constant 78 : i32
    %scan3A_98 = arith.addi %scan3A_96, %scan3A_97 : i32
    %scan3A_99 = arith.constant 1 : i32
    scf.for %scan3A_203 = %scan3A_96 to %scan3A_98 step %scan3A_99  : i32 {
      %mul3A_204 = arith.constant 64 : i32
      %mul3A_205 = arith.muli %scan3A_203, %mul3A_204 : i32
      %add3A_206 = arith.constant 0 : i32
      %add3A_207 = arith.addi %mul3A_205, %add3A_206 : i32
      %get3A_208 = arith.index_cast %add3A_207 : i32 to index
      %get3A_209 = tpu.vector_load %arg10[%get3A_208] {strides = array<i32>} : memref<5008xi32, #tpu.memory_space<vmem>>, vector<16xi32>,
      %get3A_210 = arith.index_cast %add3A_207 : i32 to index
      %get3A_211 = tpu.vector_load %arg11[%get3A_210] {strides = array<i32>} : memref<5008xi32, #tpu.memory_space<vmem>>, vector<16xi32>,
      %gather3A_212 = tpu.vector_load_idx %arg6[%get3A_211] : memref<50176xf32, #tpu.memory_space<vmem>>[vector<16xi32>], vector<16xf32>,
      tpu.vector_store_idx %arg7[%get3A_209], %gather3A_212 {add = true} : memref<50176xf32, #tpu.memory_space<vmem>>[vector<16xi32>], vector<16xf32>,
      %mul3A_213 = arith.constant 64 : i32
      %mul3A_214 = arith.muli %scan3A_203, %mul3A_213 : i32
      %add3A_215 = arith.constant 16 : i32
      %add3A_216 = arith.addi %mul3A_214, %add3A_215 : i32
      %get3A_217 = arith.index_cast %add3A_216 : i32 to index
      %get3A_218 = tpu.vector_load %arg10[%get3A_217] {strides = array<i32>} : memref<5008xi32, #tpu.memory_space<vmem>>, vector<16xi32>,
      %get3A_219 = arith.index_cast %add3A_216 : i32 to index
      %get3A_220 = tpu.vector_load %arg11[%get3A_219] {strides = array<i32>} : memref<5008xi32, #tpu.memory_space<vmem>>, vector<16xi32>,
      %gather3A_221 = tpu.vector_load_idx %arg6[%get3A_220] : memref<50176xf32, #tpu.memory_space<vmem>>[vector<16xi32>], vector<16xf32>,
      tpu.vector_store_idx %arg7[%get3A_218], %gather3A_221 {add = true} : memref<50176xf32, #tpu.memory_space<vmem>>[vector<16xi32>], vector<16xf32>,
      %mul3A_222 = arith.constant 64 : i32
      %mul3A_223 = arith.muli %scan3A_203, %mul3A_222 : i32
      %add3A_224 = arith.constant 32 : i32
      %add3A_225 = arith.addi %mul3A_223, %add3A_224 : i32
      %get3A_226 = arith.index_cast %add3A_225 : i32 to index
      %get3A_227 = tpu.vector_load %arg10[%get3A_226] {strides = array<i32>} : memref<5008xi32, #tpu.memory_space<vmem>>, vector<16xi32>,
      %get3A_228 = arith.index_cast %add3A_225 : i32 to index
      %get3A_229 = tpu.vector_load %arg11[%get3A_228] {strides = array<i32>} : memref<5008xi32, #tpu.memory_space<vmem>>, vector<16xi32>,
      %gather3A_230 = tpu.vector_load_idx %arg6[%get3A_229] : memref<50176xf32, #tpu.memory_space<vmem>>[vector<16xi32>], vector<16xf32>,
      tpu.vector_store_idx %arg7[%get3A_227], %gather3A_230 {add = true} : memref<50176xf32, #tpu.memory_space<vmem>>[vector<16xi32>], vector<16xf32>,
      %mul3A_231 = arith.constant 64 : i32
      %mul3A_232 = arith.muli %scan3A_203, %mul3A_231 : i32
      %add3A_233 = arith.constant 48 : i32
      %add3A_234 = arith.addi %mul3A_232, %add3A_233 : i32
      %get3A_235 = arith.index_cast %add3A_234 : i32 to index
      %get3A_236 = tpu.vector_load %arg10[%get3A_235] {strides = array<i32>} : memref<5008xi32, #tpu.memory_space<vmem>>, vector<16xi32>,
      %get3A_237 = arith.index_cast %add3A_234 : i32 to index
      %get3A_238 = tpu.vector_load %arg11[%get3A_237] {strides = array<i32>} : memref<5008xi32, #tpu.memory_space<vmem>>, vector<16xi32>,
      %gather3A_239 = tpu.vector_load_idx %arg6[%get3A_238] : memref<50176xf32, #tpu.memory_space<vmem>>[vector<16xi32>], vector<16xf32>,
      tpu.vector_store_idx %arg7[%get3A_236], %gather3A_239 {add = true} : memref<50176xf32, #tpu.memory_space<vmem>>[vector<16xi32>], vector<16xf32>,
    }
    %scan3A_100 = arith.constant 78 : i32
    %get3A_101 = arith.constant 4992 : index
    %get3A_102 = tpu.vector_load %arg10[%get3A_101] {strides = array<i32>} : memref<5008xi32, #tpu.memory_space<vmem>>, vector<16xi32>,
    %get3A_103 = arith.constant 4992 : index
    %get3A_104 = tpu.vector_load %arg11[%get3A_103] {strides = array<i32>} : memref<5008xi32, #tpu.memory_space<vmem>>, vector<16xi32>,
    %gather3A_105 = tpu.vector_load_idx %arg6[%get3A_104] masked %lt3A_34 : memref<50176xf32, #tpu.memory_space<vmem>>[vector<16xi32>], vector<16xf32>, vector<16xi1>
    tpu.vector_store_idx %arg7[%get3A_102], %gather3A_105 masked %lt3A_34 {add = true} : memref<50176xf32, #tpu.memory_space<vmem>>[vector<16xi32>], vector<16xf32>, vector<16xi1>
    %dma_wait3A_106 = arith.constant 0 : i32
    %dma_wait3A_107 = tpu.memref_slice %arg8[%dma_wait3A_106] : memref<5008xi32, #tpu.memory_space<vmem>> -> memref<5000xi32, #tpu.memory_space<vmem>>
    %dma_wait3A_108 = tpu.memref_slice %arg2[%add3A_82] : memref<800000xi32, #tpu.memory_space<hbm>> -> memref<5000xi32, #tpu.memory_space<hbm>>
    %dma_wait3A_109 = arith.constant 0 : i32
    %dma_wait3A_110 = tpu.memref_slice %arg8[%dma_wait3A_109] : memref<5008xi32, #tpu.memory_space<vmem>> -> memref<5000xi32, #tpu.memory_space<vmem>>
    %dma_wait3A_111 = tpu.memref_slice %arg2[%add3A_82] : memref<800000xi32, #tpu.memory_space<hbm>> -> memref<5000xi32, #tpu.memory_space<hbm>>
    tpu.wait_dma2 semaphore(%arg13 : memref<!tpu.dma_semaphore, #tpu.memory_space<semaphore_mem>>) src(%dma_wait3A_111 : memref<5000xi32, #tpu.memory_space<hbm>>) dst(%dma_wait3A_110 : memref<5000xi32, #tpu.memory_space<vmem>>)
    %dma_wait3A_112 = arith.constant 0 : i32
    %dma_wait3A_113 = tpu.memref_slice %arg9[%dma_wait3A_112] : memref<5008xi32, #tpu.memory_space<vmem>> -> memref<5000xi32, #tpu.memory_space<vmem>>
    %dma_wait3A_114 = tpu.memref_slice %arg3[%add3A_82] : memref<800000xi32, #tpu.memory_space<hbm>> -> memref<5000xi32, #tpu.memory_space<hbm>>
    %dma_wait3A_115 = arith.constant 0 : i32
    %dma_wait3A_116 = tpu.memref_slice %arg9[%dma_wait3A_115] : memref<5008xi32, #tpu.memory_space<vmem>> -> memref<5000xi32, #tpu.memory_space<vmem>>
    %dma_wait3A_117 = tpu.memref_slice %arg3[%add3A_82] : memref<800000xi32, #tpu.memory_space<hbm>> -> memref<5000xi32, #tpu.memory_space<hbm>>
    tpu.wait_dma2 semaphore(%arg13 : memref<!tpu.dma_semaphore, #tpu.memory_space<semaphore_mem>>) src(%dma_wait3A_117 : memref<5000xi32, #tpu.memory_space<hbm>>) dst(%dma_wait3A_116 : memref<5000xi32, #tpu.memory_space<vmem>>)
    %add3A_118 = arith.constant 15000 : i32
    %add3A_119 = arith.addi %mul3A_2, %add3A_118 : i32
    %dma_start3A_120 = arith.constant 0 : i32
    %dma_start3A_121 = tpu.memref_slice %arg10[%dma_start3A_120] : memref<5008xi32, #tpu.memory_space<vmem>> -> memref<5000xi32, #tpu.memory_space<vmem>>
    %dma_start3A_122 = tpu.memref_slice %arg2[%add3A_119] : memref<800000xi32, #tpu.memory_space<hbm>> -> memref<5000xi32, #tpu.memory_space<hbm>>
    %dma_start3A_123 = arith.constant 0 : i32
    %dma_start3A_124 = tpu.memref_slice %arg10[%dma_start3A_123] : memref<5008xi32, #tpu.memory_space<vmem>> -> memref<5000xi32, #tpu.memory_space<vmem>>
    %dma_start3A_125 = tpu.memref_slice %arg2[%add3A_119] : memref<800000xi32, #tpu.memory_space<hbm>> -> memref<5000xi32, #tpu.memory_space<hbm>>
    tpu.enqueue_dma source(%dma_start3A_125 : memref<5000xi32, #tpu.memory_space<hbm>>) target(%dma_start3A_124 : memref<5000xi32, #tpu.memory_space<vmem>>) target_semaphore(%arg14 : memref<!tpu.dma_semaphore, #tpu.memory_space<semaphore_mem>>)
    %dma_start3A_126 = arith.constant 0 : i32
    %dma_start3A_127 = tpu.memref_slice %arg11[%dma_start3A_126] : memref<5008xi32, #tpu.memory_space<vmem>> -> memref<5000xi32, #tpu.memory_space<vmem>>
    %dma_start3A_128 = tpu.memref_slice %arg3[%add3A_119] : memref<800000xi32, #tpu.memory_space<hbm>> -> memref<5000xi32, #tpu.memory_space<hbm>>
    %dma_start3A_129 = arith.constant 0 : i32
    %dma_start3A_130 = tpu.memref_slice %arg11[%dma_start3A_129] : memref<5008xi32, #tpu.memory_space<vmem>> -> memref<5000xi32, #tpu.memory_space<vmem>>
    %dma_start3A_131 = tpu.memref_slice %arg3[%add3A_119] : memref<800000xi32, #tpu.memory_space<hbm>> -> memref<5000xi32, #tpu.memory_space<hbm>>
    tpu.enqueue_dma source(%dma_start3A_131 : memref<5000xi32, #tpu.memory_space<hbm>>) target(%dma_start3A_130 : memref<5000xi32, #tpu.memory_space<vmem>>) target_semaphore(%arg14 : memref<!tpu.dma_semaphore, #tpu.memory_space<semaphore_mem>>)
    %scan3A_132 = arith.constant 0 : i32
    %scan3A_133 = arith.constant 0 : i32
    %scan3A_134 = arith.constant 78 : i32
    %scan3A_135 = arith.addi %scan3A_133, %scan3A_134 : i32
    %scan3A_136 = arith.constant 1 : i32
    scf.for %scan3A_203 = %scan3A_133 to %scan3A_135 step %scan3A_136  : i32 {
      %mul3A_204 = arith.constant 64 : i32
      %mul3A_205 = arith.muli %scan3A_203, %mul3A_204 : i32
      %add3A_206 = arith.constant 0 : i32
      %add3A_207 = arith.addi %mul3A_205, %add3A_206 : i32
      %get3A_208 = arith.index_cast %add3A_207 : i32 to index
      %get3A_209 = tpu.vector_load %arg8[%get3A_208] {strides = array<i32>} : memref<5008xi32, #tpu.memory_space<vmem>>, vector<16xi32>,
      %get3A_210 = arith.index_cast %add3A_207 : i32 to index
      %get3A_211 = tpu.vector_load %arg9[%get3A_210] {strides = array<i32>} : memref<5008xi32, #tpu.memory_space<vmem>>, vector<16xi32>,
      %gather3A_212 = tpu.vector_load_idx %arg6[%get3A_211] : memref<50176xf32, #tpu.memory_space<vmem>>[vector<16xi32>], vector<16xf32>,
      tpu.vector_store_idx %arg7[%get3A_209], %gather3A_212 {add = true} : memref<50176xf32, #tpu.memory_space<vmem>>[vector<16xi32>], vector<16xf32>,
      %mul3A_213 = arith.constant 64 : i32
      %mul3A_214 = arith.muli %scan3A_203, %mul3A_213 : i32
      %add3A_215 = arith.constant 16 : i32
      %add3A_216 = arith.addi %mul3A_214, %add3A_215 : i32
      %get3A_217 = arith.index_cast %add3A_216 : i32 to index
      %get3A_218 = tpu.vector_load %arg8[%get3A_217] {strides = array<i32>} : memref<5008xi32, #tpu.memory_space<vmem>>, vector<16xi32>,
      %get3A_219 = arith.index_cast %add3A_216 : i32 to index
      %get3A_220 = tpu.vector_load %arg9[%get3A_219] {strides = array<i32>} : memref<5008xi32, #tpu.memory_space<vmem>>, vector<16xi32>,
      %gather3A_221 = tpu.vector_load_idx %arg6[%get3A_220] : memref<50176xf32, #tpu.memory_space<vmem>>[vector<16xi32>], vector<16xf32>,
      tpu.vector_store_idx %arg7[%get3A_218], %gather3A_221 {add = true} : memref<50176xf32, #tpu.memory_space<vmem>>[vector<16xi32>], vector<16xf32>,
      %mul3A_222 = arith.constant 64 : i32
      %mul3A_223 = arith.muli %scan3A_203, %mul3A_222 : i32
      %add3A_224 = arith.constant 32 : i32
      %add3A_225 = arith.addi %mul3A_223, %add3A_224 : i32
      %get3A_226 = arith.index_cast %add3A_225 : i32 to index
      %get3A_227 = tpu.vector_load %arg8[%get3A_226] {strides = array<i32>} : memref<5008xi32, #tpu.memory_space<vmem>>, vector<16xi32>,
      %get3A_228 = arith.index_cast %add3A_225 : i32 to index
      %get3A_229 = tpu.vector_load %arg9[%get3A_228] {strides = array<i32>} : memref<5008xi32, #tpu.memory_space<vmem>>, vector<16xi32>,
      %gather3A_230 = tpu.vector_load_idx %arg6[%get3A_229] : memref<50176xf32, #tpu.memory_space<vmem>>[vector<16xi32>], vector<16xf32>,
      tpu.vector_store_idx %arg7[%get3A_227], %gather3A_230 {add = true} : memref<50176xf32, #tpu.memory_space<vmem>>[vector<16xi32>], vector<16xf32>,
      %mul3A_231 = arith.constant 64 : i32
      %mul3A_232 = arith.muli %scan3A_203, %mul3A_231 : i32
      %add3A_233 = arith.constant 48 : i32
      %add3A_234 = arith.addi %mul3A_232, %add3A_233 : i32
      %get3A_235 = arith.index_cast %add3A_234 : i32 to index
      %get3A_236 = tpu.vector_load %arg8[%get3A_235] {strides = array<i32>} : memref<5008xi32, #tpu.memory_space<vmem>>, vector<16xi32>,
      %get3A_237 = arith.index_cast %add3A_234 : i32 to index
      %get3A_238 = tpu.vector_load %arg9[%get3A_237] {strides = array<i32>} : memref<5008xi32, #tpu.memory_space<vmem>>, vector<16xi32>,
      %gather3A_239 = tpu.vector_load_idx %arg6[%get3A_238] : memref<50176xf32, #tpu.memory_space<vmem>>[vector<16xi32>], vector<16xf32>,
      tpu.vector_store_idx %arg7[%get3A_236], %gather3A_239 {add = true} : memref<50176xf32, #tpu.memory_space<vmem>>[vector<16xi32>], vector<16xf32>,
    }
    %scan3A_137 = arith.constant 78 : i32
    %get3A_138 = arith.constant 4992 : index
    %get3A_139 = tpu.vector_load %arg8[%get3A_138] {strides = array<i32>} : memref<5008xi32, #tpu.memory_space<vmem>>, vector<16xi32>,
    %get3A_140 = arith.constant 4992 : index
    %get3A_141 = tpu.vector_load %arg9[%get3A_140] {strides = array<i32>} : memref<5008xi32, #tpu.memory_space<vmem>>, vector<16xi32>,
    %gather3A_142 = tpu.vector_load_idx %arg6[%get3A_141] masked %lt3A_34 : memref<50176xf32, #tpu.memory_space<vmem>>[vector<16xi32>], vector<16xf32>, vector<16xi1>
    tpu.vector_store_idx %arg7[%get3A_139], %gather3A_142 masked %lt3A_34 {add = true} : memref<50176xf32, #tpu.memory_space<vmem>>[vector<16xi32>], vector<16xf32>, vector<16xi1>
    %dma_wait3A_143 = arith.constant 0 : i32
    %dma_wait3A_144 = tpu.memref_slice %arg10[%dma_wait3A_143] : memref<5008xi32, #tpu.memory_space<vmem>> -> memref<5000xi32, #tpu.memory_space<vmem>>
    %dma_wait3A_145 = tpu.memref_slice %arg2[%add3A_119] : memref<800000xi32, #tpu.memory_space<hbm>> -> memref<5000xi32, #tpu.memory_space<hbm>>
    %dma_wait3A_146 = arith.constant 0 : i32
    %dma_wait3A_147 = tpu.memref_slice %arg10[%dma_wait3A_146] : memref<5008xi32, #tpu.memory_space<vmem>> -> memref<5000xi32, #tpu.memory_space<vmem>>
    %dma_wait3A_148 = tpu.memref_slice %arg2[%add3A_119] : memref<800000xi32, #tpu.memory_space<hbm>> -> memref<5000xi32, #tpu.memory_space<hbm>>
    tpu.wait_dma2 semaphore(%arg14 : memref<!tpu.dma_semaphore, #tpu.memory_space<semaphore_mem>>) src(%dma_wait3A_148 : memref<5000xi32, #tpu.memory_space<hbm>>) dst(%dma_wait3A_147 : memref<5000xi32, #tpu.memory_space<vmem>>)
    %dma_wait3A_149 = arith.constant 0 : i32
    %dma_wait3A_150 = tpu.memref_slice %arg11[%dma_wait3A_149] : memref<5008xi32, #tpu.memory_space<vmem>> -> memref<5000xi32, #tpu.memory_space<vmem>>
    %dma_wait3A_151 = tpu.memref_slice %arg3[%add3A_119] : memref<800000xi32, #tpu.memory_space<hbm>> -> memref<5000xi32, #tpu.memory_space<hbm>>
    %dma_wait3A_152 = arith.constant 0 : i32
    %dma_wait3A_153 = tpu.memref_slice %arg11[%dma_wait3A_152] : memref<5008xi32, #tpu.memory_space<vmem>> -> memref<5000xi32, #tpu.memory_space<vmem>>
    %dma_wait3A_154 = tpu.memref_slice %arg3[%add3A_119] : memref<800000xi32, #tpu.memory_space<hbm>> -> memref<5000xi32, #tpu.memory_space<hbm>>
    tpu.wait_dma2 semaphore(%arg14 : memref<!tpu.dma_semaphore, #tpu.memory_space<semaphore_mem>>) src(%dma_wait3A_154 : memref<5000xi32, #tpu.memory_space<hbm>>) dst(%dma_wait3A_153 : memref<5000xi32, #tpu.memory_space<vmem>>)
    %add3A_155 = arith.constant 20000 : i32
    %add3A_156 = arith.addi %mul3A_2, %add3A_155 : i32
    %dma_start3A_157 = arith.constant 0 : i32
    %dma_start3A_158 = tpu.memref_slice %arg8[%dma_start3A_157] : memref<5008xi32, #tpu.memory_space<vmem>> -> memref<5000xi32, #tpu.memory_space<vmem>>
    %dma_start3A_159 = tpu.memref_slice %arg2[%add3A_156] : memref<800000xi32, #tpu.memory_space<hbm>> -> memref<5000xi32, #tpu.memory_space<hbm>>
    %dma_start3A_160 = arith.constant 0 : i32
    %dma_start3A_161 = tpu.memref_slice %arg8[%dma_start3A_160] : memref<5008xi32, #tpu.memory_space<vmem>> -> memref<5000xi32, #tpu.memory_space<vmem>>
    %dma_start3A_162 = tpu.memref_slice %arg2[%add3A_156] : memref<800000xi32, #tpu.memory_space<hbm>> -> memref<5000xi32, #tpu.memory_space<hbm>>
    tpu.enqueue_dma source(%dma_start3A_162 : memref<5000xi32, #tpu.memory_space<hbm>>) target(%dma_start3A_161 : memref<5000xi32, #tpu.memory_space<vmem>>) target_semaphore(%arg13 : memref<!tpu.dma_semaphore, #tpu.memory_space<semaphore_mem>>)
    %dma_start3A_163 = arith.constant 0 : i32
    %dma_start3A_164 = tpu.memref_slice %arg9[%dma_start3A_163] : memref<5008xi32, #tpu.memory_space<vmem>> -> memref<5000xi32, #tpu.memory_space<vmem>>
    %dma_start3A_165 = tpu.memref_slice %arg3[%add3A_156] : memref<800000xi32, #tpu.memory_space<hbm>> -> memref<5000xi32, #tpu.memory_space<hbm>>
    %dma_start3A_166 = arith.constant 0 : i32
    %dma_start3A_167 = tpu.memref_slice %arg9[%dma_start3A_166] : memref<5008xi32, #tpu.memory_space<vmem>> -> memref<5000xi32, #tpu.memory_space<vmem>>
    %dma_start3A_168 = tpu.memref_slice %arg3[%add3A_156] : memref<800000xi32, #tpu.memory_space<hbm>> -> memref<5000xi32, #tpu.memory_space<hbm>>
    tpu.enqueue_dma source(%dma_start3A_168 : memref<5000xi32, #tpu.memory_space<hbm>>) target(%dma_start3A_167 : memref<5000xi32, #tpu.memory_space<vmem>>) target_semaphore(%arg13 : memref<!tpu.dma_semaphore, #tpu.memory_space<semaphore_mem>>)
    %scan3A_169 = arith.constant 0 : i32
    %scan3A_170 = arith.constant 0 : i32
    %scan3A_171 = arith.constant 78 : i32
    %scan3A_172 = arith.addi %scan3A_170, %scan3A_171 : i32
    %scan3A_173 = arith.constant 1 : i32
    scf.for %scan3A_203 = %scan3A_170 to %scan3A_172 step %scan3A_173  : i32 {
      %mul3A_204 = arith.constant 64 : i32
      %mul3A_205 = arith.muli %scan3A_203, %mul3A_204 : i32
      %add3A_206 = arith.constant 0 : i32
      %add3A_207 = arith.addi %mul3A_205, %add3A_206 : i32
      %get3A_208 = arith.index_cast %add3A_207 : i32 to index
      %get3A_209 = tpu.vector_load %arg10[%get3A_208] {strides = array<i32>} : memref<5008xi32, #tpu.memory_space<vmem>>, vector<16xi32>,
      %get3A_210 = arith.index_cast %add3A_207 : i32 to index
      %get3A_211 = tpu.vector_load %arg11[%get3A_210] {strides = array<i32>} : memref<5008xi32, #tpu.memory_space<vmem>>, vector<16xi32>,
      %gather3A_212 = tpu.vector_load_idx %arg6[%get3A_211] : memref<50176xf32, #tpu.memory_space<vmem>>[vector<16xi32>], vector<16xf32>,
      tpu.vector_store_idx %arg7[%get3A_209], %gather3A_212 {add = true} : memref<50176xf32, #tpu.memory_space<vmem>>[vector<16xi32>], vector<16xf32>,
      %mul3A_213 = arith.constant 64 : i32
      %mul3A_214 = arith.muli %scan3A_203, %mul3A_213 : i32
      %add3A_215 = arith.constant 16 : i32
      %add3A_216 = arith.addi %mul3A_214, %add3A_215 : i32
      %get3A_217 = arith.index_cast %add3A_216 : i32 to index
      %get3A_218 = tpu.vector_load %arg10[%get3A_217] {strides = array<i32>} : memref<5008xi32, #tpu.memory_space<vmem>>, vector<16xi32>,
      %get3A_219 = arith.index_cast %add3A_216 : i32 to index
      %get3A_220 = tpu.vector_load %arg11[%get3A_219] {strides = array<i32>} : memref<5008xi32, #tpu.memory_space<vmem>>, vector<16xi32>,
      %gather3A_221 = tpu.vector_load_idx %arg6[%get3A_220] : memref<50176xf32, #tpu.memory_space<vmem>>[vector<16xi32>], vector<16xf32>,
      tpu.vector_store_idx %arg7[%get3A_218], %gather3A_221 {add = true} : memref<50176xf32, #tpu.memory_space<vmem>>[vector<16xi32>], vector<16xf32>,
      %mul3A_222 = arith.constant 64 : i32
      %mul3A_223 = arith.muli %scan3A_203, %mul3A_222 : i32
      %add3A_224 = arith.constant 32 : i32
      %add3A_225 = arith.addi %mul3A_223, %add3A_224 : i32
      %get3A_226 = arith.index_cast %add3A_225 : i32 to index
      %get3A_227 = tpu.vector_load %arg10[%get3A_226] {strides = array<i32>} : memref<5008xi32, #tpu.memory_space<vmem>>, vector<16xi32>,
      %get3A_228 = arith.index_cast %add3A_225 : i32 to index
      %get3A_229 = tpu.vector_load %arg11[%get3A_228] {strides = array<i32>} : memref<5008xi32, #tpu.memory_space<vmem>>, vector<16xi32>,
      %gather3A_230 = tpu.vector_load_idx %arg6[%get3A_229] : memref<50176xf32, #tpu.memory_space<vmem>>[vector<16xi32>], vector<16xf32>,
      tpu.vector_store_idx %arg7[%get3A_227], %gather3A_230 {add = true} : memref<50176xf32, #tpu.memory_space<vmem>>[vector<16xi32>], vector<16xf32>,
      %mul3A_231 = arith.constant 64 : i32
      %mul3A_232 = arith.muli %scan3A_203, %mul3A_231 : i32
      %add3A_233 = arith.constant 48 : i32
      %add3A_234 = arith.addi %mul3A_232, %add3A_233 : i32
      %get3A_235 = arith.index_cast %add3A_234 : i32 to index
      %get3A_236 = tpu.vector_load %arg10[%get3A_235] {strides = array<i32>} : memref<5008xi32, #tpu.memory_space<vmem>>, vector<16xi32>,
      %get3A_237 = arith.index_cast %add3A_234 : i32 to index
      %get3A_238 = tpu.vector_load %arg11[%get3A_237] {strides = array<i32>} : memref<5008xi32, #tpu.memory_space<vmem>>, vector<16xi32>,
      %gather3A_239 = tpu.vector_load_idx %arg6[%get3A_238] : memref<50176xf32, #tpu.memory_space<vmem>>[vector<16xi32>], vector<16xf32>,
      tpu.vector_store_idx %arg7[%get3A_236], %gather3A_239 {add = true} : memref<50176xf32, #tpu.memory_space<vmem>>[vector<16xi32>], vector<16xf32>,
    }
    %scan3A_174 = arith.constant 78 : i32
    %get3A_175 = arith.constant 4992 : index
    %get3A_176 = tpu.vector_load %arg10[%get3A_175] {strides = array<i32>} : memref<5008xi32, #tpu.memory_space<vmem>>, vector<16xi32>,
    %get3A_177 = arith.constant 4992 : index
    %get3A_178 = tpu.vector_load %arg11[%get3A_177] {strides = array<i32>} : memref<5008xi32, #tpu.memory_space<vmem>>, vector<16xi32>,
    %gather3A_179 = tpu.vector_load_idx %arg6[%get3A_178] masked %lt3A_34 : memref<50176xf32, #tpu.memory_space<vmem>>[vector<16xi32>], vector<16xf32>, vector<16xi1>
    tpu.vector_store_idx %arg7[%get3A_176], %gather3A_179 masked %lt3A_34 {add = true} : memref<50176xf32, #tpu.memory_space<vmem>>[vector<16xi32>], vector<16xf32>, vector<16xi1>
    %dma_wait3A_180 = arith.constant 0 : i32
    %dma_wait3A_181 = tpu.memref_slice %arg8[%dma_wait3A_180] : memref<5008xi32, #tpu.memory_space<vmem>> -> memref<5000xi32, #tpu.memory_space<vmem>>
    %dma_wait3A_182 = tpu.memref_slice %arg2[%add3A_156] : memref<800000xi32, #tpu.memory_space<hbm>> -> memref<5000xi32, #tpu.memory_space<hbm>>
    %dma_wait3A_183 = arith.constant 0 : i32
    %dma_wait3A_184 = tpu.memref_slice %arg8[%dma_wait3A_183] : memref<5008xi32, #tpu.memory_space<vmem>> -> memref<5000xi32, #tpu.memory_space<vmem>>
    %dma_wait3A_185 = tpu.memref_slice %arg2[%add3A_156] : memref<800000xi32, #tpu.memory_space<hbm>> -> memref<5000xi32, #tpu.memory_space<hbm>>
    tpu.wait_dma2 semaphore(%arg13 : memref<!tpu.dma_semaphore, #tpu.memory_space<semaphore_mem>>) src(%dma_wait3A_185 : memref<5000xi32, #tpu.memory_space<hbm>>) dst(%dma_wait3A_184 : memref<5000xi32, #tpu.memory_space<vmem>>)
    %dma_wait3A_186 = arith.constant 0 : i32
    %dma_wait3A_187 = tpu.memref_slice %arg9[%dma_wait3A_186] : memref<5008xi32, #tpu.memory_space<vmem>> -> memref<5000xi32, #tpu.memory_space<vmem>>
    %dma_wait3A_188 = tpu.memref_slice %arg3[%add3A_156] : memref<800000xi32, #tpu.memory_space<hbm>> -> memref<5000xi32, #tpu.memory_space<hbm>>
    %dma_wait3A_189 = arith.constant 0 : i32
    %dma_wait3A_190 = tpu.memref_slice %arg9[%dma_wait3A_189] : memref<5008xi32, #tpu.memory_space<vmem>> -> memref<5000xi32, #tpu.memory_space<vmem>>
    %dma_wait3A_191 = tpu.memref_slice %arg3[%add3A_156] : memref<800000xi32, #tpu.memory_space<hbm>> -> memref<5000xi32, #tpu.memory_space<hbm>>
    tpu.wait_dma2 semaphore(%arg13 : memref<!tpu.dma_semaphore, #tpu.memory_space<semaphore_mem>>) src(%dma_wait3A_191 : memref<5000xi32, #tpu.memory_space<hbm>>) dst(%dma_wait3A_190 : memref<5000xi32, #tpu.memory_space<vmem>>)
    %scan3A_192 = arith.constant 0 : i32
    %scan3A_193 = arith.constant 0 : i32
    %scan3A_194 = arith.constant 78 : i32
    %scan3A_195 = arith.addi %scan3A_193, %scan3A_194 : i32
    %scan3A_196 = arith.constant 1 : i32
    scf.for %scan3A_203 = %scan3A_193 to %scan3A_195 step %scan3A_196  : i32 {
      %mul3A_204 = arith.constant 64 : i32
      %mul3A_205 = arith.muli %scan3A_203, %mul3A_204 : i32
      %add3A_206 = arith.constant 0 : i32
      %add3A_207 = arith.addi %mul3A_205, %add3A_206 : i32
      %get3A_208 = arith.index_cast %add3A_207 : i32 to index
      %get3A_209 = tpu.vector_load %arg8[%get3A_208] {strides = array<i32>} : memref<5008xi32, #tpu.memory_space<vmem>>, vector<16xi32>,
      %get3A_210 = arith.index_cast %add3A_207 : i32 to index
      %get3A_211 = tpu.vector_load %arg9[%get3A_210] {strides = array<i32>} : memref<5008xi32, #tpu.memory_space<vmem>>, vector<16xi32>,
      %gather3A_212 = tpu.vector_load_idx %arg6[%get3A_211] : memref<50176xf32, #tpu.memory_space<vmem>>[vector<16xi32>], vector<16xf32>,
      tpu.vector_store_idx %arg7[%get3A_209], %gather3A_212 {add = true} : memref<50176xf32, #tpu.memory_space<vmem>>[vector<16xi32>], vector<16xf32>,
      %mul3A_213 = arith.constant 64 : i32
      %mul3A_214 = arith.muli %scan3A_203, %mul3A_213 : i32
      %add3A_215 = arith.constant 16 : i32
      %add3A_216 = arith.addi %mul3A_214, %add3A_215 : i32
      %get3A_217 = arith.index_cast %add3A_216 : i32 to index
      %get3A_218 = tpu.vector_load %arg8[%get3A_217] {strides = array<i32>} : memref<5008xi32, #tpu.memory_space<vmem>>, vector<16xi32>,
      %get3A_219 = arith.index_cast %add3A_216 : i32 to index
      %get3A_220 = tpu.vector_load %arg9[%get3A_219] {strides = array<i32>} : memref<5008xi32, #tpu.memory_space<vmem>>, vector<16xi32>,
      %gather3A_221 = tpu.vector_load_idx %arg6[%get3A_220] : memref<50176xf32, #tpu.memory_space<vmem>>[vector<16xi32>], vector<16xf32>,
      tpu.vector_store_idx %arg7[%get3A_218], %gather3A_221 {add = true} : memref<50176xf32, #tpu.memory_space<vmem>>[vector<16xi32>], vector<16xf32>,
      %mul3A_222 = arith.constant 64 : i32
      %mul3A_223 = arith.muli %scan3A_203, %mul3A_222 : i32
      %add3A_224 = arith.constant 32 : i32
      %add3A_225 = arith.addi %mul3A_223, %add3A_224 : i32
      %get3A_226 = arith.index_cast %add3A_225 : i32 to index
      %get3A_227 = tpu.vector_load %arg8[%get3A_226] {strides = array<i32>} : memref<5008xi32, #tpu.memory_space<vmem>>, vector<16xi32>,
      %get3A_228 = arith.index_cast %add3A_225 : i32 to index
      %get3A_229 = tpu.vector_load %arg9[%get3A_228] {strides = array<i32>} : memref<5008xi32, #tpu.memory_space<vmem>>, vector<16xi32>,
      %gather3A_230 = tpu.vector_load_idx %arg6[%get3A_229] : memref<50176xf32, #tpu.memory_space<vmem>>[vector<16xi32>], vector<16xf32>,
      tpu.vector_store_idx %arg7[%get3A_227], %gather3A_230 {add = true} : memref<50176xf32, #tpu.memory_space<vmem>>[vector<16xi32>], vector<16xf32>,
      %mul3A_231 = arith.constant 64 : i32
      %mul3A_232 = arith.muli %scan3A_203, %mul3A_231 : i32
      %add3A_233 = arith.constant 48 : i32
      %add3A_234 = arith.addi %mul3A_232, %add3A_233 : i32
      %get3A_235 = arith.index_cast %add3A_234 : i32 to index
      %get3A_236 = tpu.vector_load %arg8[%get3A_235] {strides = array<i32>} : memref<5008xi32, #tpu.memory_space<vmem>>, vector<16xi32>,
      %get3A_237 = arith.index_cast %add3A_234 : i32 to index
      %get3A_238 = tpu.vector_load %arg9[%get3A_237] {strides = array<i32>} : memref<5008xi32, #tpu.memory_space<vmem>>, vector<16xi32>,
      %gather3A_239 = tpu.vector_load_idx %arg6[%get3A_238] : memref<50176xf32, #tpu.memory_space<vmem>>[vector<16xi32>], vector<16xf32>,
      tpu.vector_store_idx %arg7[%get3A_236], %gather3A_239 {add = true} : memref<50176xf32, #tpu.memory_space<vmem>>[vector<16xi32>], vector<16xf32>,
    }
    %scan3A_197 = arith.constant 78 : i32
    %get3A_198 = arith.constant 4992 : index
    %get3A_199 = tpu.vector_load %arg8[%get3A_198] {strides = array<i32>} : memref<5008xi32, #tpu.memory_space<vmem>>, vector<16xi32>,
    %get3A_200 = arith.constant 4992 : index
    %get3A_201 = tpu.vector_load %arg9[%get3A_200] {strides = array<i32>} : memref<5008xi32, #tpu.memory_space<vmem>>, vector<16xi32>,
    %gather3A_202 = tpu.vector_load_idx %arg6[%get3A_201] masked %lt3A_34 : memref<50176xf32, #tpu.memory_space<vmem>>[vector<16xi32>], vector<16xf32>, vector<16xi1>
    tpu.vector_store_idx %arg7[%get3A_199], %gather3A_202 masked %lt3A_34 {add = true} : memref<50176xf32, #tpu.memory_space<vmem>>[vector<16xi32>], vector<16xf32>, vector<16xi1>
    "tpu.region"() ({
      %run_scoped3A = tpu.sem_alloc : memref<!tpu.dma_semaphore, #tpu.memory_space<semaphore_mem>>
      %dma_start3A_203 = arith.constant 0 : i32
      %dma_start3A_204 = tpu.memref_slice %arg5[%add3A, %dma_start3A_203] : memref<32x50176xf32, #tpu.memory_space<hbm>> -> memref<1x50176xf32, #tpu.memory_space<hbm>>
      %dma_start3A_205 = tpu.memref_squeeze %dma_start3A_204 : memref<1x50176xf32, #tpu.memory_space<hbm>> -> memref<50176xf32, #tpu.memory_space<hbm>>
      %dma_start3A_206 = arith.constant 0 : i32
      %dma_start3A_207 = tpu.memref_slice %arg5[%add3A, %dma_start3A_206] : memref<32x50176xf32, #tpu.memory_space<hbm>> -> memref<1x50176xf32, #tpu.memory_space<hbm>>
      %dma_start3A_208 = tpu.memref_squeeze %dma_start3A_207 : memref<1x50176xf32, #tpu.memory_space<hbm>> -> memref<50176xf32, #tpu.memory_space<hbm>>
      tpu.enqueue_dma source(%arg7 : memref<50176xf32, #tpu.memory_space<vmem>>) target(%dma_start3A_208 : memref<50176xf32, #tpu.memory_space<hbm>>) target_semaphore(%run_scoped3A : memref<!tpu.dma_semaphore, #tpu.memory_space<semaphore_mem>>)
      %dma_wait3A_209 = arith.constant 0 : i32
      %dma_wait3A_210 = tpu.memref_slice %arg5[%add3A, %dma_wait3A_209] : memref<32x50176xf32, #tpu.memory_space<hbm>> -> memref<1x50176xf32, #tpu.memory_space<hbm>>
      %dma_wait3A_211 = tpu.memref_squeeze %dma_wait3A_210 : memref<1x50176xf32, #tpu.memory_space<hbm>> -> memref<50176xf32, #tpu.memory_space<hbm>>
      %dma_wait3A_212 = arith.constant 0 : i32
      %dma_wait3A_213 = tpu.memref_slice %arg5[%add3A, %dma_wait3A_212] : memref<32x50176xf32, #tpu.memory_space<hbm>> -> memref<1x50176xf32, #tpu.memory_space<hbm>>
      %dma_wait3A_214 = tpu.memref_squeeze %dma_wait3A_213 : memref<1x50176xf32, #tpu.memory_space<hbm>> -> memref<50176xf32, #tpu.memory_space<hbm>>
      tpu.wait_dma2 semaphore(%run_scoped3A : memref<!tpu.dma_semaphore, #tpu.memory_space<semaphore_mem>>) src(%arg7 : memref<50176xf32, #tpu.memory_space<vmem>>) dst(%dma_wait3A_214 : memref<50176xf32, #tpu.memory_space<hbm>>)
      tpu.yield
    }) : () -> ()
    return
  }
}

#map = affine_map<(d0, d1) -> (0)>
#map1 = affine_map<(d0, d1) -> (0, 0)>
module attributes {stable_mosaic.version = 14 : i64} {
  func.func @_sc_pass_body(%arg0: i32, %arg1: i32, %arg2: memref<800000xi32, #tpu.memory_space<hbm>>, %arg3: memref<800000xi32, #tpu.memory_space<hbm>>, %arg4: memref<50176xf32, #tpu.memory_space<hbm>>, %arg5: memref<32x50176xf32, #tpu.memory_space<hbm>>, %arg6: memref<50176xf32, #tpu.memory_space<vmem>>, %arg7: memref<50176xf32, #tpu.memory_space<vmem>>, %arg8: memref<5008xi32, #tpu.memory_space<vmem>>, %arg9: memref<5008xi32, #tpu.memory_space<vmem>>, %arg10: memref<5008xi32, #tpu.memory_space<vmem>>, %arg11: memref<5008xi32, #tpu.memory_space<vmem>>, %arg12: memref<!tpu.dma_semaphore, #tpu.memory_space<semaphore_mem>>, %arg13: memref<!tpu.dma_semaphore, #tpu.memory_space<semaphore_mem>>, %arg14: memref<!tpu.dma_semaphore, #tpu.memory_space<semaphore_mem>>) attributes {dimension_semantics = [#tpu.dimension_semantics<core_parallel>, #tpu.dimension_semantics<subcore_parallel>], iteration_bounds = array<i64: 2, 16>, scalar_prefetch = 0 : i64, scratch_operands = 9 : i64, tpu.core_type = #tpu.core_type<sc_vector_subcore>, window_params = [{transform_indices = #map}, {transform_indices = #map}, {transform_indices = #map}, {transform_indices = #map1}]} {
    %mul3A = arith.constant 2 : i32
    %mul3A_0 = arith.muli %arg1, %mul3A : i32
    %add3A = arith.addi %mul3A_0, %arg0 : i32
    %mul3A_1 = arith.constant 25000 : i32
    %mul3A_2 = arith.muli %add3A, %mul3A_1 : i32
    tpu.enqueue_dma source(%arg4 : memref<50176xf32, #tpu.memory_space<hbm>>) target(%arg6 : memref<50176xf32, #tpu.memory_space<vmem>>) target_semaphore(%arg12 : memref<!tpu.dma_semaphore, #tpu.memory_space<semaphore_mem>>)
    %add3A_3 = arith.constant 0 : i32
    %add3A_4 = arith.addi %mul3A_2, %add3A_3 : i32
    %dma_start3A = arith.constant 0 : i32
    %dma_start3A_5 = tpu.memref_slice %arg8[%dma_start3A] : memref<5008xi32, #tpu.memory_space<vmem>> -> memref<5000xi32, #tpu.memory_space<vmem>>
    %dma_start3A_6 = tpu.memref_slice %arg2[%add3A_4] : memref<800000xi32, #tpu.memory_space<hbm>> -> memref<5000xi32, #tpu.memory_space<hbm>>
    %dma_start3A_7 = arith.constant 0 : i32
    %dma_start3A_8 = tpu.memref_slice %arg8[%dma_start3A_7] : memref<5008xi32, #tpu.memory_space<vmem>> -> memref<5000xi32, #tpu.memory_space<vmem>>
    %dma_start3A_9 = tpu.memref_slice %arg2[%add3A_4] : memref<800000xi32, #tpu.memory_space<hbm>> -> memref<5000xi32, #tpu.memory_space<hbm>>
    tpu.enqueue_dma source(%dma_start3A_9 : memref<5000xi32, #tpu.memory_space<hbm>>) target(%dma_start3A_8 : memref<5000xi32, #tpu.memory_space<vmem>>) target_semaphore(%arg13 : memref<!tpu.dma_semaphore, #tpu.memory_space<semaphore_mem>>)
    %dma_start3A_10 = arith.constant 0 : i32
    %dma_start3A_11 = tpu.memref_slice %arg9[%dma_start3A_10] : memref<5008xi32, #tpu.memory_space<vmem>> -> memref<5000xi32, #tpu.memory_space<vmem>>
    %dma_start3A_12 = tpu.memref_slice %arg3[%add3A_4] : memref<800000xi32, #tpu.memory_space<hbm>> -> memref<5000xi32, #tpu.memory_space<hbm>>
    %dma_start3A_13 = arith.constant 0 : i32
    %dma_start3A_14 = tpu.memref_slice %arg9[%dma_start3A_13] : memref<5008xi32, #tpu.memory_space<vmem>> -> memref<5000xi32, #tpu.memory_space<vmem>>
    %dma_start3A_15 = tpu.memref_slice %arg3[%add3A_4] : memref<800000xi32, #tpu.memory_space<hbm>> -> memref<5000xi32, #tpu.memory_space<hbm>>
    tpu.enqueue_dma source(%dma_start3A_15 : memref<5000xi32, #tpu.memory_space<hbm>>) target(%dma_start3A_14 : memref<5000xi32, #tpu.memory_space<vmem>>) target_semaphore(%arg13 : memref<!tpu.dma_semaphore, #tpu.memory_space<semaphore_mem>>)
    %broadcast_in_dim3A = arith.constant 0.000000e+00 : f32
    %broadcast_in_dim3A_16 = vector.broadcast %broadcast_in_dim3A : f32 to vector<16xf32>
    %broadcast_in_dim3A_17 = arith.constant 0 : i32
    %broadcast_in_dim3A_18 = vector.broadcast %broadcast_in_dim3A_17 : i32 to vector<16xi32>
    %swap3A = arith.constant 4992 : index
    %swap3A_19 = tpu.vector_load %arg8[%swap3A] {strides = array<i32>} : memref<5008xi32, #tpu.memory_space<vmem>>, vector<16xi32>,
    tpu.vector_store %arg8[%swap3A], %broadcast_in_dim3A_18 {strides = array<i32>} : memref<5008xi32, #tpu.memory_space<vmem>>, vector<16xi32>,
    %swap3A_20 = arith.constant 4992 : index
    %swap3A_21 = tpu.vector_load %arg9[%swap3A_20] {strides = array<i32>} : memref<5008xi32, #tpu.memory_space<vmem>>, vector<16xi32>,
    tpu.vector_store %arg9[%swap3A_20], %broadcast_in_dim3A_18 {strides = array<i32>} : memref<5008xi32, #tpu.memory_space<vmem>>, vector<16xi32>,
    %swap3A_22 = arith.constant 4992 : index
    %swap3A_23 = tpu.vector_load %arg10[%swap3A_22] {strides = array<i32>} : memref<5008xi32, #tpu.memory_space<vmem>>, vector<16xi32>,
    tpu.vector_store %arg10[%swap3A_22], %broadcast_in_dim3A_18 {strides = array<i32>} : memref<5008xi32, #tpu.memory_space<vmem>>, vector<16xi32>,
    %swap3A_24 = arith.constant 4992 : index
    %swap3A_25 = tpu.vector_load %arg11[%swap3A_24] {strides = array<i32>} : memref<5008xi32, #tpu.memory_space<vmem>>, vector<16xi32>,
    tpu.vector_store %arg11[%swap3A_24], %broadcast_in_dim3A_18 {strides = array<i32>} : memref<5008xi32, #tpu.memory_space<vmem>>, vector<16xi32>,
    %scan3A = arith.constant 0 : i32
    %scan3A_26 = arith.constant 0 : i32
    %scan3A_27 = arith.constant 392 : i32
    %scan3A_28 = arith.addi %scan3A_26, %scan3A_27 : i32
    %scan3A_29 = arith.constant 1 : i32
    scf.for %scan3A_203 = %scan3A_26 to %scan3A_28 step %scan3A_29  : i32 {
      %mul3A_204 = arith.constant 128 : i32
      %mul3A_205 = arith.muli %scan3A_203, %mul3A_204 : i32
      %add3A_206 = arith.constant 0 : i32
      %add3A_207 = arith.addi %mul3A_205, %add3A_206 : i32
      %swap3A_208 = arith.index_cast %add3A_207 : i32 to index
      %swap3A_209 = tpu.vector_load %arg7[%swap3A_208] {strides = array<i32>} : memref<50176xf32, #tpu.memory_space<vmem>>, vector<16xf32>,
      tpu.vector_store %arg7[%swap3A_208], %broadcast_in_dim3A_16 {strides = array<i32>} : memref<50176xf32, #tpu.memory_space<vmem>>, vector<16xf32>,
      %mul3A_210 = arith.constant 128 : i32
      %mul3A_211 = arith.muli %scan3A_203, %mul3A_210 : i32
      %add3A_212 = arith.constant 16 : i32
      %add3A_213 = arith.addi %mul3A_211, %add3A_212 : i32
      %swap3A_214 = arith.index_cast %add3A_213 : i32 to index
      %swap3A_215 = tpu.vector_load %arg7[%swap3A_214] {strides = array<i32>} : memref<50176xf32, #tpu.memory_space<vmem>>, vector<16xf32>,
      tpu.vector_store %arg7[%swap3A_214], %broadcast_in_dim3A_16 {strides = array<i32>} : memref<50176xf32, #tpu.memory_space<vmem>>, vector<16xf32>,
      %mul3A_216 = arith.constant 128 : i32
      %mul3A_217 = arith.muli %scan3A_203, %mul3A_216 : i32
      %add3A_218 = arith.constant 32 : i32
      %add3A_219 = arith.addi %mul3A_217, %add3A_218 : i32
      %swap3A_220 = arith.index_cast %add3A_219 : i32 to index
      %swap3A_221 = tpu.vector_load %arg7[%swap3A_220] {strides = array<i32>} : memref<50176xf32, #tpu.memory_space<vmem>>, vector<16xf32>,
      tpu.vector_store %arg7[%swap3A_220], %broadcast_in_dim3A_16 {strides = array<i32>} : memref<50176xf32, #tpu.memory_space<vmem>>, vector<16xf32>,
      %mul3A_222 = arith.constant 128 : i32
      %mul3A_223 = arith.muli %scan3A_203, %mul3A_222 : i32
      %add3A_224 = arith.constant 48 : i32
      %add3A_225 = arith.addi %mul3A_223, %add3A_224 : i32
      %swap3A_226 = arith.index_cast %add3A_225 : i32 to index
      %swap3A_227 = tpu.vector_load %arg7[%swap3A_226] {strides = array<i32>} : memref<50176xf32, #tpu.memory_space<vmem>>, vector<16xf32>,
      tpu.vector_store %arg7[%swap3A_226], %broadcast_in_dim3A_16 {strides = array<i32>} : memref<50176xf32, #tpu.memory_space<vmem>>, vector<16xf32>,
      %mul3A_228 = arith.constant 128 : i32
      %mul3A_229 = arith.muli %scan3A_203, %mul3A_228 : i32
      %add3A_230 = arith.constant 64 : i32
      %add3A_231 = arith.addi %mul3A_229, %add3A_230 : i32
      %swap3A_232 = arith.index_cast %add3A_231 : i32 to index
      %swap3A_233 = tpu.vector_load %arg7[%swap3A_232] {strides = array<i32>} : memref<50176xf32, #tpu.memory_space<vmem>>, vector<16xf32>,
      tpu.vector_store %arg7[%swap3A_232], %broadcast_in_dim3A_16 {strides = array<i32>} : memref<50176xf32, #tpu.memory_space<vmem>>, vector<16xf32>,
      %mul3A_234 = arith.constant 128 : i32
      %mul3A_235 = arith.muli %scan3A_203, %mul3A_234 : i32
      %add3A_236 = arith.constant 80 : i32
      %add3A_237 = arith.addi %mul3A_235, %add3A_236 : i32
      %swap3A_238 = arith.index_cast %add3A_237 : i32 to index
      %swap3A_239 = tpu.vector_load %arg7[%swap3A_238] {strides = array<i32>} : memref<50176xf32, #tpu.memory_space<vmem>>, vector<16xf32>,
      tpu.vector_store %arg7[%swap3A_238], %broadcast_in_dim3A_16 {strides = array<i32>} : memref<50176xf32, #tpu.memory_space<vmem>>, vector<16xf32>,
      %mul3A_240 = arith.constant 128 : i32
      %mul3A_241 = arith.muli %scan3A_203, %mul3A_240 : i32
      %add3A_242 = arith.constant 96 : i32
      %add3A_243 = arith.addi %mul3A_241, %add3A_242 : i32
      %swap3A_244 = arith.index_cast %add3A_243 : i32 to index
      %swap3A_245 = tpu.vector_load %arg7[%swap3A_244] {strides = array<i32>} : memref<50176xf32, #tpu.memory_space<vmem>>, vector<16xf32>,
      tpu.vector_store %arg7[%swap3A_244], %broadcast_in_dim3A_16 {strides = array<i32>} : memref<50176xf32, #tpu.memory_space<vmem>>, vector<16xf32>,
      %mul3A_246 = arith.constant 128 : i32
      %mul3A_247 = arith.muli %scan3A_203, %mul3A_246 : i32
      %add3A_248 = arith.constant 112 : i32
      %add3A_249 = arith.addi %mul3A_247, %add3A_248 : i32
      %swap3A_250 = arith.index_cast %add3A_249 : i32 to index
      %swap3A_251 = tpu.vector_load %arg7[%swap3A_250] {strides = array<i32>} : memref<50176xf32, #tpu.memory_space<vmem>>, vector<16xf32>,
      tpu.vector_store %arg7[%swap3A_250], %broadcast_in_dim3A_16 {strides = array<i32>} : memref<50176xf32, #tpu.memory_space<vmem>>, vector<16xf32>,
    }
    %scan3A_30 = arith.constant 392 : i32
    tpu.wait_dma2 semaphore(%arg12 : memref<!tpu.dma_semaphore, #tpu.memory_space<semaphore_mem>>) src(%arg4 : memref<50176xf32, #tpu.memory_space<hbm>>) dst(%arg6 : memref<50176xf32, #tpu.memory_space<vmem>>)
    %broadcast_in_dim3A_31 = arith.constant 1.000000e+00 : f32
    %broadcast_in_dim3A_32 = vector.broadcast %broadcast_in_dim3A_31 : f32 to vector<16xf32>
    %iota3A = tpu.iota {dimensions = array<i32: 0>} : vector<16xi32>
    %lt3A = arith.constant 8 : i32
    %lt3A_33 = vector.broadcast %lt3A : i32 to vector<16xi32>
    %lt3A_34 = arith.cmpi slt, %iota3A, %lt3A_33 : vector<16xi32>
    %dma_wait3A = arith.constant 0 : i32
    %dma_wait3A_35 = tpu.memref_slice %arg8[%dma_wait3A] : memref<5008xi32, #tpu.memory_space<vmem>> -> memref<5000xi32, #tpu.memory_space<vmem>>
    %dma_wait3A_36 = tpu.memref_slice %arg2[%add3A_4] : memref<800000xi32, #tpu.memory_space<hbm>> -> memref<5000xi32, #tpu.memory_space<hbm>>
    %dma_wait3A_37 = arith.constant 0 : i32
    %dma_wait3A_38 = tpu.memref_slice %arg8[%dma_wait3A_37] : memref<5008xi32, #tpu.memory_space<vmem>> -> memref<5000xi32, #tpu.memory_space<vmem>>
    %dma_wait3A_39 = tpu.memref_slice %arg2[%add3A_4] : memref<800000xi32, #tpu.memory_space<hbm>> -> memref<5000xi32, #tpu.memory_space<hbm>>
    tpu.wait_dma2 semaphore(%arg13 : memref<!tpu.dma_semaphore, #tpu.memory_space<semaphore_mem>>) src(%dma_wait3A_39 : memref<5000xi32, #tpu.memory_space<hbm>>) dst(%dma_wait3A_38 : memref<5000xi32, #tpu.memory_space<vmem>>)
    %dma_wait3A_40 = arith.constant 0 : i32
    %dma_wait3A_41 = tpu.memref_slice %arg9[%dma_wait3A_40] : memref<5008xi32, #tpu.memory_space<vmem>> -> memref<5000xi32, #tpu.memory_space<vmem>>
    %dma_wait3A_42 = tpu.memref_slice %arg3[%add3A_4] : memref<800000xi32, #tpu.memory_space<hbm>> -> memref<5000xi32, #tpu.memory_space<hbm>>
    %dma_wait3A_43 = arith.constant 0 : i32
    %dma_wait3A_44 = tpu.memref_slice %arg9[%dma_wait3A_43] : memref<5008xi32, #tpu.memory_space<vmem>> -> memref<5000xi32, #tpu.memory_space<vmem>>
    %dma_wait3A_45 = tpu.memref_slice %arg3[%add3A_4] : memref<800000xi32, #tpu.memory_space<hbm>> -> memref<5000xi32, #tpu.memory_space<hbm>>
    tpu.wait_dma2 semaphore(%arg13 : memref<!tpu.dma_semaphore, #tpu.memory_space<semaphore_mem>>) src(%dma_wait3A_45 : memref<5000xi32, #tpu.memory_space<hbm>>) dst(%dma_wait3A_44 : memref<5000xi32, #tpu.memory_space<vmem>>)
    %add3A_46 = arith.constant 5000 : i32
    %add3A_47 = arith.addi %mul3A_2, %add3A_46 : i32
    %dma_start3A_48 = arith.constant 0 : i32
    %dma_start3A_49 = tpu.memref_slice %arg10[%dma_start3A_48] : memref<5008xi32, #tpu.memory_space<vmem>> -> memref<5000xi32, #tpu.memory_space<vmem>>
    %dma_start3A_50 = tpu.memref_slice %arg2[%add3A_47] : memref<800000xi32, #tpu.memory_space<hbm>> -> memref<5000xi32, #tpu.memory_space<hbm>>
    %dma_start3A_51 = arith.constant 0 : i32
    %dma_start3A_52 = tpu.memref_slice %arg10[%dma_start3A_51] : memref<5008xi32, #tpu.memory_space<vmem>> -> memref<5000xi32, #tpu.memory_space<vmem>>
    %dma_start3A_53 = tpu.memref_slice %arg2[%add3A_47] : memref<800000xi32, #tpu.memory_space<hbm>> -> memref<5000xi32, #tpu.memory_space<hbm>>
    tpu.enqueue_dma source(%dma_start3A_53 : memref<5000xi32, #tpu.memory_space<hbm>>) target(%dma_start3A_52 : memref<5000xi32, #tpu.memory_space<vmem>>) target_semaphore(%arg14 : memref<!tpu.dma_semaphore, #tpu.memory_space<semaphore_mem>>)
    %dma_start3A_54 = arith.constant 0 : i32
    %dma_start3A_55 = tpu.memref_slice %arg11[%dma_start3A_54] : memref<5008xi32, #tpu.memory_space<vmem>> -> memref<5000xi32, #tpu.memory_space<vmem>>
    %dma_start3A_56 = tpu.memref_slice %arg3[%add3A_47] : memref<800000xi32, #tpu.memory_space<hbm>> -> memref<5000xi32, #tpu.memory_space<hbm>>
    %dma_start3A_57 = arith.constant 0 : i32
    %dma_start3A_58 = tpu.memref_slice %arg11[%dma_start3A_57] : memref<5008xi32, #tpu.memory_space<vmem>> -> memref<5000xi32, #tpu.memory_space<vmem>>
    %dma_start3A_59 = tpu.memref_slice %arg3[%add3A_47] : memref<800000xi32, #tpu.memory_space<hbm>> -> memref<5000xi32, #tpu.memory_space<hbm>>
    tpu.enqueue_dma source(%dma_start3A_59 : memref<5000xi32, #tpu.memory_space<hbm>>) target(%dma_start3A_58 : memref<5000xi32, #tpu.memory_space<vmem>>) target_semaphore(%arg14 : memref<!tpu.dma_semaphore, #tpu.memory_space<semaphore_mem>>)
    %scan3A_60 = arith.constant 0 : i32
    %scan3A_61 = arith.constant 0 : i32
    %scan3A_62 = arith.constant 78 : i32
    %scan3A_63 = arith.addi %scan3A_61, %scan3A_62 : i32
    %scan3A_64 = arith.constant 1 : i32
    scf.for %scan3A_203 = %scan3A_61 to %scan3A_63 step %scan3A_64  : i32 {
      %mul3A_204 = arith.constant 64 : i32
      %mul3A_205 = arith.muli %scan3A_203, %mul3A_204 : i32
      %add3A_206 = arith.constant 0 : i32
      %add3A_207 = arith.addi %mul3A_205, %add3A_206 : i32
      %get3A_208 = arith.index_cast %add3A_207 : i32 to index
      %get3A_209 = tpu.vector_load %arg8[%get3A_208] {strides = array<i32>} : memref<5008xi32, #tpu.memory_space<vmem>>, vector<16xi32>,
      %get3A_210 = arith.index_cast %add3A_207 : i32 to index
      %get3A_211 = tpu.vector_load %arg9[%get3A_210] {strides = array<i32>} : memref<5008xi32, #tpu.memory_space<vmem>>, vector<16xi32>,
      %gather3A_212 = tpu.vector_load_idx %arg6[%get3A_211] : memref<50176xf32, #tpu.memory_space<vmem>>[vector<16xi32>], vector<16xf32>,
      tpu.vector_store_idx %arg7[%get3A_209], %gather3A_212 {add = true} : memref<50176xf32, #tpu.memory_space<vmem>>[vector<16xi32>], vector<16xf32>,
      %mul3A_213 = arith.constant 64 : i32
      %mul3A_214 = arith.muli %scan3A_203, %mul3A_213 : i32
      %add3A_215 = arith.constant 16 : i32
      %add3A_216 = arith.addi %mul3A_214, %add3A_215 : i32
      %get3A_217 = arith.index_cast %add3A_216 : i32 to index
      %get3A_218 = tpu.vector_load %arg8[%get3A_217] {strides = array<i32>} : memref<5008xi32, #tpu.memory_space<vmem>>, vector<16xi32>,
      %get3A_219 = arith.index_cast %add3A_216 : i32 to index
      %get3A_220 = tpu.vector_load %arg9[%get3A_219] {strides = array<i32>} : memref<5008xi32, #tpu.memory_space<vmem>>, vector<16xi32>,
      %gather3A_221 = tpu.vector_load_idx %arg6[%get3A_220] : memref<50176xf32, #tpu.memory_space<vmem>>[vector<16xi32>], vector<16xf32>,
      tpu.vector_store_idx %arg7[%get3A_218], %gather3A_221 {add = true} : memref<50176xf32, #tpu.memory_space<vmem>>[vector<16xi32>], vector<16xf32>,
      %mul3A_222 = arith.constant 64 : i32
      %mul3A_223 = arith.muli %scan3A_203, %mul3A_222 : i32
      %add3A_224 = arith.constant 32 : i32
      %add3A_225 = arith.addi %mul3A_223, %add3A_224 : i32
      %get3A_226 = arith.index_cast %add3A_225 : i32 to index
      %get3A_227 = tpu.vector_load %arg8[%get3A_226] {strides = array<i32>} : memref<5008xi32, #tpu.memory_space<vmem>>, vector<16xi32>,
      %get3A_228 = arith.index_cast %add3A_225 : i32 to index
      %get3A_229 = tpu.vector_load %arg9[%get3A_228] {strides = array<i32>} : memref<5008xi32, #tpu.memory_space<vmem>>, vector<16xi32>,
      %gather3A_230 = tpu.vector_load_idx %arg6[%get3A_229] : memref<50176xf32, #tpu.memory_space<vmem>>[vector<16xi32>], vector<16xf32>,
      tpu.vector_store_idx %arg7[%get3A_227], %gather3A_230 {add = true} : memref<50176xf32, #tpu.memory_space<vmem>>[vector<16xi32>], vector<16xf32>,
      %mul3A_231 = arith.constant 64 : i32
      %mul3A_232 = arith.muli %scan3A_203, %mul3A_231 : i32
      %add3A_233 = arith.constant 48 : i32
      %add3A_234 = arith.addi %mul3A_232, %add3A_233 : i32
      %get3A_235 = arith.index_cast %add3A_234 : i32 to index
      %get3A_236 = tpu.vector_load %arg8[%get3A_235] {strides = array<i32>} : memref<5008xi32, #tpu.memory_space<vmem>>, vector<16xi32>,
      %get3A_237 = arith.index_cast %add3A_234 : i32 to index
      %get3A_238 = tpu.vector_load %arg9[%get3A_237] {strides = array<i32>} : memref<5008xi32, #tpu.memory_space<vmem>>, vector<16xi32>,
      %gather3A_239 = tpu.vector_load_idx %arg6[%get3A_238] : memref<50176xf32, #tpu.memory_space<vmem>>[vector<16xi32>], vector<16xf32>,
      tpu.vector_store_idx %arg7[%get3A_236], %gather3A_239 {add = true} : memref<50176xf32, #tpu.memory_space<vmem>>[vector<16xi32>], vector<16xf32>,
    }
    %scan3A_65 = arith.constant 78 : i32
    %get3A = arith.constant 4992 : index
    %get3A_66 = tpu.vector_load %arg8[%get3A] {strides = array<i32>} : memref<5008xi32, #tpu.memory_space<vmem>>, vector<16xi32>,
    %get3A_67 = arith.constant 4992 : index
    %get3A_68 = tpu.vector_load %arg9[%get3A_67] {strides = array<i32>} : memref<5008xi32, #tpu.memory_space<vmem>>, vector<16xi32>,
    %gather3A = tpu.vector_load_idx %arg6[%get3A_68] masked %lt3A_34 : memref<50176xf32, #tpu.memory_space<vmem>>[vector<16xi32>], vector<16xf32>, vector<16xi1>
    tpu.vector_store_idx %arg7[%get3A_66], %gather3A masked %lt3A_34 {add = true} : memref<50176xf32, #tpu.memory_space<vmem>>[vector<16xi32>], vector<16xf32>, vector<16xi1>
    %dma_wait3A_69 = arith.constant 0 : i32
    %dma_wait3A_70 = tpu.memref_slice %arg10[%dma_wait3A_69] : memref<5008xi32, #tpu.memory_space<vmem>> -> memref<5000xi32, #tpu.memory_space<vmem>>
    %dma_wait3A_71 = tpu.memref_slice %arg2[%add3A_47] : memref<800000xi32, #tpu.memory_space<hbm>> -> memref<5000xi32, #tpu.memory_space<hbm>>
    %dma_wait3A_72 = arith.constant 0 : i32
    %dma_wait3A_73 = tpu.memref_slice %arg10[%dma_wait3A_72] : memref<5008xi32, #tpu.memory_space<vmem>> -> memref<5000xi32, #tpu.memory_space<vmem>>
    %dma_wait3A_74 = tpu.memref_slice %arg2[%add3A_47] : memref<800000xi32, #tpu.memory_space<hbm>> -> memref<5000xi32, #tpu.memory_space<hbm>>
    tpu.wait_dma2 semaphore(%arg14 : memref<!tpu.dma_semaphore, #tpu.memory_space<semaphore_mem>>) src(%dma_wait3A_74 : memref<5000xi32, #tpu.memory_space<hbm>>) dst(%dma_wait3A_73 : memref<5000xi32, #tpu.memory_space<vmem>>)
    %dma_wait3A_75 = arith.constant 0 : i32
    %dma_wait3A_76 = tpu.memref_slice %arg11[%dma_wait3A_75] : memref<5008xi32, #tpu.memory_space<vmem>> -> memref<5000xi32, #tpu.memory_space<vmem>>
    %dma_wait3A_77 = tpu.memref_slice %arg3[%add3A_47] : memref<800000xi32, #tpu.memory_space<hbm>> -> memref<5000xi32, #tpu.memory_space<hbm>>
    %dma_wait3A_78 = arith.constant 0 : i32
    %dma_wait3A_79 = tpu.memref_slice %arg11[%dma_wait3A_78] : memref<5008xi32, #tpu.memory_space<vmem>> -> memref<5000xi32, #tpu.memory_space<vmem>>
    %dma_wait3A_80 = tpu.memref_slice %arg3[%add3A_47] : memref<800000xi32, #tpu.memory_space<hbm>> -> memref<5000xi32, #tpu.memory_space<hbm>>
    tpu.wait_dma2 semaphore(%arg14 : memref<!tpu.dma_semaphore, #tpu.memory_space<semaphore_mem>>) src(%dma_wait3A_80 : memref<5000xi32, #tpu.memory_space<hbm>>) dst(%dma_wait3A_79 : memref<5000xi32, #tpu.memory_space<vmem>>)
    %add3A_81 = arith.constant 10000 : i32
    %add3A_82 = arith.addi %mul3A_2, %add3A_81 : i32
    %dma_start3A_83 = arith.constant 0 : i32
    %dma_start3A_84 = tpu.memref_slice %arg8[%dma_start3A_83] : memref<5008xi32, #tpu.memory_space<vmem>> -> memref<5000xi32, #tpu.memory_space<vmem>>
    %dma_start3A_85 = tpu.memref_slice %arg2[%add3A_82] : memref<800000xi32, #tpu.memory_space<hbm>> -> memref<5000xi32, #tpu.memory_space<hbm>>
    %dma_start3A_86 = arith.constant 0 : i32
    %dma_start3A_87 = tpu.memref_slice %arg8[%dma_start3A_86] : memref<5008xi32, #tpu.memory_space<vmem>> -> memref<5000xi32, #tpu.memory_space<vmem>>
    %dma_start3A_88 = tpu.memref_slice %arg2[%add3A_82] : memref<800000xi32, #tpu.memory_space<hbm>> -> memref<5000xi32, #tpu.memory_space<hbm>>
    tpu.enqueue_dma source(%dma_start3A_88 : memref<5000xi32, #tpu.memory_space<hbm>>) target(%dma_start3A_87 : memref<5000xi32, #tpu.memory_space<vmem>>) target_semaphore(%arg13 : memref<!tpu.dma_semaphore, #tpu.memory_space<semaphore_mem>>)
    %dma_start3A_89 = arith.constant 0 : i32
    %dma_start3A_90 = tpu.memref_slice %arg9[%dma_start3A_89] : memref<5008xi32, #tpu.memory_space<vmem>> -> memref<5000xi32, #tpu.memory_space<vmem>>
    %dma_start3A_91 = tpu.memref_slice %arg3[%add3A_82] : memref<800000xi32, #tpu.memory_space<hbm>> -> memref<5000xi32, #tpu.memory_space<hbm>>
    %dma_start3A_92 = arith.constant 0 : i32
    %dma_start3A_93 = tpu.memref_slice %arg9[%dma_start3A_92] : memref<5008xi32, #tpu.memory_space<vmem>> -> memref<5000xi32, #tpu.memory_space<vmem>>
    %dma_start3A_94 = tpu.memref_slice %arg3[%add3A_82] : memref<800000xi32, #tpu.memory_space<hbm>> -> memref<5000xi32, #tpu.memory_space<hbm>>
    tpu.enqueue_dma source(%dma_start3A_94 : memref<5000xi32, #tpu.memory_space<hbm>>) target(%dma_start3A_93 : memref<5000xi32, #tpu.memory_space<vmem>>) target_semaphore(%arg13 : memref<!tpu.dma_semaphore, #tpu.memory_space<semaphore_mem>>)
    %scan3A_95 = arith.constant 0 : i32
    %scan3A_96 = arith.constant 0 : i32
    %scan3A_97 = arith.constant 78 : i32
    %scan3A_98 = arith.addi %scan3A_96, %scan3A_97 : i32
    %scan3A_99 = arith.constant 1 : i32
    scf.for %scan3A_203 = %scan3A_96 to %scan3A_98 step %scan3A_99  : i32 {
      %mul3A_204 = arith.constant 64 : i32
      %mul3A_205 = arith.muli %scan3A_203, %mul3A_204 : i32
      %add3A_206 = arith.constant 0 : i32
      %add3A_207 = arith.addi %mul3A_205, %add3A_206 : i32
      %get3A_208 = arith.index_cast %add3A_207 : i32 to index
      %get3A_209 = tpu.vector_load %arg10[%get3A_208] {strides = array<i32>} : memref<5008xi32, #tpu.memory_space<vmem>>, vector<16xi32>,
      %get3A_210 = arith.index_cast %add3A_207 : i32 to index
      %get3A_211 = tpu.vector_load %arg11[%get3A_210] {strides = array<i32>} : memref<5008xi32, #tpu.memory_space<vmem>>, vector<16xi32>,
      %gather3A_212 = tpu.vector_load_idx %arg6[%get3A_211] : memref<50176xf32, #tpu.memory_space<vmem>>[vector<16xi32>], vector<16xf32>,
      tpu.vector_store_idx %arg7[%get3A_209], %gather3A_212 {add = true} : memref<50176xf32, #tpu.memory_space<vmem>>[vector<16xi32>], vector<16xf32>,
      %mul3A_213 = arith.constant 64 : i32
      %mul3A_214 = arith.muli %scan3A_203, %mul3A_213 : i32
      %add3A_215 = arith.constant 16 : i32
      %add3A_216 = arith.addi %mul3A_214, %add3A_215 : i32
      %get3A_217 = arith.index_cast %add3A_216 : i32 to index
      %get3A_218 = tpu.vector_load %arg10[%get3A_217] {strides = array<i32>} : memref<5008xi32, #tpu.memory_space<vmem>>, vector<16xi32>,
      %get3A_219 = arith.index_cast %add3A_216 : i32 to index
      %get3A_220 = tpu.vector_load %arg11[%get3A_219] {strides = array<i32>} : memref<5008xi32, #tpu.memory_space<vmem>>, vector<16xi32>,
      %gather3A_221 = tpu.vector_load_idx %arg6[%get3A_220] : memref<50176xf32, #tpu.memory_space<vmem>>[vector<16xi32>], vector<16xf32>,
      tpu.vector_store_idx %arg7[%get3A_218], %gather3A_221 {add = true} : memref<50176xf32, #tpu.memory_space<vmem>>[vector<16xi32>], vector<16xf32>,
      %mul3A_222 = arith.constant 64 : i32
      %mul3A_223 = arith.muli %scan3A_203, %mul3A_222 : i32
      %add3A_224 = arith.constant 32 : i32
      %add3A_225 = arith.addi %mul3A_223, %add3A_224 : i32
      %get3A_226 = arith.index_cast %add3A_225 : i32 to index
      %get3A_227 = tpu.vector_load %arg10[%get3A_226] {strides = array<i32>} : memref<5008xi32, #tpu.memory_space<vmem>>, vector<16xi32>,
      %get3A_228 = arith.index_cast %add3A_225 : i32 to index
      %get3A_229 = tpu.vector_load %arg11[%get3A_228] {strides = array<i32>} : memref<5008xi32, #tpu.memory_space<vmem>>, vector<16xi32>,
      %gather3A_230 = tpu.vector_load_idx %arg6[%get3A_229] : memref<50176xf32, #tpu.memory_space<vmem>>[vector<16xi32>], vector<16xf32>,
      tpu.vector_store_idx %arg7[%get3A_227], %gather3A_230 {add = true} : memref<50176xf32, #tpu.memory_space<vmem>>[vector<16xi32>], vector<16xf32>,
      %mul3A_231 = arith.constant 64 : i32
      %mul3A_232 = arith.muli %scan3A_203, %mul3A_231 : i32
      %add3A_233 = arith.constant 48 : i32
      %add3A_234 = arith.addi %mul3A_232, %add3A_233 : i32
      %get3A_235 = arith.index_cast %add3A_234 : i32 to index
      %get3A_236 = tpu.vector_load %arg10[%get3A_235] {strides = array<i32>} : memref<5008xi32, #tpu.memory_space<vmem>>, vector<16xi32>,
      %get3A_237 = arith.index_cast %add3A_234 : i32 to index
      %get3A_238 = tpu.vector_load %arg11[%get3A_237] {strides = array<i32>} : memref<5008xi32, #tpu.memory_space<vmem>>, vector<16xi32>,
      %gather3A_239 = tpu.vector_load_idx %arg6[%get3A_238] : memref<50176xf32, #tpu.memory_space<vmem>>[vector<16xi32>], vector<16xf32>,
      tpu.vector_store_idx %arg7[%get3A_236], %gather3A_239 {add = true} : memref<50176xf32, #tpu.memory_space<vmem>>[vector<16xi32>], vector<16xf32>,
    }
    %scan3A_100 = arith.constant 78 : i32
    %get3A_101 = arith.constant 4992 : index
    %get3A_102 = tpu.vector_load %arg10[%get3A_101] {strides = array<i32>} : memref<5008xi32, #tpu.memory_space<vmem>>, vector<16xi32>,
    %get3A_103 = arith.constant 4992 : index
    %get3A_104 = tpu.vector_load %arg11[%get3A_103] {strides = array<i32>} : memref<5008xi32, #tpu.memory_space<vmem>>, vector<16xi32>,
    %gather3A_105 = tpu.vector_load_idx %arg6[%get3A_104] masked %lt3A_34 : memref<50176xf32, #tpu.memory_space<vmem>>[vector<16xi32>], vector<16xf32>, vector<16xi1>
    tpu.vector_store_idx %arg7[%get3A_102], %gather3A_105 masked %lt3A_34 {add = true} : memref<50176xf32, #tpu.memory_space<vmem>>[vector<16xi32>], vector<16xf32>, vector<16xi1>
    %dma_wait3A_106 = arith.constant 0 : i32
    %dma_wait3A_107 = tpu.memref_slice %arg8[%dma_wait3A_106] : memref<5008xi32, #tpu.memory_space<vmem>> -> memref<5000xi32, #tpu.memory_space<vmem>>
    %dma_wait3A_108 = tpu.memref_slice %arg2[%add3A_82] : memref<800000xi32, #tpu.memory_space<hbm>> -> memref<5000xi32, #tpu.memory_space<hbm>>
    %dma_wait3A_109 = arith.constant 0 : i32
    %dma_wait3A_110 = tpu.memref_slice %arg8[%dma_wait3A_109] : memref<5008xi32, #tpu.memory_space<vmem>> -> memref<5000xi32, #tpu.memory_space<vmem>>
    %dma_wait3A_111 = tpu.memref_slice %arg2[%add3A_82] : memref<800000xi32, #tpu.memory_space<hbm>> -> memref<5000xi32, #tpu.memory_space<hbm>>
    tpu.wait_dma2 semaphore(%arg13 : memref<!tpu.dma_semaphore, #tpu.memory_space<semaphore_mem>>) src(%dma_wait3A_111 : memref<5000xi32, #tpu.memory_space<hbm>>) dst(%dma_wait3A_110 : memref<5000xi32, #tpu.memory_space<vmem>>)
    %dma_wait3A_112 = arith.constant 0 : i32
    %dma_wait3A_113 = tpu.memref_slice %arg9[%dma_wait3A_112] : memref<5008xi32, #tpu.memory_space<vmem>> -> memref<5000xi32, #tpu.memory_space<vmem>>
    %dma_wait3A_114 = tpu.memref_slice %arg3[%add3A_82] : memref<800000xi32, #tpu.memory_space<hbm>> -> memref<5000xi32, #tpu.memory_space<hbm>>
    %dma_wait3A_115 = arith.constant 0 : i32
    %dma_wait3A_116 = tpu.memref_slice %arg9[%dma_wait3A_115] : memref<5008xi32, #tpu.memory_space<vmem>> -> memref<5000xi32, #tpu.memory_space<vmem>>
    %dma_wait3A_117 = tpu.memref_slice %arg3[%add3A_82] : memref<800000xi32, #tpu.memory_space<hbm>> -> memref<5000xi32, #tpu.memory_space<hbm>>
    tpu.wait_dma2 semaphore(%arg13 : memref<!tpu.dma_semaphore, #tpu.memory_space<semaphore_mem>>) src(%dma_wait3A_117 : memref<5000xi32, #tpu.memory_space<hbm>>) dst(%dma_wait3A_116 : memref<5000xi32, #tpu.memory_space<vmem>>)
    %add3A_118 = arith.constant 15000 : i32
    %add3A_119 = arith.addi %mul3A_2, %add3A_118 : i32
    %dma_start3A_120 = arith.constant 0 : i32
    %dma_start3A_121 = tpu.memref_slice %arg10[%dma_start3A_120] : memref<5008xi32, #tpu.memory_space<vmem>> -> memref<5000xi32, #tpu.memory_space<vmem>>
    %dma_start3A_122 = tpu.memref_slice %arg2[%add3A_119] : memref<800000xi32, #tpu.memory_space<hbm>> -> memref<5000xi32, #tpu.memory_space<hbm>>
    %dma_start3A_123 = arith.constant 0 : i32
    %dma_start3A_124 = tpu.memref_slice %arg10[%dma_start3A_123] : memref<5008xi32, #tpu.memory_space<vmem>> -> memref<5000xi32, #tpu.memory_space<vmem>>
    %dma_start3A_125 = tpu.memref_slice %arg2[%add3A_119] : memref<800000xi32, #tpu.memory_space<hbm>> -> memref<5000xi32, #tpu.memory_space<hbm>>
    tpu.enqueue_dma source(%dma_start3A_125 : memref<5000xi32, #tpu.memory_space<hbm>>) target(%dma_start3A_124 : memref<5000xi32, #tpu.memory_space<vmem>>) target_semaphore(%arg14 : memref<!tpu.dma_semaphore, #tpu.memory_space<semaphore_mem>>)
    %dma_start3A_126 = arith.constant 0 : i32
    %dma_start3A_127 = tpu.memref_slice %arg11[%dma_start3A_126] : memref<5008xi32, #tpu.memory_space<vmem>> -> memref<5000xi32, #tpu.memory_space<vmem>>
    %dma_start3A_128 = tpu.memref_slice %arg3[%add3A_119] : memref<800000xi32, #tpu.memory_space<hbm>> -> memref<5000xi32, #tpu.memory_space<hbm>>
    %dma_start3A_129 = arith.constant 0 : i32
    %dma_start3A_130 = tpu.memref_slice %arg11[%dma_start3A_129] : memref<5008xi32, #tpu.memory_space<vmem>> -> memref<5000xi32, #tpu.memory_space<vmem>>
    %dma_start3A_131 = tpu.memref_slice %arg3[%add3A_119] : memref<800000xi32, #tpu.memory_space<hbm>> -> memref<5000xi32, #tpu.memory_space<hbm>>
    tpu.enqueue_dma source(%dma_start3A_131 : memref<5000xi32, #tpu.memory_space<hbm>>) target(%dma_start3A_130 : memref<5000xi32, #tpu.memory_space<vmem>>) target_semaphore(%arg14 : memref<!tpu.dma_semaphore, #tpu.memory_space<semaphore_mem>>)
    %scan3A_132 = arith.constant 0 : i32
    %scan3A_133 = arith.constant 0 : i32
    %scan3A_134 = arith.constant 78 : i32
    %scan3A_135 = arith.addi %scan3A_133, %scan3A_134 : i32
    %scan3A_136 = arith.constant 1 : i32
    scf.for %scan3A_203 = %scan3A_133 to %scan3A_135 step %scan3A_136  : i32 {
      %mul3A_204 = arith.constant 64 : i32
      %mul3A_205 = arith.muli %scan3A_203, %mul3A_204 : i32
      %add3A_206 = arith.constant 0 : i32
      %add3A_207 = arith.addi %mul3A_205, %add3A_206 : i32
      %get3A_208 = arith.index_cast %add3A_207 : i32 to index
      %get3A_209 = tpu.vector_load %arg8[%get3A_208] {strides = array<i32>} : memref<5008xi32, #tpu.memory_space<vmem>>, vector<16xi32>,
      %get3A_210 = arith.index_cast %add3A_207 : i32 to index
      %get3A_211 = tpu.vector_load %arg9[%get3A_210] {strides = array<i32>} : memref<5008xi32, #tpu.memory_space<vmem>>, vector<16xi32>,
      %gather3A_212 = tpu.vector_load_idx %arg6[%get3A_211] : memref<50176xf32, #tpu.memory_space<vmem>>[vector<16xi32>], vector<16xf32>,
      tpu.vector_store_idx %arg7[%get3A_209], %gather3A_212 {add = true} : memref<50176xf32, #tpu.memory_space<vmem>>[vector<16xi32>], vector<16xf32>,
      %mul3A_213 = arith.constant 64 : i32
      %mul3A_214 = arith.muli %scan3A_203, %mul3A_213 : i32
      %add3A_215 = arith.constant 16 : i32
      %add3A_216 = arith.addi %mul3A_214, %add3A_215 : i32
      %get3A_217 = arith.index_cast %add3A_216 : i32 to index
      %get3A_218 = tpu.vector_load %arg8[%get3A_217] {strides = array<i32>} : memref<5008xi32, #tpu.memory_space<vmem>>, vector<16xi32>,
      %get3A_219 = arith.index_cast %add3A_216 : i32 to index
      %get3A_220 = tpu.vector_load %arg9[%get3A_219] {strides = array<i32>} : memref<5008xi32, #tpu.memory_space<vmem>>, vector<16xi32>,
      %gather3A_221 = tpu.vector_load_idx %arg6[%get3A_220] : memref<50176xf32, #tpu.memory_space<vmem>>[vector<16xi32>], vector<16xf32>,
      tpu.vector_store_idx %arg7[%get3A_218], %gather3A_221 {add = true} : memref<50176xf32, #tpu.memory_space<vmem>>[vector<16xi32>], vector<16xf32>,
      %mul3A_222 = arith.constant 64 : i32
      %mul3A_223 = arith.muli %scan3A_203, %mul3A_222 : i32
      %add3A_224 = arith.constant 32 : i32
      %add3A_225 = arith.addi %mul3A_223, %add3A_224 : i32
      %get3A_226 = arith.index_cast %add3A_225 : i32 to index
      %get3A_227 = tpu.vector_load %arg8[%get3A_226] {strides = array<i32>} : memref<5008xi32, #tpu.memory_space<vmem>>, vector<16xi32>,
      %get3A_228 = arith.index_cast %add3A_225 : i32 to index
      %get3A_229 = tpu.vector_load %arg9[%get3A_228] {strides = array<i32>} : memref<5008xi32, #tpu.memory_space<vmem>>, vector<16xi32>,
      %gather3A_230 = tpu.vector_load_idx %arg6[%get3A_229] : memref<50176xf32, #tpu.memory_space<vmem>>[vector<16xi32>], vector<16xf32>,
      tpu.vector_store_idx %arg7[%get3A_227], %gather3A_230 {add = true} : memref<50176xf32, #tpu.memory_space<vmem>>[vector<16xi32>], vector<16xf32>,
      %mul3A_231 = arith.constant 64 : i32
      %mul3A_232 = arith.muli %scan3A_203, %mul3A_231 : i32
      %add3A_233 = arith.constant 48 : i32
      %add3A_234 = arith.addi %mul3A_232, %add3A_233 : i32
      %get3A_235 = arith.index_cast %add3A_234 : i32 to index
      %get3A_236 = tpu.vector_load %arg8[%get3A_235] {strides = array<i32>} : memref<5008xi32, #tpu.memory_space<vmem>>, vector<16xi32>,
      %get3A_237 = arith.index_cast %add3A_234 : i32 to index
      %get3A_238 = tpu.vector_load %arg9[%get3A_237] {strides = array<i32>} : memref<5008xi32, #tpu.memory_space<vmem>>, vector<16xi32>,
      %gather3A_239 = tpu.vector_load_idx %arg6[%get3A_238] : memref<50176xf32, #tpu.memory_space<vmem>>[vector<16xi32>], vector<16xf32>,
      tpu.vector_store_idx %arg7[%get3A_236], %gather3A_239 {add = true} : memref<50176xf32, #tpu.memory_space<vmem>>[vector<16xi32>], vector<16xf32>,
    }
    %scan3A_137 = arith.constant 78 : i32
    %get3A_138 = arith.constant 4992 : index
    %get3A_139 = tpu.vector_load %arg8[%get3A_138] {strides = array<i32>} : memref<5008xi32, #tpu.memory_space<vmem>>, vector<16xi32>,
    %get3A_140 = arith.constant 4992 : index
    %get3A_141 = tpu.vector_load %arg9[%get3A_140] {strides = array<i32>} : memref<5008xi32, #tpu.memory_space<vmem>>, vector<16xi32>,
    %gather3A_142 = tpu.vector_load_idx %arg6[%get3A_141] masked %lt3A_34 : memref<50176xf32, #tpu.memory_space<vmem>>[vector<16xi32>], vector<16xf32>, vector<16xi1>
    tpu.vector_store_idx %arg7[%get3A_139], %gather3A_142 masked %lt3A_34 {add = true} : memref<50176xf32, #tpu.memory_space<vmem>>[vector<16xi32>], vector<16xf32>, vector<16xi1>
    %dma_wait3A_143 = arith.constant 0 : i32
    %dma_wait3A_144 = tpu.memref_slice %arg10[%dma_wait3A_143] : memref<5008xi32, #tpu.memory_space<vmem>> -> memref<5000xi32, #tpu.memory_space<vmem>>
    %dma_wait3A_145 = tpu.memref_slice %arg2[%add3A_119] : memref<800000xi32, #tpu.memory_space<hbm>> -> memref<5000xi32, #tpu.memory_space<hbm>>
    %dma_wait3A_146 = arith.constant 0 : i32
    %dma_wait3A_147 = tpu.memref_slice %arg10[%dma_wait3A_146] : memref<5008xi32, #tpu.memory_space<vmem>> -> memref<5000xi32, #tpu.memory_space<vmem>>
    %dma_wait3A_148 = tpu.memref_slice %arg2[%add3A_119] : memref<800000xi32, #tpu.memory_space<hbm>> -> memref<5000xi32, #tpu.memory_space<hbm>>
    tpu.wait_dma2 semaphore(%arg14 : memref<!tpu.dma_semaphore, #tpu.memory_space<semaphore_mem>>) src(%dma_wait3A_148 : memref<5000xi32, #tpu.memory_space<hbm>>) dst(%dma_wait3A_147 : memref<5000xi32, #tpu.memory_space<vmem>>)
    %dma_wait3A_149 = arith.constant 0 : i32
    %dma_wait3A_150 = tpu.memref_slice %arg11[%dma_wait3A_149] : memref<5008xi32, #tpu.memory_space<vmem>> -> memref<5000xi32, #tpu.memory_space<vmem>>
    %dma_wait3A_151 = tpu.memref_slice %arg3[%add3A_119] : memref<800000xi32, #tpu.memory_space<hbm>> -> memref<5000xi32, #tpu.memory_space<hbm>>
    %dma_wait3A_152 = arith.constant 0 : i32
    %dma_wait3A_153 = tpu.memref_slice %arg11[%dma_wait3A_152] : memref<5008xi32, #tpu.memory_space<vmem>> -> memref<5000xi32, #tpu.memory_space<vmem>>
    %dma_wait3A_154 = tpu.memref_slice %arg3[%add3A_119] : memref<800000xi32, #tpu.memory_space<hbm>> -> memref<5000xi32, #tpu.memory_space<hbm>>
    tpu.wait_dma2 semaphore(%arg14 : memref<!tpu.dma_semaphore, #tpu.memory_space<semaphore_mem>>) src(%dma_wait3A_154 : memref<5000xi32, #tpu.memory_space<hbm>>) dst(%dma_wait3A_153 : memref<5000xi32, #tpu.memory_space<vmem>>)
    %add3A_155 = arith.constant 20000 : i32
    %add3A_156 = arith.addi %mul3A_2, %add3A_155 : i32
    %dma_start3A_157 = arith.constant 0 : i32
    %dma_start3A_158 = tpu.memref_slice %arg8[%dma_start3A_157] : memref<5008xi32, #tpu.memory_space<vmem>> -> memref<5000xi32, #tpu.memory_space<vmem>>
    %dma_start3A_159 = tpu.memref_slice %arg2[%add3A_156] : memref<800000xi32, #tpu.memory_space<hbm>> -> memref<5000xi32, #tpu.memory_space<hbm>>
    %dma_start3A_160 = arith.constant 0 : i32
    %dma_start3A_161 = tpu.memref_slice %arg8[%dma_start3A_160] : memref<5008xi32, #tpu.memory_space<vmem>> -> memref<5000xi32, #tpu.memory_space<vmem>>
    %dma_start3A_162 = tpu.memref_slice %arg2[%add3A_156] : memref<800000xi32, #tpu.memory_space<hbm>> -> memref<5000xi32, #tpu.memory_space<hbm>>
    tpu.enqueue_dma source(%dma_start3A_162 : memref<5000xi32, #tpu.memory_space<hbm>>) target(%dma_start3A_161 : memref<5000xi32, #tpu.memory_space<vmem>>) target_semaphore(%arg13 : memref<!tpu.dma_semaphore, #tpu.memory_space<semaphore_mem>>)
    %dma_start3A_163 = arith.constant 0 : i32
    %dma_start3A_164 = tpu.memref_slice %arg9[%dma_start3A_163] : memref<5008xi32, #tpu.memory_space<vmem>> -> memref<5000xi32, #tpu.memory_space<vmem>>
    %dma_start3A_165 = tpu.memref_slice %arg3[%add3A_156] : memref<800000xi32, #tpu.memory_space<hbm>> -> memref<5000xi32, #tpu.memory_space<hbm>>
    %dma_start3A_166 = arith.constant 0 : i32
    %dma_start3A_167 = tpu.memref_slice %arg9[%dma_start3A_166] : memref<5008xi32, #tpu.memory_space<vmem>> -> memref<5000xi32, #tpu.memory_space<vmem>>
    %dma_start3A_168 = tpu.memref_slice %arg3[%add3A_156] : memref<800000xi32, #tpu.memory_space<hbm>> -> memref<5000xi32, #tpu.memory_space<hbm>>
    tpu.enqueue_dma source(%dma_start3A_168 : memref<5000xi32, #tpu.memory_space<hbm>>) target(%dma_start3A_167 : memref<5000xi32, #tpu.memory_space<vmem>>) target_semaphore(%arg13 : memref<!tpu.dma_semaphore, #tpu.memory_space<semaphore_mem>>)
    %scan3A_169 = arith.constant 0 : i32
    %scan3A_170 = arith.constant 0 : i32
    %scan3A_171 = arith.constant 78 : i32
    %scan3A_172 = arith.addi %scan3A_170, %scan3A_171 : i32
    %scan3A_173 = arith.constant 1 : i32
    scf.for %scan3A_203 = %scan3A_170 to %scan3A_172 step %scan3A_173  : i32 {
      %mul3A_204 = arith.constant 64 : i32
      %mul3A_205 = arith.muli %scan3A_203, %mul3A_204 : i32
      %add3A_206 = arith.constant 0 : i32
      %add3A_207 = arith.addi %mul3A_205, %add3A_206 : i32
      %get3A_208 = arith.index_cast %add3A_207 : i32 to index
      %get3A_209 = tpu.vector_load %arg10[%get3A_208] {strides = array<i32>} : memref<5008xi32, #tpu.memory_space<vmem>>, vector<16xi32>,
      %get3A_210 = arith.index_cast %add3A_207 : i32 to index
      %get3A_211 = tpu.vector_load %arg11[%get3A_210] {strides = array<i32>} : memref<5008xi32, #tpu.memory_space<vmem>>, vector<16xi32>,
      %gather3A_212 = tpu.vector_load_idx %arg6[%get3A_211] : memref<50176xf32, #tpu.memory_space<vmem>>[vector<16xi32>], vector<16xf32>,
      tpu.vector_store_idx %arg7[%get3A_209], %gather3A_212 {add = true} : memref<50176xf32, #tpu.memory_space<vmem>>[vector<16xi32>], vector<16xf32>,
      %mul3A_213 = arith.constant 64 : i32
      %mul3A_214 = arith.muli %scan3A_203, %mul3A_213 : i32
      %add3A_215 = arith.constant 16 : i32
      %add3A_216 = arith.addi %mul3A_214, %add3A_215 : i32
      %get3A_217 = arith.index_cast %add3A_216 : i32 to index
      %get3A_218 = tpu.vector_load %arg10[%get3A_217] {strides = array<i32>} : memref<5008xi32, #tpu.memory_space<vmem>>, vector<16xi32>,
      %get3A_219 = arith.index_cast %add3A_216 : i32 to index
      %get3A_220 = tpu.vector_load %arg11[%get3A_219] {strides = array<i32>} : memref<5008xi32, #tpu.memory_space<vmem>>, vector<16xi32>,
      %gather3A_221 = tpu.vector_load_idx %arg6[%get3A_220] : memref<50176xf32, #tpu.memory_space<vmem>>[vector<16xi32>], vector<16xf32>,
      tpu.vector_store_idx %arg7[%get3A_218], %gather3A_221 {add = true} : memref<50176xf32, #tpu.memory_space<vmem>>[vector<16xi32>], vector<16xf32>,
      %mul3A_222 = arith.constant 64 : i32
      %mul3A_223 = arith.muli %scan3A_203, %mul3A_222 : i32
      %add3A_224 = arith.constant 32 : i32
      %add3A_225 = arith.addi %mul3A_223, %add3A_224 : i32
      %get3A_226 = arith.index_cast %add3A_225 : i32 to index
      %get3A_227 = tpu.vector_load %arg10[%get3A_226] {strides = array<i32>} : memref<5008xi32, #tpu.memory_space<vmem>>, vector<16xi32>,
      %get3A_228 = arith.index_cast %add3A_225 : i32 to index
      %get3A_229 = tpu.vector_load %arg11[%get3A_228] {strides = array<i32>} : memref<5008xi32, #tpu.memory_space<vmem>>, vector<16xi32>,
      %gather3A_230 = tpu.vector_load_idx %arg6[%get3A_229] : memref<50176xf32, #tpu.memory_space<vmem>>[vector<16xi32>], vector<16xf32>,
      tpu.vector_store_idx %arg7[%get3A_227], %gather3A_230 {add = true} : memref<50176xf32, #tpu.memory_space<vmem>>[vector<16xi32>], vector<16xf32>,
      %mul3A_231 = arith.constant 64 : i32
      %mul3A_232 = arith.muli %scan3A_203, %mul3A_231 : i32
      %add3A_233 = arith.constant 48 : i32
      %add3A_234 = arith.addi %mul3A_232, %add3A_233 : i32
      %get3A_235 = arith.index_cast %add3A_234 : i32 to index
      %get3A_236 = tpu.vector_load %arg10[%get3A_235] {strides = array<i32>} : memref<5008xi32, #tpu.memory_space<vmem>>, vector<16xi32>,
      %get3A_237 = arith.index_cast %add3A_234 : i32 to index
      %get3A_238 = tpu.vector_load %arg11[%get3A_237] {strides = array<i32>} : memref<5008xi32, #tpu.memory_space<vmem>>, vector<16xi32>,
      %gather3A_239 = tpu.vector_load_idx %arg6[%get3A_238] : memref<50176xf32, #tpu.memory_space<vmem>>[vector<16xi32>], vector<16xf32>,
      tpu.vector_store_idx %arg7[%get3A_236], %gather3A_239 {add = true} : memref<50176xf32, #tpu.memory_space<vmem>>[vector<16xi32>], vector<16xf32>,
    }
    %scan3A_174 = arith.constant 78 : i32
    %get3A_175 = arith.constant 4992 : index
    %get3A_176 = tpu.vector_load %arg10[%get3A_175] {strides = array<i32>} : memref<5008xi32, #tpu.memory_space<vmem>>, vector<16xi32>,
    %get3A_177 = arith.constant 4992 : index
    %get3A_178 = tpu.vector_load %arg11[%get3A_177] {strides = array<i32>} : memref<5008xi32, #tpu.memory_space<vmem>>, vector<16xi32>,
    %gather3A_179 = tpu.vector_load_idx %arg6[%get3A_178] masked %lt3A_34 : memref<50176xf32, #tpu.memory_space<vmem>>[vector<16xi32>], vector<16xf32>, vector<16xi1>
    tpu.vector_store_idx %arg7[%get3A_176], %gather3A_179 masked %lt3A_34 {add = true} : memref<50176xf32, #tpu.memory_space<vmem>>[vector<16xi32>], vector<16xf32>, vector<16xi1>
    %dma_wait3A_180 = arith.constant 0 : i32
    %dma_wait3A_181 = tpu.memref_slice %arg8[%dma_wait3A_180] : memref<5008xi32, #tpu.memory_space<vmem>> -> memref<5000xi32, #tpu.memory_space<vmem>>
    %dma_wait3A_182 = tpu.memref_slice %arg2[%add3A_156] : memref<800000xi32, #tpu.memory_space<hbm>> -> memref<5000xi32, #tpu.memory_space<hbm>>
    %dma_wait3A_183 = arith.constant 0 : i32
    %dma_wait3A_184 = tpu.memref_slice %arg8[%dma_wait3A_183] : memref<5008xi32, #tpu.memory_space<vmem>> -> memref<5000xi32, #tpu.memory_space<vmem>>
    %dma_wait3A_185 = tpu.memref_slice %arg2[%add3A_156] : memref<800000xi32, #tpu.memory_space<hbm>> -> memref<5000xi32, #tpu.memory_space<hbm>>
    tpu.wait_dma2 semaphore(%arg13 : memref<!tpu.dma_semaphore, #tpu.memory_space<semaphore_mem>>) src(%dma_wait3A_185 : memref<5000xi32, #tpu.memory_space<hbm>>) dst(%dma_wait3A_184 : memref<5000xi32, #tpu.memory_space<vmem>>)
    %dma_wait3A_186 = arith.constant 0 : i32
    %dma_wait3A_187 = tpu.memref_slice %arg9[%dma_wait3A_186] : memref<5008xi32, #tpu.memory_space<vmem>> -> memref<5000xi32, #tpu.memory_space<vmem>>
    %dma_wait3A_188 = tpu.memref_slice %arg3[%add3A_156] : memref<800000xi32, #tpu.memory_space<hbm>> -> memref<5000xi32, #tpu.memory_space<hbm>>
    %dma_wait3A_189 = arith.constant 0 : i32
    %dma_wait3A_190 = tpu.memref_slice %arg9[%dma_wait3A_189] : memref<5008xi32, #tpu.memory_space<vmem>> -> memref<5000xi32, #tpu.memory_space<vmem>>
    %dma_wait3A_191 = tpu.memref_slice %arg3[%add3A_156] : memref<800000xi32, #tpu.memory_space<hbm>> -> memref<5000xi32, #tpu.memory_space<hbm>>
    tpu.wait_dma2 semaphore(%arg13 : memref<!tpu.dma_semaphore, #tpu.memory_space<semaphore_mem>>) src(%dma_wait3A_191 : memref<5000xi32, #tpu.memory_space<hbm>>) dst(%dma_wait3A_190 : memref<5000xi32, #tpu.memory_space<vmem>>)
    %scan3A_192 = arith.constant 0 : i32
    %scan3A_193 = arith.constant 0 : i32
    %scan3A_194 = arith.constant 78 : i32
    %scan3A_195 = arith.addi %scan3A_193, %scan3A_194 : i32
    %scan3A_196 = arith.constant 1 : i32
    scf.for %scan3A_203 = %scan3A_193 to %scan3A_195 step %scan3A_196  : i32 {
      %mul3A_204 = arith.constant 64 : i32
      %mul3A_205 = arith.muli %scan3A_203, %mul3A_204 : i32
      %add3A_206 = arith.constant 0 : i32
      %add3A_207 = arith.addi %mul3A_205, %add3A_206 : i32
      %get3A_208 = arith.index_cast %add3A_207 : i32 to index
      %get3A_209 = tpu.vector_load %arg8[%get3A_208] {strides = array<i32>} : memref<5008xi32, #tpu.memory_space<vmem>>, vector<16xi32>,
      %get3A_210 = arith.index_cast %add3A_207 : i32 to index
      %get3A_211 = tpu.vector_load %arg9[%get3A_210] {strides = array<i32>} : memref<5008xi32, #tpu.memory_space<vmem>>, vector<16xi32>,
      %gather3A_212 = tpu.vector_load_idx %arg6[%get3A_211] : memref<50176xf32, #tpu.memory_space<vmem>>[vector<16xi32>], vector<16xf32>,
      tpu.vector_store_idx %arg7[%get3A_209], %gather3A_212 {add = true} : memref<50176xf32, #tpu.memory_space<vmem>>[vector<16xi32>], vector<16xf32>,
      %mul3A_213 = arith.constant 64 : i32
      %mul3A_214 = arith.muli %scan3A_203, %mul3A_213 : i32
      %add3A_215 = arith.constant 16 : i32
      %add3A_216 = arith.addi %mul3A_214, %add3A_215 : i32
      %get3A_217 = arith.index_cast %add3A_216 : i32 to index
      %get3A_218 = tpu.vector_load %arg8[%get3A_217] {strides = array<i32>} : memref<5008xi32, #tpu.memory_space<vmem>>, vector<16xi32>,
      %get3A_219 = arith.index_cast %add3A_216 : i32 to index
      %get3A_220 = tpu.vector_load %arg9[%get3A_219] {strides = array<i32>} : memref<5008xi32, #tpu.memory_space<vmem>>, vector<16xi32>,
      %gather3A_221 = tpu.vector_load_idx %arg6[%get3A_220] : memref<50176xf32, #tpu.memory_space<vmem>>[vector<16xi32>], vector<16xf32>,
      tpu.vector_store_idx %arg7[%get3A_218], %gather3A_221 {add = true} : memref<50176xf32, #tpu.memory_space<vmem>>[vector<16xi32>], vector<16xf32>,
      %mul3A_222 = arith.constant 64 : i32
      %mul3A_223 = arith.muli %scan3A_203, %mul3A_222 : i32
      %add3A_224 = arith.constant 32 : i32
      %add3A_225 = arith.addi %mul3A_223, %add3A_224 : i32
      %get3A_226 = arith.index_cast %add3A_225 : i32 to index
      %get3A_227 = tpu.vector_load %arg8[%get3A_226] {strides = array<i32>} : memref<5008xi32, #tpu.memory_space<vmem>>, vector<16xi32>,
      %get3A_228 = arith.index_cast %add3A_225 : i32 to index
      %get3A_229 = tpu.vector_load %arg9[%get3A_228] {strides = array<i32>} : memref<5008xi32, #tpu.memory_space<vmem>>, vector<16xi32>,
      %gather3A_230 = tpu.vector_load_idx %arg6[%get3A_229] : memref<50176xf32, #tpu.memory_space<vmem>>[vector<16xi32>], vector<16xf32>,
      tpu.vector_store_idx %arg7[%get3A_227], %gather3A_230 {add = true} : memref<50176xf32, #tpu.memory_space<vmem>>[vector<16xi32>], vector<16xf32>,
      %mul3A_231 = arith.constant 64 : i32
      %mul3A_232 = arith.muli %scan3A_203, %mul3A_231 : i32
      %add3A_233 = arith.constant 48 : i32
      %add3A_234 = arith.addi %mul3A_232, %add3A_233 : i32
      %get3A_235 = arith.index_cast %add3A_234 : i32 to index
      %get3A_236 = tpu.vector_load %arg8[%get3A_235] {strides = array<i32>} : memref<5008xi32, #tpu.memory_space<vmem>>, vector<16xi32>,
      %get3A_237 = arith.index_cast %add3A_234 : i32 to index
      %get3A_238 = tpu.vector_load %arg9[%get3A_237] {strides = array<i32>} : memref<5008xi32, #tpu.memory_space<vmem>>, vector<16xi32>,
      %gather3A_239 = tpu.vector_load_idx %arg6[%get3A_238] : memref<50176xf32, #tpu.memory_space<vmem>>[vector<16xi32>], vector<16xf32>,
      tpu.vector_store_idx %arg7[%get3A_236], %gather3A_239 {add = true} : memref<50176xf32, #tpu.memory_space<vmem>>[vector<16xi32>], vector<16xf32>,
    }
    %scan3A_197 = arith.constant 78 : i32
    %get3A_198 = arith.constant 4992 : index
    %get3A_199 = tpu.vector_load %arg8[%get3A_198] {strides = array<i32>} : memref<5008xi32, #tpu.memory_space<vmem>>, vector<16xi32>,
    %get3A_200 = arith.constant 4992 : index
    %get3A_201 = tpu.vector_load %arg9[%get3A_200] {strides = array<i32>} : memref<5008xi32, #tpu.memory_space<vmem>>, vector<16xi32>,
    %gather3A_202 = tpu.vector_load_idx %arg6[%get3A_201] masked %lt3A_34 : memref<50176xf32, #tpu.memory_space<vmem>>[vector<16xi32>], vector<16xf32>, vector<16xi1>
    tpu.vector_store_idx %arg7[%get3A_199], %gather3A_202 masked %lt3A_34 {add = true} : memref<50176xf32, #tpu.memory_space<vmem>>[vector<16xi32>], vector<16xf32>, vector<16xi1>
    "tpu.region"() ({
      %run_scoped3A = tpu.sem_alloc : memref<!tpu.dma_semaphore, #tpu.memory_space<semaphore_mem>>
      %dma_start3A_203 = arith.constant 0 : i32
      %dma_start3A_204 = tpu.memref_slice %arg5[%add3A, %dma_start3A_203] : memref<32x50176xf32, #tpu.memory_space<hbm>> -> memref<1x50176xf32, #tpu.memory_space<hbm>>
      %dma_start3A_205 = tpu.memref_squeeze %dma_start3A_204 : memref<1x50176xf32, #tpu.memory_space<hbm>> -> memref<50176xf32, #tpu.memory_space<hbm>>
      %dma_start3A_206 = arith.constant 0 : i32
      %dma_start3A_207 = tpu.memref_slice %arg5[%add3A, %dma_start3A_206] : memref<32x50176xf32, #tpu.memory_space<hbm>> -> memref<1x50176xf32, #tpu.memory_space<hbm>>
      %dma_start3A_208 = tpu.memref_squeeze %dma_start3A_207 : memref<1x50176xf32, #tpu.memory_space<hbm>> -> memref<50176xf32, #tpu.memory_space<hbm>>
      tpu.enqueue_dma source(%arg7 : memref<50176xf32, #tpu.memory_space<vmem>>) target(%dma_start3A_208 : memref<50176xf32, #tpu.memory_space<hbm>>) target_semaphore(%run_scoped3A : memref<!tpu.dma_semaphore, #tpu.memory_space<semaphore_mem>>)
      %dma_wait3A_209 = arith.constant 0 : i32
      %dma_wait3A_210 = tpu.memref_slice %arg5[%add3A, %dma_wait3A_209] : memref<32x50176xf32, #tpu.memory_space<hbm>> -> memref<1x50176xf32, #tpu.memory_space<hbm>>
      %dma_wait3A_211 = tpu.memref_squeeze %dma_wait3A_210 : memref<1x50176xf32, #tpu.memory_space<hbm>> -> memref<50176xf32, #tpu.memory_space<hbm>>
      %dma_wait3A_212 = arith.constant 0 : i32
      %dma_wait3A_213 = tpu.memref_slice %arg5[%add3A, %dma_wait3A_212] : memref<32x50176xf32, #tpu.memory_space<hbm>> -> memref<1x50176xf32, #tpu.memory_space<hbm>>
      %dma_wait3A_214 = tpu.memref_squeeze %dma_wait3A_213 : memref<1x50176xf32, #tpu.memory_space<hbm>> -> memref<50176xf32, #tpu.memory_space<hbm>>
      tpu.wait_dma2 semaphore(%run_scoped3A : memref<!tpu.dma_semaphore, #tpu.memory_space<semaphore_mem>>) src(%arg7 : memref<50176xf32, #tpu.memory_space<vmem>>) dst(%dma_wait3A_214 : memref<50176xf32, #tpu.memory_space<hbm>>)
      tpu.yield
    }) : () -> ()
    return
  }
}

module attributes {stable_mosaic.version = 14 : i64} {
  func.func @_dinv2_body(%arg0: memref<32x392x128xf32, #tpu.memory_space<vmem>>, %arg1: memref<392x128xf32, #tpu.memory_space<vmem>>, %arg2: memref<392x128xf32, #tpu.memory_space<vmem>>, %arg3: memref<392x128xf32, #tpu.memory_space<vmem>>) attributes {dimension_semantics = [], scalar_prefetch = 0 : i64, scratch_operands = 0 : i64, tpu.core_type = #tpu.core_type<tc>} {
    %get3A = arith.constant 0 : index
    %get3A_0 = arith.constant 0 : index
    %get3A_1 = arith.constant 0 : index
    %get3A_2 = vector.load %arg0[%get3A, %get3A_0, %get3A_1] : memref<32x392x128xf32, #tpu.memory_space<vmem>>, vector<32x392x128xf32>
    %reduce_sum3A = arith.constant dense<0.000000e+00> : vector<392x128xf32>
    %reduce_sum3A_3 = vector.multi_reduction <add>, %get3A_2, %reduce_sum3A [0] : vector<32x392x128xf32> to vector<392x128xf32>
    %add3A = arith.constant 1.000000e+00 : f32
    %add3A_4 = vector.broadcast %add3A : f32 to vector<392x128xf32>
    %add3A_5 = arith.addf %reduce_sum3A_3, %add3A_4 : vector<392x128xf32>
    %rsqrt3A = math.rsqrt %add3A_5 : vector<392x128xf32>
    %mul3A = arith.constant 5.000000e-01 : f32
    %mul3A_6 = vector.broadcast %mul3A : f32 to vector<392x128xf32>
    %mul3A_7 = arith.mulf %mul3A_6, %add3A_5 : vector<392x128xf32>
    %mul3A_8 = arith.mulf %mul3A_7, %rsqrt3A : vector<392x128xf32>
    %mul3A_9 = arith.mulf %mul3A_8, %rsqrt3A : vector<392x128xf32>
    %sub3A = arith.constant 1.500000e+00 : f32
    %sub3A_10 = vector.broadcast %sub3A : f32 to vector<392x128xf32>
    %sub3A_11 = arith.subf %sub3A_10, %mul3A_9 : vector<392x128xf32>
    %mul3A_12 = arith.mulf %rsqrt3A, %sub3A_11 : vector<392x128xf32>
    %mul3A_13 = arith.constant 5.000000e-01 : f32
    %mul3A_14 = vector.broadcast %mul3A_13 : f32 to vector<392x128xf32>
    %mul3A_15 = arith.mulf %mul3A_14, %add3A_5 : vector<392x128xf32>
    %mul3A_16 = arith.mulf %mul3A_15, %mul3A_12 : vector<392x128xf32>
    %mul3A_17 = arith.mulf %mul3A_16, %mul3A_12 : vector<392x128xf32>
    %sub3A_18 = arith.constant 1.500000e+00 : f32
    %sub3A_19 = vector.broadcast %sub3A_18 : f32 to vector<392x128xf32>
    %sub3A_20 = arith.subf %sub3A_19, %mul3A_17 : vector<392x128xf32>
    %mul3A_21 = arith.mulf %mul3A_12, %sub3A_20 : vector<392x128xf32>
    %iota3A = tpu.iota {dimensions = array<i32: 0>} : vector<392x128xi32>
    %mul3A_22 = arith.constant 128 : i32
    %mul3A_23 = vector.broadcast %mul3A_22 : i32 to vector<392x128xi32>
    %mul3A_24 = arith.muli %iota3A, %mul3A_23 : vector<392x128xi32>
    %iota3A_25 = tpu.iota {dimensions = array<i32: 1>} : vector<392x128xi32>
    %add3A_26 = arith.addi %mul3A_24, %iota3A_25 : vector<392x128xi32>
    %lt3A = arith.constant 50000 : i32
    %lt3A_27 = vector.broadcast %lt3A : i32 to vector<392x128xi32>
    %lt3A_28 = arith.cmpi slt, %add3A_26, %lt3A_27 : vector<392x128xi32>
    %jit3A = arith.constant 0.000000e+00 : f32
    %broadcast_in_dim3A = vector.broadcast %jit3A : f32 to vector<392x128xf32>
    %select_n3A = arith.select %lt3A_28, %mul3A_21, %broadcast_in_dim3A : vector<392x128xi1>, vector<392x128xf32>
    %swap3A = arith.constant 0 : index
    %swap3A_29 = arith.constant 0 : index
    %swap3A_30 = vector.load %arg2[%swap3A, %swap3A_29] : memref<392x128xf32, #tpu.memory_space<vmem>>, vector<392x128xf32>
    tpu.vector_store %arg2[%swap3A, %swap3A_29], %select_n3A {strides = array<i32>} : memref<392x128xf32, #tpu.memory_space<vmem>>, vector<392x128xf32>,
    %get3A_31 = arith.constant 0 : index
    %get3A_32 = arith.constant 0 : index
    %get3A_33 = vector.load %arg1[%get3A_31, %get3A_32] : memref<392x128xf32, #tpu.memory_space<vmem>>, vector<392x128xf32>
    %mul3A_34 = arith.mulf %select_n3A, %get3A_33 : vector<392x128xf32>
    %swap3A_35 = arith.constant 0 : index
    %swap3A_36 = arith.constant 0 : index
    %swap3A_37 = vector.load %arg3[%swap3A_35, %swap3A_36] : memref<392x128xf32, #tpu.memory_space<vmem>>, vector<392x128xf32>
    tpu.vector_store %arg3[%swap3A_35, %swap3A_36], %mul3A_34 {strides = array<i32>} : memref<392x128xf32, #tpu.memory_space<vmem>>, vector<392x128xf32>,
    return
  }
}

module attributes {stable_mosaic.version = 14 : i64} {
  func.func @_merge_body(%arg0: memref<32x392x128xf32, #tpu.memory_space<vmem>>, %arg1: memref<392x128xf32, #tpu.memory_space<vmem>>, %arg2: memref<392x128xf32, #tpu.memory_space<vmem>>, %arg3: memref<392x128xf32, #tpu.memory_space<vmem>>) attributes {dimension_semantics = [], scalar_prefetch = 0 : i64, scratch_operands = 0 : i64, tpu.core_type = #tpu.core_type<tc>} {
    %get3A = arith.constant 0 : index
    %get3A_0 = arith.constant 0 : index
    %get3A_1 = arith.constant 0 : index
    %get3A_2 = vector.load %arg0[%get3A, %get3A_0, %get3A_1] : memref<32x392x128xf32, #tpu.memory_space<vmem>>, vector<32x392x128xf32>
    %reduce_sum3A = arith.constant dense<0.000000e+00> : vector<392x128xf32>
    %reduce_sum3A_3 = vector.multi_reduction <add>, %get3A_2, %reduce_sum3A [0] : vector<32x392x128xf32> to vector<392x128xf32>
    %get3A_4 = arith.constant 0 : index
    %get3A_5 = arith.constant 0 : index
    %get3A_6 = vector.load %arg1[%get3A_4, %get3A_5] : memref<392x128xf32, #tpu.memory_space<vmem>>, vector<392x128xf32>
    %get3A_7 = arith.constant 0 : index
    %get3A_8 = arith.constant 0 : index
    %get3A_9 = vector.load %arg2[%get3A_7, %get3A_8] : memref<392x128xf32, #tpu.memory_space<vmem>>, vector<392x128xf32>
    %add3A = arith.addf %reduce_sum3A_3, %get3A_9 : vector<392x128xf32>
    %mul3A = arith.mulf %get3A_6, %add3A : vector<392x128xf32>
    %swap3A = arith.constant 0 : index
    %swap3A_10 = arith.constant 0 : index
    %swap3A_11 = vector.load %arg3[%swap3A, %swap3A_10] : memref<392x128xf32, #tpu.memory_space<vmem>>, vector<392x128xf32>
    tpu.vector_store %arg3[%swap3A, %swap3A_10], %mul3A {strides = array<i32>} : memref<392x128xf32, #tpu.memory_space<vmem>>, vector<392x128xf32>,
    return
  }
}

module attributes {stable_mosaic.version = 14 : i64} {
  func.func @_big1_body(%arg0: memref<1x50176xf32, #tpu.memory_space<vmem>>, %arg1: memref<1x50176xf32, #tpu.memory_space<vmem>>, %arg2: memref<64x1xf32, #tpu.memory_space<vmem>>, %arg3: memref<64x1xf32, #tpu.memory_space<vmem>>, %arg4: memref<64x64xf32, #tpu.memory_space<vmem>>, %arg5: memref<64x50176xf32, #tpu.memory_space<vmem>>) attributes {dimension_semantics = [], scalar_prefetch = 0 : i64, scratch_operands = 0 : i64, tpu.core_type = #tpu.core_type<tc>} {
    %get3A = arith.constant 0 : index
    %get3A_0 = arith.constant 0 : index
    %get3A_1 = vector.load %arg2[%get3A, %get3A_0] : memref<64x1xf32, #tpu.memory_space<vmem>>, vector<64x1xf32>
    %get3A_2 = arith.constant 0 : index
    %get3A_3 = arith.constant 0 : index
    %get3A_4 = vector.load %arg0[%get3A_2, %get3A_3] : memref<1x50176xf32, #tpu.memory_space<vmem>>, vector<1x50176xf32>
    %mul3A = vector.broadcast %get3A_1 : vector<64x1xf32> to vector<64x50176xf32>
    %mul3A_5 = vector.broadcast %get3A_4 : vector<1x50176xf32> to vector<64x50176xf32>
    %mul3A_6 = arith.mulf %mul3A, %mul3A_5 : vector<64x50176xf32>
    %get3A_7 = arith.constant 0 : index
    %get3A_8 = arith.constant 0 : index
    %get3A_9 = vector.load %arg3[%get3A_7, %get3A_8] : memref<64x1xf32, #tpu.memory_space<vmem>>, vector<64x1xf32>
    %add3A = vector.broadcast %get3A_9 : vector<64x1xf32> to vector<64x50176xf32>
    %add3A_10 = arith.addf %mul3A_6, %add3A : vector<64x50176xf32>
    %get3A_11 = arith.constant 0 : index
    %get3A_12 = arith.constant 0 : index
    %get3A_13 = vector.load %arg4[%get3A_11, %get3A_12] : memref<64x64xf32, #tpu.memory_space<vmem>>, vector<64x64xf32>
    %convert_element_type3A = arith.truncf %get3A_13 : vector<64x64xf32> to vector<64x64xbf16>
    %convert_element_type3A_14 = arith.extf %convert_element_type3A : vector<64x64xbf16> to vector<64x64xf32>
    %convert_element_type3A_15 = arith.truncf %add3A_10 : vector<64x50176xf32> to vector<64x50176xbf16>
    %convert_element_type3A_16 = arith.extf %convert_element_type3A_15 : vector<64x50176xbf16> to vector<64x50176xf32>
    %dot_general3A = arith.constant dense<0.000000e+00> : vector<64x50176xf32>
    %dot_general3A_17 = tpu.matmul %convert_element_type3A_14, %convert_element_type3A_16, %dot_general3A {dimension_numbers = #tpu.dot_dimension_numbers<[1], [0], [0], [1], [0, 0, 1, 1], [], []>, precision = #tpu.contract_precision<fp32>, transpose_lhs_hint = false} : vector<64x64xf32>, vector<64x50176xf32>, vector<64x50176xf32> -> vector<64x50176xf32>
    %get3A_18 = arith.constant 0 : index
    %get3A_19 = arith.constant 0 : index
    %get3A_20 = vector.load %arg1[%get3A_18, %get3A_19] : memref<1x50176xf32, #tpu.memory_space<vmem>>, vector<1x50176xf32>
    %mul3A_21 = vector.broadcast %get3A_20 : vector<1x50176xf32> to vector<64x50176xf32>
    %mul3A_22 = arith.mulf %mul3A_21, %dot_general3A_17 : vector<64x50176xf32>
    %swap3A = arith.constant 0 : index
    %swap3A_23 = arith.constant 0 : index
    %swap3A_24 = vector.load %arg5[%swap3A, %swap3A_23] : memref<64x50176xf32, #tpu.memory_space<vmem>>, vector<64x50176xf32>
    tpu.vector_store %arg5[%swap3A, %swap3A_23], %mul3A_22 {strides = array<i32>} : memref<64x50176xf32, #tpu.memory_space<vmem>>, vector<64x50176xf32>,
    return
  }
}

module attributes {stable_mosaic.version = 14 : i64} {
  func.func @_big2_body(%arg0: memref<64x50176xf32, #tpu.memory_space<vmem>>, %arg1: memref<64x50176xf32, #tpu.memory_space<vmem>>, %arg2: memref<1x50176xf32, #tpu.memory_space<vmem>>, %arg3: memref<1x50176xf32, #tpu.memory_space<vmem>>, %arg4: memref<64x1xf32, #tpu.memory_space<vmem>>, %arg5: memref<1x64xf32, #tpu.memory_space<vmem>>) attributes {dimension_semantics = [], scalar_prefetch = 0 : i64, scratch_operands = 0 : i64, tpu.core_type = #tpu.core_type<tc>} {
    %get3A = arith.constant 0 : index
    %get3A_0 = arith.constant 0 : index
    %get3A_1 = vector.load %arg2[%get3A, %get3A_0] : memref<1x50176xf32, #tpu.memory_space<vmem>>, vector<1x50176xf32>
    %get3A_2 = arith.constant 0 : index
    %get3A_3 = arith.constant 0 : index
    %get3A_4 = vector.load %arg0[%get3A_2, %get3A_3] : memref<64x50176xf32, #tpu.memory_space<vmem>>, vector<64x50176xf32>
    %get3A_5 = arith.constant 0 : index
    %get3A_6 = arith.constant 0 : index
    %get3A_7 = vector.load %arg1[%get3A_5, %get3A_6] : memref<64x50176xf32, #tpu.memory_space<vmem>>, vector<64x50176xf32>
    %add3A = arith.addf %get3A_4, %get3A_7 : vector<64x50176xf32>
    %mul3A = vector.broadcast %get3A_1 : vector<1x50176xf32> to vector<64x50176xf32>
    %mul3A_8 = arith.mulf %mul3A, %add3A : vector<64x50176xf32>
    %get3A_9 = arith.constant 0 : index
    %get3A_10 = arith.constant 0 : index
    %get3A_11 = vector.load %arg4[%get3A_9, %get3A_10] : memref<64x1xf32, #tpu.memory_space<vmem>>, vector<64x1xf32>
    %add3A_12 = vector.broadcast %get3A_11 : vector<64x1xf32> to vector<64x50176xf32>
    %add3A_13 = arith.addf %mul3A_8, %add3A_12 : vector<64x50176xf32>
    %convert_element_type3A = arith.truncf %add3A_13 : vector<64x50176xf32> to vector<64x50176xbf16>
    %convert_element_type3A_14 = arith.extf %convert_element_type3A : vector<64x50176xbf16> to vector<64x50176xf32>
    %get3A_15 = arith.constant 0 : index
    %get3A_16 = arith.constant 0 : index
    %get3A_17 = vector.load %arg3[%get3A_15, %get3A_16] : memref<1x50176xf32, #tpu.memory_space<vmem>>, vector<1x50176xf32>
    %mul3A_18 = vector.broadcast %get3A_17 : vector<1x50176xf32> to vector<64x50176xf32>
    %mul3A_19 = arith.mulf %convert_element_type3A_14, %mul3A_18 : vector<64x50176xf32>
    %reduce_sum3A = arith.constant dense<0.000000e+00> : vector<64xf32>
    %reduce_sum3A_20 = vector.multi_reduction <add>, %mul3A_19, %reduce_sum3A [1] : vector<64x50176xf32> to vector<64xf32>
    %reshape3A = vector.shape_cast %reduce_sum3A_20 : vector<64xf32> to vector<1x64xf32>
    %swap3A = arith.constant 0 : index
    %swap3A_21 = arith.constant 0 : index
    %swap3A_22 = vector.load %arg5[%swap3A, %swap3A_21] : memref<1x64xf32, #tpu.memory_space<vmem>>, vector<1x64xf32>
    tpu.vector_store %arg5[%swap3A, %swap3A_21], %reshape3A {strides = array<i32>} : memref<1x64xf32, #tpu.memory_space<vmem>>, vector<1x64xf32>,
    return
  }
}

module attributes {stable_mosaic.version = 14 : i64} {
  func.func @_final_body(%arg0: memref<1x64xf32, #tpu.memory_space<vmem>>, %arg1: memref<64x64xf32, #tpu.memory_space<vmem>>, %arg2: memref<1x64xf32, #tpu.memory_space<vmem>>, %arg3: memref<64x64xf32, #tpu.memory_space<vmem>>, %arg4: memref<1x64xf32, #tpu.memory_space<vmem>>, %arg5: memref<64x1xf32, #tpu.memory_space<vmem>>, %arg6: memref<1x1xf32, #tpu.memory_space<vmem>>, %arg7: memref<1x1xf32, #tpu.memory_space<vmem>>) attributes {dimension_semantics = [], scalar_prefetch = 0 : i64, scratch_operands = 0 : i64, tpu.core_type = #tpu.core_type<tc>} {
    %get3A = arith.constant 0 : index
    %get3A_0 = arith.constant 0 : index
    %get3A_1 = vector.load %arg0[%get3A, %get3A_0] : memref<1x64xf32, #tpu.memory_space<vmem>>, vector<1x64xf32>
    %get3A_2 = arith.constant 0 : index
    %get3A_3 = arith.constant 0 : index
    %get3A_4 = vector.load %arg1[%get3A_2, %get3A_3] : memref<64x64xf32, #tpu.memory_space<vmem>>, vector<64x64xf32>
    %convert_element_type3A = arith.truncf %get3A_4 : vector<64x64xf32> to vector<64x64xbf16>
    %convert_element_type3A_5 = arith.extf %convert_element_type3A : vector<64x64xbf16> to vector<64x64xf32>
    %dot_general3A = arith.constant dense<0.000000e+00> : vector<1x64xf32>
    %dot_general3A_6 = tpu.matmul %get3A_1, %convert_element_type3A_5, %dot_general3A {dimension_numbers = #tpu.dot_dimension_numbers<[1], [0], [0], [1], [0, 0, 1, 1], [], []>, precision = #tpu.contract_precision<fp32>, transpose_lhs_hint = false} : vector<1x64xf32>, vector<64x64xf32>, vector<1x64xf32> -> vector<1x64xf32>
    %get3A_7 = arith.constant 0 : index
    %get3A_8 = arith.constant 0 : index
    %get3A_9 = vector.load %arg2[%get3A_7, %get3A_8] : memref<1x64xf32, #tpu.memory_space<vmem>>, vector<1x64xf32>
    %mul3A = arith.constant 5.000000e+04 : f32
    %mul3A_10 = vector.broadcast %mul3A : f32 to vector<1x64xf32>
    %mul3A_11 = arith.mulf %mul3A_10, %get3A_9 : vector<1x64xf32>
    %add3A = arith.addf %dot_general3A_6, %mul3A_11 : vector<1x64xf32>
    %convert_element_type3A_12 = arith.truncf %add3A : vector<1x64xf32> to vector<1x64xbf16>
    %convert_element_type3A_13 = arith.extf %convert_element_type3A_12 : vector<1x64xbf16> to vector<1x64xf32>
    %get3A_14 = arith.constant 0 : index
    %get3A_15 = arith.constant 0 : index
    %get3A_16 = vector.load %arg3[%get3A_14, %get3A_15] : memref<64x64xf32, #tpu.memory_space<vmem>>, vector<64x64xf32>
    %convert_element_type3A_17 = arith.truncf %get3A_16 : vector<64x64xf32> to vector<64x64xbf16>
    %convert_element_type3A_18 = arith.extf %convert_element_type3A_17 : vector<64x64xbf16> to vector<64x64xf32>
    %dot_general3A_19 = arith.constant dense<0.000000e+00> : vector<1x64xf32>
    %dot_general3A_20 = tpu.matmul %convert_element_type3A_13, %convert_element_type3A_18, %dot_general3A_19 {dimension_numbers = #tpu.dot_dimension_numbers<[1], [0], [0], [1], [0, 0, 1, 1], [], []>, precision = #tpu.contract_precision<fp32>, transpose_lhs_hint = false} : vector<1x64xf32>, vector<64x64xf32>, vector<1x64xf32> -> vector<1x64xf32>
    %get3A_21 = arith.constant 0 : index
    %get3A_22 = arith.constant 0 : index
    %get3A_23 = vector.load %arg4[%get3A_21, %get3A_22] : memref<1x64xf32, #tpu.memory_space<vmem>>, vector<1x64xf32>
    %add3A_24 = arith.addf %dot_general3A_20, %get3A_23 : vector<1x64xf32>
    %max3A = arith.constant 0.000000e+00 : f32
    %max3A_25 = vector.broadcast %max3A : f32 to vector<1x64xf32>
    %max3A_26 = arith.maximumf %add3A_24, %max3A_25 : vector<1x64xf32>
    %get3A_27 = arith.constant 0 : index
    %get3A_28 = arith.constant 0 : index
    %get3A_29 = vector.load %arg5[%get3A_27, %get3A_28] : memref<64x1xf32, #tpu.memory_space<vmem>>, vector<64x1xf32>
    %dot_general3A_30 = arith.constant dense<0.000000e+00> : vector<1x1xf32>
    %dot_general3A_31 = tpu.matmul %max3A_26, %get3A_29, %dot_general3A_30 {dimension_numbers = #tpu.dot_dimension_numbers<[1], [0], [0], [1], [0, 0, 1, 1], [], []>, precision = #tpu.contract_precision<fp32>, transpose_lhs_hint = false} : vector<1x64xf32>, vector<64x1xf32>, vector<1x1xf32> -> vector<1x1xf32>
    %get3A_32 = arith.constant 0 : index
    %get3A_33 = arith.constant 0 : index
    %get3A_34 = vector.load %arg6[%get3A_32, %get3A_33] : memref<1x1xf32, #tpu.memory_space<vmem>>, vector<1x1xf32>
    %add3A_35 = arith.addf %dot_general3A_31, %get3A_34 : vector<1x1xf32>
    %swap3A = arith.constant 0 : index
    %swap3A_36 = arith.constant 0 : index
    %swap3A_37 = vector.load %arg7[%swap3A, %swap3A_36] : memref<1x1xf32, #tpu.memory_space<vmem>>, vector<1x1xf32>
    tpu.vector_store %arg7[%swap3A, %swap3A_36], %add3A_35 {strides = array<i32>} : memref<1x1xf32, #tpu.memory_space<vmem>>, vector<1x1xf32>,
    return
  }
}

</mosaic_0001>

<sc_bundles>
// kernel: kernel.12.cloned.1.call-start
scs
__scs_entry_jumppad:
0x0: {  	(pc) =	sbr.rel $0x88, $3  }
0x1: {  	(tag) =	ssettag $0x0;
	lr =	simm.s32 $0x1  }
0x2: {  	[smem:$0x3F95] =	sst lr;
	_ =	strace $0xD0000000  }
0x3: {  	_ = 	snop  }
0x4: {  	_ = 	snop  }
0x5: {  	_ = 	snop  }
0x6: {  	_ = 	snop  }
0x7: {  	_ = 	snop  }
__scs_overlays_trampoline_lowered:
0x8: {  	[smem:$0x3FA4] =	sst s0  }
0x9: {  	[smem:$0x3FA5] =	sst s1  }
0xa: {  	[smem:$0x3FA6] =	sst s2  }
0xb: {  	[smem:$0x3FA7] =	sst s3  }
0xc: {  	[smem:$0x3FA8] =	sst s4  }
0xd: {  	[smem:$0x3FA9] =	sst s5  }
0xe: {  	[smem:$0x3FAA] =	sst s6  }
0xf: {  	[smem:$0x3FAB] =	sst s7  }
0x10: {  	[smem:$0x3FAC] =	sst s8  }
0x11: {  	[smem:$0x3FAD] =	sst s9;
	s0 =	simm.s32 @!p0 $0x0  }
0x12: {  	s1 =	sld [smem:$0x3F93];
	s0 =	simm.s32 @p0 $0x1  }
0x13: {  	[smem:$0x3FAE] =	sst s0;
	s0 =	simm.s32 @!p1 $0x0  }
0x14: {  	s2 =	sld [smem:$0x3F92];
	s0 =	simm.s32 @p1 $0x1  }
0x15: {  	[smem:$0x3FAF] =	sst s0;
	s0 =	simm.s32 @!p2 $0x0  }
0x16: {  	s3 =	sld [smem:$0x3FDB];
	s0 =	simm.s32 @p2 $0x1  }
0x17: {  	s4 =	simm.s32 $0x1BF5;
	[smem:$0x3FB1] =	sst s0  }
0x18: {  	s0 =	sld [smem:$0x3F94];
	_ =	swait.ge [sflag:s4], $0x0  }
0x19: {  	s7 =	sld [smem:$0x3F95]  }
0x1a: {  	s8 =	sadd.s32 $0xFFFFE003, lr  }
0x1b: {  	s9 =	sadd.s32 $0xFFFFFEF7, lr;
	s5 =	simm.s32 $0xFFFFFFFF;
	p2 =	slt.u32 s8, $0xFFFFF086  }
0x1c: {  	p1 =	slt.u32 s9, $0xF7A;
	s5 =	simm.s32 @!p2 $0x0  }
0x1d: {  	s5 =	simm.s32 @p1 $0x1;
	p0 =	seq.s32 s7, s2  }
0x1e: {  	s7 =	smul.u32 @!p0 $0xF7A, s2;
	p2 =	seq.s32 @!p0 s5, $0x0  }
0x1f: {  	s9 =	smul.u32 $0xF7A, s1;
	s8 =	simm.s32 @!p0 $0x1BF5;
	p2 =	por !p2, p0  }
0x20: {  	[sflag:s8] =	ssyncset.s32 @!p0 $0xFFFFF086;
	s6 =	sadd.s32 @!p0 s3, s7;
	s7 =	simm.s32 @!p0 $0x108  }
0x21: {  	s3 =	sadd.s32 s3, s9;
	s6 =	sadd.s32 @!p0 $0x88, s6;
	s7 =	simm.s32 @p2 $0x1082  }
0x22: {  	[simem:s7], [sflag:s8] =	dma.local @!p0 [hbm:s6], $0xF7A  }
0x23: {  	s9 =	sor.u32 $0xD0000000, s2;
	s6 =	simm.s32 $0x108;
	_ =	swait.ge @!p0 [sflag:s8], $0x0  }
0x24: {  	s3 =	sadd.s32 $0x88, s3;
	s6 =	simm.s32 @!p1 $0x1082;
	[sflag:s4] =	ssyncset.s32 $0xFFFFF086  }
0x25: {  	[simem:s6], [sflag:s4] =	dma.local [hbm:s3], $0xF7A  }
0x26: {  	[smem:$0x3F95] =	sst s1;
	(tag) =	ssettag s2;
	_ =	strace s9  }
0x27: {  	s1 =	sld [smem:$0x3FA5]  }
0x28: {  	s2 =	sld [smem:$0x3FA6]  }
0x29: {  	s4 =	sld [smem:$0x3FA8]  }
0x2a: {  	p0 =	seq.s32 s5, $0x0;
	s5 =	sld [smem:$0x3FA9]  }
0x2b: {  	s6 =	sld [smem:$0x3FAA]  }
0x2c: {  	s7 =	sld [smem:$0x3FAB]  }
0x2d: {  	s3 =	simm.s32 $0x108;
	s8 =	sld [smem:$0x3FAC]  }
0x2e: {  	s3 =	simm.s32 @!p0 $0x1082;
	s9 =	sld [smem:$0x3FAD]  }
0x2f: {  	lr =	sadd.s32 s0, s3;
	s0 =	sld [smem:$0x3FA4]  }
0x30: {  	s3 =	sld [smem:$0x3FA7]  }
0x31: {  	[smem:$0x3FB0] =	sst s10  }
0x32: {  	s10 =	sld [smem:$0x3FAE];
	_ =	sdelay $0x3  }
0x33: {  	p0 =	seq.s32 s10, $0x1;
	s10 =	sld [smem:$0x3FB0];
	_ =	sdelay $0x3  }
0x34: {  	[smem:$0x3FB0] =	sst s10  }
0x35: {  	s10 =	sld [smem:$0x3FAF];
	_ =	sdelay $0x3  }
0x36: {  	p1 =	seq.s32 s10, $0x1;
	s10 =	sld [smem:$0x3FB0];
	_ =	sdelay $0x3  }
0x37: {  	[smem:$0x3FB0] =	sst s10  }
0x38: {  	s10 =	sld [smem:$0x3FB1]  }
0x39: {  	_ = 	snop;
	(pc) =	sbr.ind lr, $3  }
0x3a: {  	_ = 	snop  }
0x3b: {  	_ = 	snop  }
0x3c: {  	p2 =	seq.s32 s10, $0x1;
	s10 =	sld [smem:$0x3FB0]  }
0x3d: {  	_ =	shalt  }
0x3e: {  	_ =	shalt  }
0x3f: {  	_ =	shalt  }
0x40: {  	_ =	shalt  }
0x41: {  	_ =	shalt  }
0x42: {  	_ =	shalt  }
0x43: {  	_ =	shalt  }
0x44: {  	_ =	shalt  }
0x45: {  	_ =	shalt  }
0x46: {  	_ =	shalt  }
0x47: {  	_ =	shalt  }
0x48: {  	_ =	shalt  }
0x49: {  	_ =	shalt  }
0x4a: {  	_ =	shalt  }
0x4b: {  	_ =	shalt  }
0x4c: {  	_ =	shalt  }
0x4d: {  	_ =	shalt  }
0x4e: {  	_ =	shalt  }
0x4f: {  	_ =	shalt  }
0x50: {  	_ =	shalt  }
0x51: {  	_ =	shalt  }
0x52: {  	_ =	shalt  }
0x53: {  	_ =	shalt  }
0x54: {  	_ =	shalt  }
0x55: {  	_ =	shalt  }
0x56: {  	_ =	shalt  }
0x57: {  	_ =	shalt  }
0x58: {  	_ =	shalt  }
0x59: {  	_ =	shalt  }
0x5a: {  	_ =	shalt  }
0x5b: {  	_ =	shalt  }
0x5c: {  	_ =	shalt  }
0x5d: {  	_ =	shalt  }
0x5e: {  	_ =	shalt  }
0x5f: {  	_ =	shalt  }
0x60: {  	_ =	shalt  }
0x61: {  	_ =	shalt  }
0x62: {  	_ =	shalt  }
0x63: {  	_ =	shalt  }
0x64: {  	_ =	shalt  }
0x65: {  	_ =	shalt  }
0x66: {  	_ =	shalt  }
0x67: {  	_ =	shalt  }
0x68: {  	_ =	shalt  }
0x69: {  	_ =	shalt  }
0x6a: {  	_ =	shalt  }
0x6b: {  	_ =	shalt  }
0x6c: {  	_ =	shalt  }
0x6d: {  	_ =	shalt  }
0x6e: {  	_ =	shalt  }
0x6f: {  	_ =	shalt  }
0x70: {  	_ =	shalt  }
0x71: {  	_ =	shalt  }
0x72: {  	_ =	shalt  }
0x73: {  	_ =	shalt  }
0x74: {  	_ =	shalt  }
0x75: {  	_ =	shalt  }
0x76: {  	_ =	shalt  }
0x77: {  	_ =	shalt  }
0x78: {  	_ =	shalt  }
0x79: {  	_ =	shalt  }
0x7a: {  	_ =	shalt  }
0x7b: {  	_ =	shalt  }
0x7c: {  	_ =	shalt  }
0x7d: {  	_ =	shalt  }
0x7e: {  	_ =	shalt  }
0x7f: {  	_ =	shalt  }
0x80: {  	_ =	shalt  }
0x81: {  	_ =	shalt  }
0x82: {  	_ =	shalt  }
0x83: {  	_ =	shalt  }
0x84: {  	_ =	shalt  }
0x85: {  	_ =	shalt  }
0x86: {  	_ =	shalt  }
0x87: {  	_ =	shalt  }
.Lfunc_end0:
.L_simem_size_0:
called_computation_lowered:
.L_overlay_start_0:
0x88: {  	s2 =	sld [smem:$0x3FD9]  }
0x89: {  	s3 =	sld [smem:$0x3FFE];
	_ =	sdelay $0x1  }
0x8a: {  	s1 =	srdreg.scid  }
0x8b: {  	s0 =	sand.u32 $0x1, s1  }
0x8c: {  	s16 =	sshll.u32 s0, $0xA;
	s2 =	sadd.s32 s3, s2  }
0x8d: {  	s2 =	sadd.s32 s2, s16  }
0x8e: {  	[smem:$0x3FBC] =	sst s2  }
0x8f: {  	_ = 	snop  }
0x90: {  	(tm) =	ssettm $0x1  }
0x91: {  	s17 =	sld [smem:$0x3FFB];
	_ =	sdelay $0x3  }
0x92: {  	_ =	strace s17  }
0x93: {  	s2 =	sld [smem:$0x3FFC];
	_ =	sdelay $0x3  }
0x94: {  	_ =	strace s2  }
0x95: {  	s2 =	sld [smem:$0x3FFD];
	_ =	sdelay $0x3  }
0x96: {  	_ =	strace s2  }
0x97: {  	_ =	strace $0x8FFFFFFF  }
0x98: {  	s18 =	sld [smem:$0x3FDB];
	_ =	sdelay $0x1  }
0x99: {  	s19 =	simm.s32 $_scs_section_size  }
0x9a: {  	s4 =	simm.s32 $_size__tile_overlayer_lowered;
	s5 =	simm.s32 $_tile_overlayer_lowered  }
0x9b: {  	s22 =	simm.s32 $0x1BFF;
	s21 =	sshll.u32 s5, $0x1;
	s2 =	sadd.s32 s19, s18  }
0x9c: {  	s6 =	simm.s32 $0x0;
	s20 =	sshll.u32 s4, $0x1;
	s4 =	sadd.s32 s21, s2  }
0x9d: {  	[timem:s6], [sflag:s22] =	dma.local [hbm:s4], s20  }
0x9e: {  	_ =	swait.ge [sflag:s22], s20  }
0x9f: {  	s3 =	ssub.s32 $0x0, s20;
	[sflag:s22] =	ssyncset.done $0x0  }
0xa0: {  	[sflag:s22] =	ssyncadd.s32 s3;
	_ =	sdelay $0x1  }
0xa1: {  	s23 =	simm.s32 $0x1B8B  }
0xa2: {  	_ =	swait.ge [sflag:s23], $0x1  }
0xa3: {  	[sflag:s23] =	ssyncset.done $0x0  }
0xa4: {  	s25 =	simm.s32 $0x1B8E;
	s24 =	sld [smem:$0x3FFE];
	[sflag:s23] =	ssyncadd.s32 $0xFFFFFFFF  }
0xa5: {  	s26 =	simm.s32 $execute0_lowered;
	[smem:$0x3FD2] =	sst s25  }
0xa6: {  	s4 =	sshll.u32 s26, $0x1;
	_ =	strace $0x80000046;
	[dreg:$0x1] =	wrdreg $0xFFFFFFFF  }
0xa7: {  	s28 =	simm.s32 $_size_execute0_lowered;
	s2 =	sadd.s32 s2, s4;
	[dreg:$0x0] =	wrdreg $0x0  }
0xa8: {  	s4 =	sshll.u32 s28, $0x1;
	[dreg:$0x2] =	wrdreg s2  }
0xa9: {  	[dreg:$0x3] =	wrdreg s4  }
0xaa: {  	[dreg:$0x4] =	wrdreg $0xC0  }
0xab: {  	_ =	task [dreg:s6], $0x5FFFF  }
0xac: {  	[dreg:$0x1] =	wrdreg $0xFFFFFFFF  }
0xad: {  	[dreg:$0x0] =	wrdreg $0x60  }
0xae: {  	[dreg:$0x2] =	wrdreg s24  }
0xaf: {  	[dreg:$0x3] =	wrdreg $0x9  }
0xb0: {  	_ =	task.clear_ibuf [dreg:s6], $0x4FFFF;
	_ =	strace $0x90000046  }
0xb1: {  	s29 =	simm.s32 $0x9;
	_ =	strace $0x80000048  }
0xb2: {  	_ =	swait.ge [sflag:s29], $0x1  }
0xb3: {  	[sflag:s29] =	ssyncadd.s32 $0xFFFFFFFF  }
0xb4: {  	_ =	strace $0x90000048  }
0xb5: {  	_ =	sfence  }
0xb6: {  	s30 =	sld [smem:$0x0];
	_ =	sdelay $0x2  }
0xb7: {  	s31 =	sshll.u32 s1, $0xD;
	s1 =	sshrl.u32 s1, $0x2  }
0xb8: {  	s3 =	sand.u32 $0x4000, s31;
	s1 =	sadd.s32 s1, s30  }
0xb9: {  	s0 =	sor.u32 s3, s0;
	s1 =	sshll.u32 s1, $0x11  }
0xba: {  	s0 =	sor.u32 s1, s0  }
0xbb: {  	s0 =	sadd.s32 $0x8F2B, s0  }
0xbc: {  	[sflag:s0] =	ssyncadd.remote.s32 $0x1  }
0xbd: {  	_ =	sfence.sel $0xFFFF  }
0xbe: {  	[dreg:$0x0] =	wrdreg $0xFFFFFFFF;
	(pc) =	sbr.abs _section_cstart, $3  }
0xbf: {  	[dreg:$0x1] =	wrdreg $0xFFFFFFFF  }
0xc0: {  	_ =	task.clear_ibuf [dreg:s6], $0x2FFFF;
	_ =	strace $0x9FFFFFFF  }
0xc1: {  	(tm) =	ssettm $0x7FFFFFFF  }
tec
execute0_lowered:
.L_overlay_start_1:
0x0: {  	(tag) =	ssettag $0x1  }
0x1: {  	s3 =	rddreg [dreg:$0x0];
	s2 =	srdreg.scid  }
0x2: {  	s1 =	stileid.u32;
	s0 =	rddreg [dreg:$0x1];
	s11 =	simm.s32 $0xD800  }
0x3: {  	s12 =	simm.s32 $0x1;
	s13 =	simm.s32 $0xEC00;
	s14 =	simm.s32 $0x10000  }
0x4: {  	s15 =	simm.s32 $0x2;
	s16 =	simm.s32 $0x80;
	s17 =	simm.s32 $0x400  }
0x5: {  	s18 =	simm.s32 $0x3;
	s19 =	simm.s32 $0x0;
	s4 =	sand.u32 $0x1, s2  }
0x6: {  	s5 =	sshll.u32 s1, $0x1;
	s2 =	simm.s32 $0x0;
	s6 =	sshrl.u32 s1, $0x2  }
0x7: {  	s26 =	sadd.s32 $0x2800, s3;
	s5 =	sor.u32 s4, s5;
	[smem:$0x7FF] =	sst s2  }
0x8: {  	s6 =	smul.u32 $0x62000, s6;
	s4 =	ssub.s32 $0x2, s4;
	s7 =	sshll.u32 s5, $0x7  }
0x9: {  	s5 =	smul.u32 $0x61A8, s5;
	s8 =	sshrl.u32 s4, $0x1;
	s7 =	sand.u32 $0x380, s7  }
0xa: {  	_ =	strace $0x80000047;
	s10 =	ssub.s32 s4, s8;
	s6 =	sor.u32 s6, s7  }
0xb: {  	s28 =	sadd.s32 $0x1388, s5;
	s29 =	sshrl.u32 s5, $0x3;
	s5 =	sadd.s32 $0x3A98, s5  }
0xc: {  	s6 =	sshrl.u32 s6, $0x3;
	s30 =	sshrl.u32 s28, $0x3;
	s31 =	sshrl.u32 s5, $0x3  }
0xd: {  	s9 =	sadd.s32 s6, s3;
	s3 =	sadd.s32 s26, s29;
	s4 =	sadd.s32 s26, s30  }
0xe: {  	s6 =	sadd.s32 s26, s31;
	s5 =	sadd.s32 $0x4E2, s3;
	s7 =	sadd.s32 $0x9C4, s3  }
0xf: {  	v0 =	vimm.s32 $0x0;
	v1 =	vimm.f32 $0.0e+00;
	v2 =	vimm.f32 $1.000000000e+00;
	s8 =	sadd.s32 $0x33800, s9;
	s9 =	smax.u32 s10, $0x1;
	s10 =	simm.s32 $0xC400  }
.LBB2_1:
0x10: {  	[tilespmem:s10], [sflag:$0x1] =	stream.linear.gather [hbm4b:s3+s2], $0x1388, $0x38;
	[tilespmem:$0x11400] =	vst v63  }
0x11: {  	_ = 	snop  }
0x12: {  	[tilespmem:s11], [sflag:$0x1] =	stream.linear.gather [hbm4b:s3+s2], $0x1388, $0x38;
	[tilespmem:$0x11400] =	vst v63  }
0x13: {  	[tilespmem:$0xD780] =	vst v0  }
0x14: {  	[tilespmem:$0xEB80] =	vst v0  }
0x15: {  	[tilespmem:$0xFF80] =	vst v0  }
0x16: {  	s20 =	simm.s32 $0x0;
	s21 =	simm.s32 $0x200;
	[tilespmem:$0x11380] =	vst v0  }
.LBB2_2:
0x17: {  	p0 =	sne.s32 s21, $0x30E00;
	[tilespmem:s20+$0x70] =	vst v1  }
0x18: {  	[tilespmem:s20+$0x0] =	vst v1  }
0x19: {  	[tilespmem:s20+$0x10] =	vst v1  }
.Ltmp0:
0x1a: {  	[tilespmem:s20+$0x20] =	vst v1;
	(pc) =	sbr.rel @p0 .LBB2_2-.Ltmp0, $4  }
0x1b: {  	[tilespmem:s20+$0x30] =	vst v1  }
0x1c: {  	[tilespmem:s20+$0x40] =	vst v1  }
0x1d: {  	[tilespmem:s20+$0x50] =	vst v1  }
0x1e: {  	[tilespmem:s20+$0x60] =	vst v1;
	s20 =	sshra.s32 s21, $0x2;
	s21 =	sadd.s32 $0x200, s21  }
0x1f: {  	[tilespmem:s20+$0x70] =	vst v1  }
0x20: {  	[tilespmem:s20+$0x0] =	vst v1  }
0x21: {  	[tilespmem:s20+$0x10] =	vst v1  }
0x22: {  	[tilespmem:s20+$0x20] =	vst v1  }
0x23: {  	[tilespmem:s20+$0x30] =	vst v1  }
0x24: {  	[tilespmem:s20+$0x40] =	vst v1  }
0x25: {  	[tilespmem:s20+$0x50] =	vst v1  }
0x26: {  	[tilespmem:s20+$0x60] =	vst v1  }
0x27: {  	_ =	swait.ge [sflag:s12], $0x1388  }
0x28: {  	[sflag:s12] =	ssyncset.done $0x0  }
0x29: {  	[sflag:s12] =	ssyncadd.s32 $0xFFFFEC78  }
0x2a: {  	_ =	swait.ge [sflag:s12], $0x1388  }
0x2b: {  	[sflag:s12] =	ssyncset.done $0x0  }
0x2c: {  	s20 =	simm.s32 $0x0;
	[sflag:s12] =	ssyncadd.s32 $0xFFFFEC78  }
0x2d: {  	[tilespmem:s13], [sflag:$0x2] =	stream.linear.gather [hbm4b:s4+s20], $0x1388, $0x38;
	[tilespmem:$0x11400] =	vst v63  }
0x2e: {  	_ = 	snop  }
0x2f: {  	[tilespmem:s14], [sflag:$0x2] =	stream.linear.gather [hbm4b:s4+s20], $0x1388, $0x38;
	[tilespmem:$0x11400] =	vst v63  }
.LBB2_4:
0x30: {  	s21 =	sshra.s32 s20, $0x2  }
0x31: {  	v3 =	vld [tilespmem:s21+$0xC400];
	_ =	sdelay $0x7  }
0x32: {  	[tilespmem:v3+s2+$0x0] =	vst.idx.add.f32.msk $0xffff, v2  }
0x33: {  	v3 =	vld [tilespmem:s21+$0xC410];
	_ =	sdelay $0x7  }
0x34: {  	[tilespmem:v3+s2+$0x0] =	vst.idx.add.f32.msk $0xffff, v2  }
0x35: {  	v3 =	vld [tilespmem:s21+$0xC420];
	_ =	sdelay $0x7  }
0x36: {  	[tilespmem:v3+s2+$0x0] =	vst.idx.add.f32.msk $0xffff, v2  }
0x37: {  	v3 =	vld [tilespmem:s21+$0xC430];
	_ =	sdelay $0x2  }
0x38: {  	p0 =	sne.s32 s20, $0x4D00  }
.Ltmp1:
0x39: {  	_ = 	snop;
	(pc) =	sbr.rel @p0 .LBB2_4-.Ltmp1, $2  }
0x3a: {  	_ =	sdelay $0x2  }
0x3b: {  	s20 =	sadd.s32 $0x100, s20;
	[tilespmem:v3+s2+$0x0] =	vst.idx.add.f32.msk $0xffff, v2  }
0x3c: {  	v3 =	vld [tilespmem:$0xD780];
	_ =	sdelay $0x6  }
0x3d: {  	s20 =	simm.s32 $0x0  }
0x3e: {  	[tilespmem:v3+s20+$0x0] =	vst.idx.add.f32.msk $0xff, v2  }
0x3f: {  	_ =	swait.ge [sflag:s15], $0x1388  }
0x40: {  	[sflag:s15] =	ssyncset.done $0x0  }
0x41: {  	[sflag:s15] =	ssyncadd.s32 $0xFFFFEC78  }
0x42: {  	_ =	swait.ge [sflag:s15], $0x1388  }
0x43: {  	[sflag:s15] =	ssyncset.done $0x0  }
0x44: {  	[sflag:s15] =	ssyncadd.s32 $0xFFFFEC78  }
0x45: {  	[tilespmem:s10], [sflag:$0x1] =	stream.linear.gather [hbm4b:s5+s20], $0x1388, $0x38;
	[tilespmem:$0x11400] =	vst v63  }
0x46: {  	_ = 	snop  }
0x47: {  	[tilespmem:s11], [sflag:$0x1] =	stream.linear.gather [hbm4b:s5+s20], $0x1388, $0x38;
	[tilespmem:$0x11400] =	vst v63  }
.LBB2_6:
0x48: {  	s21 =	sshra.s32 s20, $0x2  }
0x49: {  	v3 =	vld [tilespmem:s21+$0xEC00];
	_ =	sdelay $0x7  }
0x4a: {  	[tilespmem:v3+s2+$0x0] =	vst.idx.add.f32.msk $0xffff, v2  }
0x4b: {  	v3 =	vld [tilespmem:s21+$0xEC10];
	_ =	sdelay $0x7  }
0x4c: {  	[tilespmem:v3+s2+$0x0] =	vst.idx.add.f32.msk $0xffff, v2  }
0x4d: {  	v3 =	vld [tilespmem:s21+$0xEC20];
	_ =	sdelay $0x7  }
0x4e: {  	[tilespmem:v3+s2+$0x0] =	vst.idx.add.f32.msk $0xffff, v2  }
0x4f: {  	v3 =	vld [tilespmem:s21+$0xEC30];
	_ =	sdelay $0x2  }
0x50: {  	p0 =	sne.s32 s20, $0x4D00  }
.Ltmp2:
0x51: {  	_ = 	snop;
	(pc) =	sbr.rel @p0 .LBB2_6-.Ltmp2, $2  }
0x52: {  	_ =	sdelay $0x2  }
0x53: {  	s20 =	sadd.s32 $0x100, s20;
	[tilespmem:v3+s2+$0x0] =	vst.idx.add.f32.msk $0xffff, v2  }
0x54: {  	v3 =	vld [tilespmem:$0xFF80];
	_ =	sdelay $0x6  }
0x55: {  	s20 =	simm.s32 $0x0  }
0x56: {  	[tilespmem:v3+s20+$0x0] =	vst.idx.add.f32.msk $0xff, v2  }
0x57: {  	_ =	swait.ge [sflag:s12], $0x1388  }
0x58: {  	[sflag:s12] =	ssyncset.done $0x0  }
0x59: {  	[sflag:s12] =	ssyncadd.s32 $0xFFFFEC78  }
0x5a: {  	_ =	swait.ge [sflag:s12], $0x1388  }
0x5b: {  	[sflag:s12] =	ssyncset.done $0x0  }
0x5c: {  	[sflag:s12] =	ssyncadd.s32 $0xFFFFEC78  }
0x5d: {  	[tilespmem:s13], [sflag:$0x2] =	stream.linear.gather [hbm4b:s6+s20], $0x1388, $0x38;
	[tilespmem:$0x11400] =	vst v63  }
0x5e: {  	_ = 	snop  }
0x5f: {  	[tilespmem:s14], [sflag:$0x2] =	stream.linear.gather [hbm4b:s6+s20], $0x1388, $0x38;
	[tilespmem:$0x11400] =	vst v63  }
.LBB2_8:
0x60: {  	s21 =	sshra.s32 s20, $0x2  }
0x61: {  	v3 =	vld [tilespmem:s21+$0xC400];
	_ =	sdelay $0x7  }
0x62: {  	[tilespmem:v3+s2+$0x0] =	vst.idx.add.f32.msk $0xffff, v2  }
0x63: {  	v3 =	vld [tilespmem:s21+$0xC410];
	_ =	sdelay $0x7  }
0x64: {  	[tilespmem:v3+s2+$0x0] =	vst.idx.add.f32.msk $0xffff, v2  }
0x65: {  	v3 =	vld [tilespmem:s21+$0xC420];
	_ =	sdelay $0x7  }
0x66: {  	[tilespmem:v3+s2+$0x0] =	vst.idx.add.f32.msk $0xffff, v2  }
0x67: {  	v3 =	vld [tilespmem:s21+$0xC430];
	_ =	sdelay $0x2  }
0x68: {  	p0 =	sne.s32 s20, $0x4D00  }
.Ltmp3:
0x69: {  	_ = 	snop;
	(pc) =	sbr.rel @p0 .LBB2_8-.Ltmp3, $2  }
0x6a: {  	_ =	sdelay $0x2  }
0x6b: {  	s20 =	sadd.s32 $0x100, s20;
	[tilespmem:v3+s2+$0x0] =	vst.idx.add.f32.msk $0xffff, v2  }
0x6c: {  	v3 =	vld [tilespmem:$0xD780];
	_ =	sdelay $0x6  }
0x6d: {  	s20 =	simm.s32 $0x0  }
0x6e: {  	[tilespmem:v3+s20+$0x0] =	vst.idx.add.f32.msk $0xff, v2  }
0x6f: {  	_ =	swait.ge [sflag:s15], $0x1388  }
0x70: {  	[sflag:s15] =	ssyncset.done $0x0  }
0x71: {  	[sflag:s15] =	ssyncadd.s32 $0xFFFFEC78  }
0x72: {  	_ =	swait.ge [sflag:s15], $0x1388  }
0x73: {  	[sflag:s15] =	ssyncset.done $0x0  }
0x74: {  	[sflag:s15] =	ssyncadd.s32 $0xFFFFEC78  }
0x75: {  	[tilespmem:s10], [sflag:$0x1] =	stream.linear.gather [hbm4b:s7+s20], $0x1388, $0x38;
	[tilespmem:$0x11400] =	vst v63  }
0x76: {  	_ = 	snop  }
0x77: {  	[tilespmem:s11], [sflag:$0x1] =	stream.linear.gather [hbm4b:s7+s20], $0x1388, $0x38;
	[tilespmem:$0x11400] =	vst v63  }
.LBB2_10:
0x78: {  	s21 =	sshra.s32 s20, $0x2  }
0x79: {  	v3 =	vld [tilespmem:s21+$0xEC00];
	_ =	sdelay $0x7  }
0x7a: {  	[tilespmem:v3+s2+$0x0] =	vst.idx.add.f32.msk $0xffff, v2  }
0x7b: {  	v3 =	vld [tilespmem:s21+$0xEC10];
	_ =	sdelay $0x7  }
0x7c: {  	[tilespmem:v3+s2+$0x0] =	vst.idx.add.f32.msk $0xffff, v2  }
0x7d: {  	v3 =	vld [tilespmem:s21+$0xEC20];
	_ =	sdelay $0x7  }
0x7e: {  	[tilespmem:v3+s2+$0x0] =	vst.idx.add.f32.msk $0xffff, v2  }
0x7f: {  	v3 =	vld [tilespmem:s21+$0xEC30];
	_ =	sdelay $0x2  }
0x80: {  	p0 =	sne.s32 s20, $0x4D00  }
.Ltmp4:
0x81: {  	_ = 	snop;
	(pc) =	sbr.rel @p0 .LBB2_10-.Ltmp4, $2  }
0x82: {  	_ =	sdelay $0x2  }
0x83: {  	s20 =	sadd.s32 $0x100, s20;
	[tilespmem:v3+s2+$0x0] =	vst.idx.add.f32.msk $0xffff, v2  }
0x84: {  	v3 =	vld [tilespmem:$0xFF80];
	_ =	sdelay $0x6  }
0x85: {  	s20 =	simm.s32 $0x0  }
0x86: {  	[tilespmem:v3+s20+$0x0] =	vst.idx.add.f32.msk $0xff, v2  }
0x87: {  	_ =	swait.ge [sflag:s12], $0x1388  }
0x88: {  	[sflag:s12] =	ssyncset.done $0x0  }
0x89: {  	[sflag:s12] =	ssyncadd.s32 $0xFFFFEC78  }
0x8a: {  	_ =	swait.ge [sflag:s12], $0x1388  }
0x8b: {  	[sflag:s12] =	ssyncset.done $0x0  }
0x8c: {  	[sflag:s12] =	ssyncadd.s32 $0xFFFFEC78  }
.LBB2_12:
0x8d: {  	s21 =	sshra.s32 s20, $0x2  }
0x8e: {  	v3 =	vld [tilespmem:s21+$0xC400];
	_ =	sdelay $0x7  }
0x8f: {  	[tilespmem:v3+s2+$0x0] =	vst.idx.add.f32.msk $0xffff, v2  }
0x90: {  	v3 =	vld [tilespmem:s21+$0xC410];
	_ =	sdelay $0x7  }
0x91: {  	[tilespmem:v3+s2+$0x0] =	vst.idx.add.f32.msk $0xffff, v2  }
0x92: {  	v3 =	vld [tilespmem:s21+$0xC420];
	_ =	sdelay $0x7  }
0x93: {  	[tilespmem:v3+s2+$0x0] =	vst.idx.add.f32.msk $0xffff, v2  }
0x94: {  	v3 =	vld [tilespmem:s21+$0xC430];
	_ =	sdelay $0x2  }
0x95: {  	p0 =	sne.s32 s20, $0x4D00  }
.Ltmp5:
0x96: {  	_ = 	snop;
	(pc) =	sbr.rel @p0 .LBB2_12-.Ltmp5, $2  }
0x97: {  	_ =	sdelay $0x2  }
0x98: {  	s20 =	sadd.s32 $0x100, s20;
	[tilespmem:v3+s2+$0x0] =	vst.idx.add.f32.msk $0xffff, v2  }
0x99: {  	v3 =	vld [tilespmem:$0xD780];
	_ =	sdelay $0x5  }
0x9a: {  	s19 =	sadd.s32 $0x1, s19  }
0x9b: {  	p0 =	sne.s32 s19, s9  }
.Ltmp6:
0x9c: {  	[tilespmem:v3+s2+$0x0] =	vst.idx.add.f32.msk $0xff, v2;
	(pc) =	sbr.rel @p0 .LBB2_1-.Ltmp6, $4  }
0x9d: {  	[hbm4b:s8+s16] =	stream.strided.scatter [tilespmem:s2], [sflag:$0x3], $0xC400, s17, s16, $0x38;
	[tilespmem:$0x11400] =	vst v63  }
0x9e: {  	_ =	swait.ge [sflag:s18], $0xC400  }
0x9f: {  	[sflag:s18] =	ssyncset.done $0x0  }
0xa0: {  	[sflag:s18] =	ssyncadd.s32 $0xFFFF3C00  }
0xa1: {  	_ =	sfence.sel $0x180000  }
0xa2: {  	[bflag:$0x0] =	sbarrier.arrive $0xFFFF  }
0xa3: {  	p0 =	sne.s32 s1, $0x0;
	_ =	strace $0x90000047  }
0xa4: {  	s0 =	sadd.s32 @!p0 $0x100000, s0;
	[bflag:$0x2] =	sbarrier.arrive $0xFFFF  }
0xa5: {  	[sflag:s0] =	ssyncadd.tile.s32 @!p0 $0x1;
	_ =	shalt  }
.Lfunc_end2:
_tile_overlayer_lowered:
.L_overlay_start_2:
0xa6: {  	(tag) =	ssettag $0x2  }
0xa7: {  	s0 =	rddreg [dreg:$0x0];
	s2 =	stileid.u32  }
0xa8: {  	s1 =	rddreg [dreg:$0x1];
	p0 =	sne.s32 s2, $0x0  }
0xa9: {  	s3 =	rddreg [dreg:$0x2];
	[bflag:$0x3] =	sbarrier.arrive $0xFFFF;
	s2 =	simm.s32 @!p0 $0x1C03  }
0xaa: {  	[timem:s3], [sflag:s2] =	dma.local @!p0 [hbm:s0], s1  }
0xab: {  	s0 =	simm.s32 @!p0 $0x3  }
0xac: {  	_ =	swait.ge @!p0 [sflag:s0], s1  }
0xad: {  	s1 =	ssub.s32 @!p0 $0x0, s1;
	[sflag:s0] =	ssyncset.done @!p0 $0x0  }
0xae: {  	[sflag:s0] =	ssyncadd.s32 @!p0 s1  }
0xaf: {  	[bflag:$0x3] =	sbarrier.arrive $0xFFFF  }
0xb0: {  	_ =	shalt  }

// kernel: kernel.15.cloned.1.call-start
scs
__scs_entry_jumppad:
0x0: {  	(pc) =	sbr.rel $0x88, $3  }
0x1: {  	(tag) =	ssettag $0x0;
	lr =	simm.s32 $0x1  }
0x2: {  	[smem:$0x3F95] =	sst lr;
	_ =	strace $0xD0000000  }
0x3: {  	_ = 	snop  }
0x4: {  	_ = 	snop  }
0x5: {  	_ = 	snop  }
0x6: {  	_ = 	snop  }
0x7: {  	_ = 	snop  }
__scs_overlays_trampoline_lowered:
0x8: {  	[smem:$0x3FA4] =	sst s0  }
0x9: {  	[smem:$0x3FA5] =	sst s1  }
0xa: {  	[smem:$0x3FA6] =	sst s2  }
0xb: {  	[smem:$0x3FA7] =	sst s3  }
0xc: {  	[smem:$0x3FA8] =	sst s4  }
0xd: {  	[smem:$0x3FA9] =	sst s5  }
0xe: {  	[smem:$0x3FAA] =	sst s6  }
0xf: {  	[smem:$0x3FAB] =	sst s7  }
0x10: {  	[smem:$0x3FAC] =	sst s8  }
0x11: {  	[smem:$0x3FAD] =	sst s9;
	s0 =	simm.s32 @!p0 $0x0  }
0x12: {  	s1 =	sld [smem:$0x3F93];
	s0 =	simm.s32 @p0 $0x1  }
0x13: {  	[smem:$0x3FAE] =	sst s0;
	s0 =	simm.s32 @!p1 $0x0  }
0x14: {  	s2 =	sld [smem:$0x3F92];
	s0 =	simm.s32 @p1 $0x1  }
0x15: {  	[smem:$0x3FAF] =	sst s0;
	s0 =	simm.s32 @!p2 $0x0  }
0x16: {  	s3 =	sld [smem:$0x3FDB];
	s0 =	simm.s32 @p2 $0x1  }
0x17: {  	s4 =	simm.s32 $0x1BF5;
	[smem:$0x3FB1] =	sst s0  }
0x18: {  	s0 =	sld [smem:$0x3F94];
	_ =	swait.ge [sflag:s4], $0x0  }
0x19: {  	s7 =	sld [smem:$0x3F95]  }
0x1a: {  	s8 =	sadd.s32 $0xFFFFE003, lr  }
0x1b: {  	s9 =	sadd.s32 $0xFFFFFEF7, lr;
	s5 =	simm.s32 $0xFFFFFFFF;
	p2 =	slt.u32 s8, $0xFFFFF086  }
0x1c: {  	p1 =	slt.u32 s9, $0xF7A;
	s5 =	simm.s32 @!p2 $0x0  }
0x1d: {  	s5 =	simm.s32 @p1 $0x1;
	p0 =	seq.s32 s7, s2  }
0x1e: {  	s7 =	smul.u32 @!p0 $0xF7A, s2;
	p2 =	seq.s32 @!p0 s5, $0x0  }
0x1f: {  	s9 =	smul.u32 $0xF7A, s1;
	s8 =	simm.s32 @!p0 $0x1BF5;
	p2 =	por !p2, p0  }
0x20: {  	[sflag:s8] =	ssyncset.s32 @!p0 $0xFFFFF086;
	s6 =	sadd.s32 @!p0 s3, s7;
	s7 =	simm.s32 @!p0 $0x108  }
0x21: {  	s3 =	sadd.s32 s3, s9;
	s6 =	sadd.s32 @!p0 $0x88, s6;
	s7 =	simm.s32 @p2 $0x1082  }
0x22: {  	[simem:s7], [sflag:s8] =	dma.local @!p0 [hbm:s6], $0xF7A  }
0x23: {  	s9 =	sor.u32 $0xD0000000, s2;
	s6 =	simm.s32 $0x108;
	_ =	swait.ge @!p0 [sflag:s8], $0x0  }
0x24: {  	s3 =	sadd.s32 $0x88, s3;
	s6 =	simm.s32 @!p1 $0x1082;
	[sflag:s4] =	ssyncset.s32 $0xFFFFF086  }
0x25: {  	[simem:s6], [sflag:s4] =	dma.local [hbm:s3], $0xF7A  }
0x26: {  	[smem:$0x3F95] =	sst s1;
	(tag) =	ssettag s2;
	_ =	strace s9  }
0x27: {  	s1 =	sld [smem:$0x3FA5]  }
0x28: {  	s2 =	sld [smem:$0x3FA6]  }
0x29: {  	s4 =	sld [smem:$0x3FA8]  }
0x2a: {  	p0 =	seq.s32 s5, $0x0;
	s5 =	sld [smem:$0x3FA9]  }
0x2b: {  	s6 =	sld [smem:$0x3FAA]  }
0x2c: {  	s7 =	sld [smem:$0x3FAB]  }
0x2d: {  	s3 =	simm.s32 $0x108;
	s8 =	sld [smem:$0x3FAC]  }
0x2e: {  	s3 =	simm.s32 @!p0 $0x1082;
	s9 =	sld [smem:$0x3FAD]  }
0x2f: {  	lr =	sadd.s32 s0, s3;
	s0 =	sld [smem:$0x3FA4]  }
0x30: {  	s3 =	sld [smem:$0x3FA7]  }
0x31: {  	[smem:$0x3FB0] =	sst s10  }
0x32: {  	s10 =	sld [smem:$0x3FAE];
	_ =	sdelay $0x3  }
0x33: {  	p0 =	seq.s32 s10, $0x1;
	s10 =	sld [smem:$0x3FB0];
	_ =	sdelay $0x3  }
0x34: {  	[smem:$0x3FB0] =	sst s10  }
0x35: {  	s10 =	sld [smem:$0x3FAF];
	_ =	sdelay $0x3  }
0x36: {  	p1 =	seq.s32 s10, $0x1;
	s10 =	sld [smem:$0x3FB0];
	_ =	sdelay $0x3  }
0x37: {  	[smem:$0x3FB0] =	sst s10  }
0x38: {  	s10 =	sld [smem:$0x3FB1]  }
0x39: {  	_ = 	snop;
	(pc) =	sbr.ind lr, $3  }
0x3a: {  	_ = 	snop  }
0x3b: {  	_ = 	snop  }
0x3c: {  	p2 =	seq.s32 s10, $0x1;
	s10 =	sld [smem:$0x3FB0]  }
0x3d: {  	_ =	shalt  }
0x3e: {  	_ =	shalt  }
0x3f: {  	_ =	shalt  }
0x40: {  	_ =	shalt  }
0x41: {  	_ =	shalt  }
0x42: {  	_ =	shalt  }
0x43: {  	_ =	shalt  }
0x44: {  	_ =	shalt  }
0x45: {  	_ =	shalt  }
0x46: {  	_ =	shalt  }
0x47: {  	_ =	shalt  }
0x48: {  	_ =	shalt  }
0x49: {  	_ =	shalt  }
0x4a: {  	_ =	shalt  }
0x4b: {  	_ =	shalt  }
0x4c: {  	_ =	shalt  }
0x4d: {  	_ =	shalt  }
0x4e: {  	_ =	shalt  }
0x4f: {  	_ =	shalt  }
0x50: {  	_ =	shalt  }
0x51: {  	_ =	shalt  }
0x52: {  	_ =	shalt  }
0x53: {  	_ =	shalt  }
0x54: {  	_ =	shalt  }
0x55: {  	_ =	shalt  }
0x56: {  	_ =	shalt  }
0x57: {  	_ =	shalt  }
0x58: {  	_ =	shalt  }
0x59: {  	_ =	shalt  }
0x5a: {  	_ =	shalt  }
0x5b: {  	_ =	shalt  }
0x5c: {  	_ =	shalt  }
0x5d: {  	_ =	shalt  }
0x5e: {  	_ =	shalt  }
0x5f: {  	_ =	shalt  }
0x60: {  	_ =	shalt  }
0x61: {  	_ =	shalt  }
0x62: {  	_ =	shalt  }
0x63: {  	_ =	shalt  }
0x64: {  	_ =	shalt  }
0x65: {  	_ =	shalt  }
0x66: {  	_ =	shalt  }
0x67: {  	_ =	shalt  }
0x68: {  	_ =	shalt  }
0x69: {  	_ =	shalt  }
0x6a: {  	_ =	shalt  }
0x6b: {  	_ =	shalt  }
0x6c: {  	_ =	shalt  }
0x6d: {  	_ =	shalt  }
0x6e: {  	_ =	shalt  }
0x6f: {  	_ =	shalt  }
0x70: {  	_ =	shalt  }
0x71: {  	_ =	shalt  }
0x72: {  	_ =	shalt  }
0x73: {  	_ =	shalt  }
0x74: {  	_ =	shalt  }
0x75: {  	_ =	shalt  }
0x76: {  	_ =	shalt  }
0x77: {  	_ =	shalt  }
0x78: {  	_ =	shalt  }
0x79: {  	_ =	shalt  }
0x7a: {  	_ =	shalt  }
0x7b: {  	_ =	shalt  }
0x7c: {  	_ =	shalt  }
0x7d: {  	_ =	shalt  }
0x7e: {  	_ =	shalt  }
0x7f: {  	_ =	shalt  }
0x80: {  	_ =	shalt  }
0x81: {  	_ =	shalt  }
0x82: {  	_ =	shalt  }
0x83: {  	_ =	shalt  }
0x84: {  	_ =	shalt  }
0x85: {  	_ =	shalt  }
0x86: {  	_ =	shalt  }
0x87: {  	_ =	shalt  }
.Lfunc_end0:
.L_simem_size_0:
called_computation.1_lowered:
.L_overlay_start_0:
0x88: {  	s2 =	sld [smem:$0x3FD9]  }
0x89: {  	s3 =	sld [smem:$0x3FFE];
	_ =	sdelay $0x1  }
0x8a: {  	s1 =	srdreg.scid  }
0x8b: {  	s0 =	sand.u32 $0x1, s1  }
0x8c: {  	s17 =	sshll.u32 s0, $0xA;
	s2 =	sadd.s32 s3, s2  }
0x8d: {  	s2 =	sadd.s32 s2, s17  }
0x8e: {  	[smem:$0x3FBC] =	sst s2  }
0x8f: {  	_ = 	snop  }
0x90: {  	(tm) =	ssettm $0x1  }
0x91: {  	s18 =	sld [smem:$0x3FFB];
	_ =	sdelay $0x3  }
0x92: {  	_ =	strace s18  }
0x93: {  	s2 =	sld [smem:$0x3FFC];
	_ =	sdelay $0x3  }
0x94: {  	_ =	strace s2  }
0x95: {  	s2 =	sld [smem:$0x3FFD];
	_ =	sdelay $0x3  }
0x96: {  	_ =	strace s2  }
0x97: {  	_ =	strace $0x8FFFFFFF  }
0x98: {  	s19 =	sld [smem:$0x3FDB];
	_ =	sdelay $0x1  }
0x99: {  	s20 =	simm.s32 $_scs_section_size  }
0x9a: {  	s4 =	simm.s32 $_size__tile_overlayer_lowered;
	s5 =	simm.s32 $_tile_overlayer_lowered  }
0x9b: {  	s6 =	simm.s32 $0x1BFF;
	s21 =	sshll.u32 s5, $0x1;
	s3 =	sadd.s32 s20, s19  }
0x9c: {  	s22 =	simm.s32 $0x0;
	s4 =	sshll.u32 s4, $0x1;
	s5 =	sadd.s32 s21, s3  }
0x9d: {  	[timem:s22], [sflag:s6] =	dma.local [hbm:s5], s4  }
0x9e: {  	_ =	swait.ge [sflag:s6], s4  }
0x9f: {  	s4 =	ssub.s32 $0x0, s4;
	[sflag:s6] =	ssyncset.done $0x0  }
0xa0: {  	[sflag:s6] =	ssyncadd.s32 s4;
	_ =	sdelay $0x1  }
0xa1: {  	s23 =	simm.s32 $0x1B8B  }
0xa2: {  	_ =	swait.ge [sflag:s23], $0x1  }
0xa3: {  	[sflag:s23] =	ssyncset.done $0x0  }
0xa4: {  	[sflag:s23] =	ssyncadd.s32 $0xFFFFFFFF  }
0xa5: {  	s4 =	sld [smem:$0x0]  }
0xa6: {  	s5 =	sand.u32 $0xFFFFFFFE, s1  }
0xa7: {  	p0 =	sne.s32 s1, s5  }
0xa8: {  	s5 =	sshll.u32 @p0 s5, $0xE  }
0xa9: {  	s5 =	sadd.s32 @p0 $0x11B8D, s5;
	s6 =	sshll.u32 @p0 s4, $0x11  }
0xaa: {  	s5 =	sor.u32 @p0 s6, s5  }
0xab: {  	[sflag:s5] =	ssyncadd.remote.s32 @p0 $0x1;
	_ =	sdelay $0x1  }
0xac: {  	s5 =	simm.s32 @p0 $0x1B8D  }
0xad: {  	_ =	swait.eq @p0 [sflag:s5], $0x1  }
0xae: {  	[sflag:s5] =	ssyncadd.s32 @p0 $0xFFFFFFFF  }
0xaf: {  	s6 =	sshll.u32 @!p0 s1, $0xE  }
0xb0: {  	s6 =	sor.u32 @!p0 $0x4000, s6;
	s5 =	simm.s32 @!p0 $0x1B8D  }
0xb1: {  	s4 =	sshll.u32 @!p0 s4, $0x11;
	s6 =	sadd.s32 @!p0 $0x11B8D, s6;
	_ =	swait.eq @!p0 [sflag:s5], $0x1  }
0xb2: {  	s4 =	sor.u32 @!p0 s4, s6;
	[sflag:s5] =	ssyncadd.s32 @!p0 $0xFFFFFFFF  }
0xb3: {  	s25 =	simm.s32 $0x1B8E;
	s24 =	sld [smem:$0x3FFE];
	[sflag:s4] =	ssyncadd.remote.s32 @!p0 $0x1  }
0xb4: {  	s26 =	simm.s32 $execute0_lowered;
	[smem:$0x3FD2] =	sst s25  }
0xb5: {  	s5 =	sshll.u32 s26, $0x1;
	_ =	strace $0x8000004C;
	[dreg:$0x1] =	wrdreg $0xFFFFFFFF  }
0xb6: {  	s28 =	simm.s32 $_size_execute0_lowered;
	s3 =	sadd.s32 s3, s5;
	[dreg:$0x0] =	wrdreg $0x0  }
0xb7: {  	s5 =	sshll.u32 s28, $0x1;
	[dreg:$0x2] =	wrdreg s3  }
0xb8: {  	[dreg:$0x3] =	wrdreg s5  }
0xb9: {  	[dreg:$0x4] =	wrdreg $0xC0  }
0xba: {  	_ =	task [dreg:s22], $0x5FFFF  }
0xbb: {  	[dreg:$0x1] =	wrdreg $0xFFFFFFFF  }
0xbc: {  	[dreg:$0x0] =	wrdreg $0x60  }
0xbd: {  	[dreg:$0x2] =	wrdreg s24  }
0xbe: {  	[dreg:$0x3] =	wrdreg $0x9  }
0xbf: {  	_ =	task.clear_ibuf [dreg:s22], $0x4FFFF;
	_ =	strace $0x9000004C  }
0xc0: {  	s29 =	simm.s32 $0x9;
	_ =	strace $0x8000004E  }
0xc1: {  	_ =	swait.ge [sflag:s29], $0x1  }
0xc2: {  	[sflag:s29] =	ssyncadd.s32 $0xFFFFFFFF  }
0xc3: {  	_ =	strace $0x9000004E  }
0xc4: {  	_ =	sfence  }
0xc5: {  	s30 =	sld [smem:$0x0];
	_ =	sdelay $0x2  }
0xc6: {  	s31 =	sshll.u32 s1, $0xD;
	s1 =	sshrl.u32 s1, $0x2  }
0xc7: {  	s4 =	sand.u32 $0x4000, s31;
	s1 =	sadd.s32 s1, s30  }
0xc8: {  	s0 =	sor.u32 s4, s0;
	s1 =	sshll.u32 s1, $0x11  }
0xc9: {  	s0 =	sor.u32 s1, s0  }
0xca: {  	s0 =	sadd.s32 $0x8F2B, s0  }
0xcb: {  	[sflag:s0] =	ssyncadd.remote.s32 $0x1  }
0xcc: {  	_ =	sfence.sel $0xFFFF  }
0xcd: {  	[dreg:$0x0] =	wrdreg $0xFFFFFFFF;
	(pc) =	sbr.abs _section_cstart, $3  }
0xce: {  	[dreg:$0x1] =	wrdreg $0xFFFFFFFF  }
0xcf: {  	_ =	task.clear_ibuf [dreg:s22], $0x2FFFF;
	_ =	strace $0x9FFFFFFF  }
0xd0: {  	(tm) =	ssettm $0x7FFFFFFF  }
0xd1: {  	_ =	shalt  }
tec
execute0_lowered:
.L_overlay_start_1:
0x0: {  	(tag) =	ssettag $0x1  }
0x1: {  	s1 =	srdreg.scid  }
0x2: {  	s0 =	stileid.u32;
	s4 =	rddreg [dreg:$0x0];
	s17 =	simm.s32 $0x19C00  }
0x3: {  	s18 =	simm.s32 $0x1;
	s19 =	simm.s32 $0x2;
	s20 =	simm.s32 $0x1B000  }
0x4: {  	s21 =	simm.s32 $0x1C400;
	s22 =	simm.s32 $0xC400;
	s23 =	simm.s32 $0x3  }
0x5: {  	s24 =	simm.s32 $0x80;
	s28 =	simm.s32 $0x0;
	s5 =	sand.u32 $0x1, s1  }
0x6: {  	s2 =	sshll.u32 s0, $0x1;
	s1 =	rddreg [dreg:$0x1];
	s6 =	sshrl.u32 s0, $0x2  }
0x7: {  	s12 =	sadd.s32 $0x1B000, s4;
	s13 =	sadd.s32 $0x2800, s4;
	s3 =	sor.u32 s5, s2  }
0x8: {  	s2 =	simm.s32 $0x0;
	s6 =	smul.u32 $0x62000, s6;
	s25 =	ssub.s32 $0x2, s5  }
0x9: {  	s7 =	sshll.u32 s3, $0x7;
	[smem:$0x7FF] =	sst s2;
	s9 =	smul.u32 $0x61A8, s3  }
0xa: {  	s3 =	sadd.s32 $0x35200, s4;
	s5 =	sshrl.u32 s25, $0x1;
	s7 =	sand.u32 $0x380, s7  }
0xb: {  	_ =	strace $0x8000004D;
	s15 =	ssub.s32 s25, s5;
	s25 =	simm.s32 $0x400  }
0xc: {  	s6 =	sor.u32 s6, s7;
	s10 =	sshrl.u32 s9, $0x3;
	s26 =	sadd.s32 $0x1388, s9  }
0xd: {  	s16 =	sadd.s32 $0x3A98, s9;
	s15 =	smax.u32 s15, $0x1;
	s6 =	sshrl.u32 s6, $0x3  }
0xe: {  	s29 =	sshrl.u32 s26, $0x3;
	s5 =	sadd.s32 s13, s10;
	s11 =	sadd.s32 $0x4E2, s10  }
0xf: {  	s30 =	sshrl.u32 s16, $0x3;
	s31 =	sadd.s32 $0x9C4, s10;
	s16 =	simm.s32 $0x18800  }
0x10: {  	s26 =	simm.s32 $0x4;
	s14 =	sadd.s32 s6, s4;
	s4 =	sadd.s32 s12, s10  }
0x11: {  	s6 =	sadd.s32 s12, s29;
	s7 =	sadd.s32 s13, s29;
	s8 =	sadd.s32 s12, s11  }
0x12: {  	s9 =	sadd.s32 s13, s11;
	s10 =	sadd.s32 s12, s30;
	s11 =	sadd.s32 s13, s30  }
0x13: {  	v0 =	vimm.s32 $0x0;
	v1 =	vimm.f32 $0.0e+00;
	s12 =	sadd.s32 s12, s31;
	s13 =	sadd.s32 s13, s31;
	s14 =	sadd.s32 $0x67C00, s14  }
.LBB2_1:
0x14: {  	[tilespmem:s2], [sflag:$0x1] =	stream.linear.gather [hbm4b:s3+s2], $0xC400, $0x38;
	[tilespmem:$0x1D800] =	vst v63  }
0x15: {  	_ = 	snop  }
0x16: {  	[tilespmem:s16], [sflag:$0x2] =	stream.linear.gather [hbm4b:s4+s2], $0x1388, $0x38;
	[tilespmem:$0x1D800] =	vst v63  }
0x17: {  	_ = 	snop  }
0x18: {  	[tilespmem:s17], [sflag:$0x2] =	stream.linear.gather [hbm4b:s5+s2], $0x1388, $0x38;
	[tilespmem:$0x1D800] =	vst v63  }
0x19: {  	[tilespmem:$0x19B80] =	vst v0  }
0x1a: {  	[tilespmem:$0x1AF80] =	vst v0  }
0x1b: {  	[tilespmem:$0x1C380] =	vst v0  }
0x1c: {  	s29 =	simm.s32 $0x0;
	s30 =	simm.s32 $0x200;
	[tilespmem:$0x1D780] =	vst v0  }
.LBB2_2:
0x1d: {  	p0 =	sne.s32 s30, $0x30E00;
	[tilespmem:s29+$0xC470] =	vst v1  }
0x1e: {  	[tilespmem:s29+$0xC400] =	vst v1  }
0x1f: {  	[tilespmem:s29+$0xC410] =	vst v1  }
.Ltmp0:
0x20: {  	[tilespmem:s29+$0xC420] =	vst v1;
	(pc) =	sbr.rel @p0 .LBB2_2-.Ltmp0, $4  }
0x21: {  	[tilespmem:s29+$0xC430] =	vst v1  }
0x22: {  	[tilespmem:s29+$0xC440] =	vst v1  }
0x23: {  	[tilespmem:s29+$0xC450] =	vst v1  }
0x24: {  	[tilespmem:s29+$0xC460] =	vst v1;
	s29 =	sshra.s32 s30, $0x2;
	s30 =	sadd.s32 $0x200, s30  }
0x25: {  	[tilespmem:s29+$0xC470] =	vst v1  }
0x26: {  	[tilespmem:s29+$0xC400] =	vst v1  }
0x27: {  	[tilespmem:s29+$0xC410] =	vst v1  }
0x28: {  	[tilespmem:s29+$0xC420] =	vst v1  }
0x29: {  	[tilespmem:s29+$0xC430] =	vst v1  }
0x2a: {  	[tilespmem:s29+$0xC440] =	vst v1  }
0x2b: {  	[tilespmem:s29+$0xC450] =	vst v1  }
0x2c: {  	[tilespmem:s29+$0xC460] =	vst v1  }
0x2d: {  	_ =	swait.ge [sflag:s18], $0xC400  }
0x2e: {  	[sflag:s18] =	ssyncset.done $0x0  }
0x2f: {  	[sflag:s18] =	ssyncadd.s32 $0xFFFF3C00  }
0x30: {  	_ =	swait.ge [sflag:s19], $0x1388  }
0x31: {  	[sflag:s19] =	ssyncset.done $0x0  }
0x32: {  	[sflag:s19] =	ssyncadd.s32 $0xFFFFEC78  }
0x33: {  	_ =	swait.ge [sflag:s19], $0x1388  }
0x34: {  	[sflag:s19] =	ssyncset.done $0x0  }
0x35: {  	s29 =	simm.s32 $0x0;
	[sflag:s19] =	ssyncadd.s32 $0xFFFFEC78  }
0x36: {  	[tilespmem:s20], [sflag:$0x3] =	stream.linear.gather [hbm4b:s6+s29], $0x1388, $0x38;
	[tilespmem:$0x1D800] =	vst v63  }
0x37: {  	_ = 	snop  }
0x38: {  	[tilespmem:s21], [sflag:$0x3] =	stream.linear.gather [hbm4b:s7+s29], $0x1388, $0x38;
	[tilespmem:$0x1D800] =	vst v63  }
.LBB2_4:
0x39: {  	s30 =	sshra.s32 s29, $0x2  }
0x3a: {  	v2 =	vld [tilespmem:s30+$0x19C00];
	_ =	sdelay $0x4  }
0x3b: {  	v3 =	vld [tilespmem:s30+$0x18800];
	_ =	sdelay $0x2  }
0x3c: {  	v2 =	vld.idx.msk [tilespmem:v2+s2+$0x0], $0xffff;
	_ =	sdelay $0x4  }
0x3d: {  	[tilespmem:v3+s22+$0x0] =	vst.idx.add.f32.msk $0xffff, v2  }
0x3e: {  	v2 =	vld [tilespmem:s30+$0x19C10];
	_ =	sdelay $0x4  }
0x3f: {  	v3 =	vld [tilespmem:s30+$0x18810];
	_ =	sdelay $0x2  }
0x40: {  	v2 =	vld.idx.msk [tilespmem:v2+s2+$0x0], $0xffff;
	_ =	sdelay $0x4  }
0x41: {  	[tilespmem:v3+s22+$0x0] =	vst.idx.add.f32.msk $0xffff, v2  }
0x42: {  	v2 =	vld [tilespmem:s30+$0x19C20];
	_ =	sdelay $0x4  }
0x43: {  	v3 =	vld [tilespmem:s30+$0x18820];
	_ =	sdelay $0x2  }
0x44: {  	v2 =	vld.idx.msk [tilespmem:v2+s2+$0x0], $0xffff;
	_ =	sdelay $0x4  }
0x45: {  	[tilespmem:v3+s22+$0x0] =	vst.idx.add.f32.msk $0xffff, v2  }
0x46: {  	v2 =	vld [tilespmem:s30+$0x19C30];
	_ =	sdelay $0x4  }
0x47: {  	v3 =	vld [tilespmem:s30+$0x18830];
	_ =	sdelay $0x2  }
0x48: {  	p0 =	sne.s32 s29, $0x4D00;
	v2 =	vld.idx.msk [tilespmem:v2+s2+$0x0], $0xffff  }
.Ltmp1:
0x49: {  	_ = 	snop;
	(pc) =	sbr.rel @p0 .LBB2_4-.Ltmp1, $2  }
0x4a: {  	_ =	sdelay $0x2  }
0x4b: {  	s29 =	sadd.s32 $0x100, s29;
	[tilespmem:v3+s22+$0x0] =	vst.idx.add.f32.msk $0xffff, v2  }
0x4c: {  	v2 =	vld [tilespmem:$0x1AF80];
	_ =	sdelay $0x4  }
0x4d: {  	v3 =	vld [tilespmem:$0x19B80];
	_ =	sdelay $0x1  }
0x4e: {  	s29 =	simm.s32 $0x0  }
0x4f: {  	v2 =	vld.idx.msk [tilespmem:v2+s29+$0x0], $0xff;
	_ =	sdelay $0x4  }
0x50: {  	[tilespmem:v3+s22+$0x0] =	vst.idx.add.f32.msk $0xff, v2  }
0x51: {  	_ =	swait.ge [sflag:s23], $0x1388  }
0x52: {  	[sflag:s23] =	ssyncset.done $0x0  }
0x53: {  	[sflag:s23] =	ssyncadd.s32 $0xFFFFEC78  }
0x54: {  	_ =	swait.ge [sflag:s23], $0x1388  }
0x55: {  	[sflag:s23] =	ssyncset.done $0x0  }
0x56: {  	[sflag:s23] =	ssyncadd.s32 $0xFFFFEC78  }
0x57: {  	[tilespmem:s16], [sflag:$0x2] =	stream.linear.gather [hbm4b:s8+s29], $0x1388, $0x38;
	[tilespmem:$0x1D800] =	vst v63  }
0x58: {  	_ = 	snop  }
0x59: {  	[tilespmem:s17], [sflag:$0x2] =	stream.linear.gather [hbm4b:s9+s29], $0x1388, $0x38;
	[tilespmem:$0x1D800] =	vst v63  }
.LBB2_6:
0x5a: {  	s30 =	sshra.s32 s29, $0x2  }
0x5b: {  	v2 =	vld [tilespmem:s30+$0x1C400];
	_ =	sdelay $0x4  }
0x5c: {  	v3 =	vld [tilespmem:s30+$0x1B000];
	_ =	sdelay $0x2  }
0x5d: {  	v2 =	vld.idx.msk [tilespmem:v2+s2+$0x0], $0xffff;
	_ =	sdelay $0x4  }
0x5e: {  	[tilespmem:v3+s22+$0x0] =	vst.idx.add.f32.msk $0xffff, v2  }
0x5f: {  	v2 =	vld [tilespmem:s30+$0x1C410];
	_ =	sdelay $0x4  }
0x60: {  	v3 =	vld [tilespmem:s30+$0x1B010];
	_ =	sdelay $0x2  }
0x61: {  	v2 =	vld.idx.msk [tilespmem:v2+s2+$0x0], $0xffff;
	_ =	sdelay $0x4  }
0x62: {  	[tilespmem:v3+s22+$0x0] =	vst.idx.add.f32.msk $0xffff, v2  }
0x63: {  	v2 =	vld [tilespmem:s30+$0x1C420];
	_ =	sdelay $0x4  }
0x64: {  	v3 =	vld [tilespmem:s30+$0x1B020];
	_ =	sdelay $0x2  }
0x65: {  	v2 =	vld.idx.msk [tilespmem:v2+s2+$0x0], $0xffff;
	_ =	sdelay $0x4  }
0x66: {  	[tilespmem:v3+s22+$0x0] =	vst.idx.add.f32.msk $0xffff, v2  }
0x67: {  	v2 =	vld [tilespmem:s30+$0x1C430];
	_ =	sdelay $0x4  }
0x68: {  	v3 =	vld [tilespmem:s30+$0x1B030];
	_ =	sdelay $0x2  }
0x69: {  	p0 =	sne.s32 s29, $0x4D00;
	v2 =	vld.idx.msk [tilespmem:v2+s2+$0x0], $0xffff  }
.Ltmp2:
0x6a: {  	_ = 	snop;
	(pc) =	sbr.rel @p0 .LBB2_6-.Ltmp2, $2  }
0x6b: {  	_ =	sdelay $0x2  }
0x6c: {  	s29 =	sadd.s32 $0x100, s29;
	[tilespmem:v3+s22+$0x0] =	vst.idx.add.f32.msk $0xffff, v2  }
0x6d: {  	v2 =	vld [tilespmem:$0x1D780];
	_ =	sdelay $0x4  }
0x6e: {  	v3 =	vld [tilespmem:$0x1C380];
	_ =	sdelay $0x1  }
0x6f: {  	s29 =	simm.s32 $0x0  }
0x70: {  	v2 =	vld.idx.msk [tilespmem:v2+s29+$0x0], $0xff;
	_ =	sdelay $0x4  }
0x71: {  	[tilespmem:v3+s22+$0x0] =	vst.idx.add.f32.msk $0xff, v2  }
0x72: {  	_ =	swait.ge [sflag:s19], $0x1388  }
0x73: {  	[sflag:s19] =	ssyncset.done $0x0  }
0x74: {  	[sflag:s19] =	ssyncadd.s32 $0xFFFFEC78  }
0x75: {  	_ =	swait.ge [sflag:s19], $0x1388  }
0x76: {  	[sflag:s19] =	ssyncset.done $0x0  }
0x77: {  	[sflag:s19] =	ssyncadd.s32 $0xFFFFEC78  }
0x78: {  	[tilespmem:s20], [sflag:$0x3] =	stream.linear.gather [hbm4b:s10+s29], $0x1388, $0x38;
	[tilespmem:$0x1D800] =	vst v63  }
0x79: {  	_ = 	snop  }
0x7a: {  	[tilespmem:s21], [sflag:$0x3] =	stream.linear.gather [hbm4b:s11+s29], $0x1388, $0x38;
	[tilespmem:$0x1D800] =	vst v63  }
.LBB2_8:
0x7b: {  	s30 =	sshra.s32 s29, $0x2  }
0x7c: {  	v2 =	vld [tilespmem:s30+$0x19C00];
	_ =	sdelay $0x4  }
0x7d: {  	v3 =	vld [tilespmem:s30+$0x18800];
	_ =	sdelay $0x2  }
0x7e: {  	v2 =	vld.idx.msk [tilespmem:v2+s2+$0x0], $0xffff;
	_ =	sdelay $0x4  }
0x7f: {  	[tilespmem:v3+s22+$0x0] =	vst.idx.add.f32.msk $0xffff, v2  }
0x80: {  	v2 =	vld [tilespmem:s30+$0x19C10];
	_ =	sdelay $0x4  }
0x81: {  	v3 =	vld [tilespmem:s30+$0x18810];
	_ =	sdelay $0x2  }
0x82: {  	v2 =	vld.idx.msk [tilespmem:v2+s2+$0x0], $0xffff;
	_ =	sdelay $0x4  }
0x83: {  	[tilespmem:v3+s22+$0x0] =	vst.idx.add.f32.msk $0xffff, v2  }
0x84: {  	v2 =	vld [tilespmem:s30+$0x19C20];
	_ =	sdelay $0x4  }
0x85: {  	v3 =	vld [tilespmem:s30+$0x18820];
	_ =	sdelay $0x2  }
0x86: {  	v2 =	vld.idx.msk [tilespmem:v2+s2+$0x0], $0xffff;
	_ =	sdelay $0x4  }
0x87: {  	[tilespmem:v3+s22+$0x0] =	vst.idx.add.f32.msk $0xffff, v2  }
0x88: {  	v2 =	vld [tilespmem:s30+$0x19C30];
	_ =	sdelay $0x4  }
0x89: {  	v3 =	vld [tilespmem:s30+$0x18830];
	_ =	sdelay $0x2  }
0x8a: {  	p0 =	sne.s32 s29, $0x4D00;
	v2 =	vld.idx.msk [tilespmem:v2+s2+$0x0], $0xffff  }
.Ltmp3:
0x8b: {  	_ = 	snop;
	(pc) =	sbr.rel @p0 .LBB2_8-.Ltmp3, $2  }
0x8c: {  	_ =	sdelay $0x2  }
0x8d: {  	s29 =	sadd.s32 $0x100, s29;
	[tilespmem:v3+s22+$0x0] =	vst.idx.add.f32.msk $0xffff, v2  }
0x8e: {  	v2 =	vld [tilespmem:$0x1AF80];
	_ =	sdelay $0x4  }
0x8f: {  	v3 =	vld [tilespmem:$0x19B80];
	_ =	sdelay $0x1  }
0x90: {  	s29 =	simm.s32 $0x0  }
0x91: {  	v2 =	vld.idx.msk [tilespmem:v2+s29+$0x0], $0xff;
	_ =	sdelay $0x4  }
0x92: {  	[tilespmem:v3+s22+$0x0] =	vst.idx.add.f32.msk $0xff, v2  }
0x93: {  	_ =	swait.ge [sflag:s23], $0x1388  }
0x94: {  	[sflag:s23] =	ssyncset.done $0x0  }
0x95: {  	[sflag:s23] =	ssyncadd.s32 $0xFFFFEC78  }
0x96: {  	_ =	swait.ge [sflag:s23], $0x1388  }
0x97: {  	[sflag:s23] =	ssyncset.done $0x0  }
0x98: {  	[sflag:s23] =	ssyncadd.s32 $0xFFFFEC78  }
0x99: {  	[tilespmem:s16], [sflag:$0x2] =	stream.linear.gather [hbm4b:s12+s29], $0x1388, $0x38;
	[tilespmem:$0x1D800] =	vst v63  }
0x9a: {  	_ = 	snop  }
0x9b: {  	[tilespmem:s17], [sflag:$0x2] =	stream.linear.gather [hbm4b:s13+s29], $0x1388, $0x38;
	[tilespmem:$0x1D800] =	vst v63  }
.LBB2_10:
0x9c: {  	s30 =	sshra.s32 s29, $0x2  }
0x9d: {  	v2 =	vld [tilespmem:s30+$0x1C400];
	_ =	sdelay $0x4  }
0x9e: {  	v3 =	vld [tilespmem:s30+$0x1B000];
	_ =	sdelay $0x2  }
0x9f: {  	v2 =	vld.idx.msk [tilespmem:v2+s2+$0x0], $0xffff;
	_ =	sdelay $0x4  }
0xa0: {  	[tilespmem:v3+s22+$0x0] =	vst.idx.add.f32.msk $0xffff, v2  }
0xa1: {  	v2 =	vld [tilespmem:s30+$0x1C410];
	_ =	sdelay $0x4  }
0xa2: {  	v3 =	vld [tilespmem:s30+$0x1B010];
	_ =	sdelay $0x2  }
0xa3: {  	v2 =	vld.idx.msk [tilespmem:v2+s2+$0x0], $0xffff;
	_ =	sdelay $0x4  }
0xa4: {  	[tilespmem:v3+s22+$0x0] =	vst.idx.add.f32.msk $0xffff, v2  }
0xa5: {  	v2 =	vld [tilespmem:s30+$0x1C420];
	_ =	sdelay $0x4  }
0xa6: {  	v3 =	vld [tilespmem:s30+$0x1B020];
	_ =	sdelay $0x2  }
0xa7: {  	v2 =	vld.idx.msk [tilespmem:v2+s2+$0x0], $0xffff;
	_ =	sdelay $0x4  }
0xa8: {  	[tilespmem:v3+s22+$0x0] =	vst.idx.add.f32.msk $0xffff, v2  }
0xa9: {  	v2 =	vld [tilespmem:s30+$0x1C430];
	_ =	sdelay $0x4  }
0xaa: {  	v3 =	vld [tilespmem:s30+$0x1B030];
	_ =	sdelay $0x2  }
0xab: {  	p0 =	sne.s32 s29, $0x4D00;
	v2 =	vld.idx.msk [tilespmem:v2+s2+$0x0], $0xffff  }
.Ltmp4:
0xac: {  	_ = 	snop;
	(pc) =	sbr.rel @p0 .LBB2_10-.Ltmp4, $2  }
0xad: {  	_ =	sdelay $0x2  }
0xae: {  	s29 =	sadd.s32 $0x100, s29;
	[tilespmem:v3+s22+$0x0] =	vst.idx.add.f32.msk $0xffff, v2  }
0xaf: {  	v2 =	vld [tilespmem:$0x1D780];
	_ =	sdelay $0x4  }
0xb0: {  	v3 =	vld [tilespmem:$0x1C380];
	_ =	sdelay $0x1  }
0xb1: {  	s29 =	simm.s32 $0x0  }
0xb2: {  	v2 =	vld.idx.msk [tilespmem:v2+s29+$0x0], $0xff;
	_ =	sdelay $0x4  }
0xb3: {  	[tilespmem:v3+s22+$0x0] =	vst.idx.add.f32.msk $0xff, v2  }
0xb4: {  	_ =	swait.ge [sflag:s19], $0x1388  }
0xb5: {  	[sflag:s19] =	ssyncset.done $0x0  }
0xb6: {  	[sflag:s19] =	ssyncadd.s32 $0xFFFFEC78  }
0xb7: {  	_ =	swait.ge [sflag:s19], $0x1388  }
0xb8: {  	[sflag:s19] =	ssyncset.done $0x0  }
0xb9: {  	[sflag:s19] =	ssyncadd.s32 $0xFFFFEC78  }
.LBB2_12:
0xba: {  	s30 =	sshra.s32 s29, $0x2  }
0xbb: {  	v2 =	vld [tilespmem:s30+$0x19C00];
	_ =	sdelay $0x4  }
0xbc: {  	v3 =	vld [tilespmem:s30+$0x18800];
	_ =	sdelay $0x2  }
0xbd: {  	v2 =	vld.idx.msk [tilespmem:v2+s2+$0x0], $0xffff;
	_ =	sdelay $0x4  }
0xbe: {  	[tilespmem:v3+s22+$0x0] =	vst.idx.add.f32.msk $0xffff, v2  }
0xbf: {  	v2 =	vld [tilespmem:s30+$0x19C10];
	_ =	sdelay $0x4  }
0xc0: {  	v3 =	vld [tilespmem:s30+$0x18810];
	_ =	sdelay $0x2  }
0xc1: {  	v2 =	vld.idx.msk [tilespmem:v2+s2+$0x0], $0xffff;
	_ =	sdelay $0x4  }
0xc2: {  	[tilespmem:v3+s22+$0x0] =	vst.idx.add.f32.msk $0xffff, v2  }
0xc3: {  	v2 =	vld [tilespmem:s30+$0x19C20];
	_ =	sdelay $0x4  }
0xc4: {  	v3 =	vld [tilespmem:s30+$0x18820];
	_ =	sdelay $0x2  }
0xc5: {  	v2 =	vld.idx.msk [tilespmem:v2+s2+$0x0], $0xffff;
	_ =	sdelay $0x4  }
0xc6: {  	[tilespmem:v3+s22+$0x0] =	vst.idx.add.f32.msk $0xffff, v2  }
0xc7: {  	v2 =	vld [tilespmem:s30+$0x19C30];
	_ =	sdelay $0x4  }
0xc8: {  	v3 =	vld [tilespmem:s30+$0x18830];
	_ =	sdelay $0x2  }
0xc9: {  	p0 =	sne.s32 s29, $0x4D00;
	v2 =	vld.idx.msk [tilespmem:v2+s2+$0x0], $0xffff  }
.Ltmp5:
0xca: {  	_ = 	snop;
	(pc) =	sbr.rel @p0 .LBB2_12-.Ltmp5, $2  }
0xcb: {  	_ =	sdelay $0x2  }
0xcc: {  	s29 =	sadd.s32 $0x100, s29;
	[tilespmem:v3+s22+$0x0] =	vst.idx.add.f32.msk $0xffff, v2  }
0xcd: {  	v2 =	vld [tilespmem:$0x1AF80];
	_ =	sdelay $0x4  }
0xce: {  	v3 =	vld [tilespmem:$0x19B80];
	_ =	sdelay $0x2  }
0xcf: {  	v2 =	vld.idx.msk [tilespmem:v2+s2+$0x0], $0xff;
	_ =	sdelay $0x2  }
0xd0: {  	s28 =	sadd.s32 $0x1, s28  }
0xd1: {  	p0 =	sne.s32 s28, s15  }
.Ltmp6:
0xd2: {  	[tilespmem:v3+s22+$0x0] =	vst.idx.add.f32.msk $0xff, v2;
	(pc) =	sbr.rel @p0 .LBB2_1-.Ltmp6, $4  }
0xd3: {  	[hbm4b:s14+s24] =	stream.strided.scatter [tilespmem:s22], [sflag:$0x4], $0xC400, s25, s24, $0x38;
	[tilespmem:$0x1D800] =	vst v63  }
0xd4: {  	_ =	swait.ge [sflag:s26], $0xC400  }
0xd5: {  	[sflag:s26] =	ssyncset.done $0x0  }
0xd6: {  	[sflag:s26] =	ssyncadd.s32 $0xFFFF3C00  }
0xd7: {  	_ =	sfence.sel $0x180000  }
0xd8: {  	[bflag:$0x0] =	sbarrier.arrive $0xFFFF  }
0xd9: {  	p0 =	sne.s32 s0, $0x0;
	_ =	strace $0x9000004D  }
0xda: {  	s0 =	sadd.s32 @!p0 $0x100000, s1;
	[bflag:$0x2] =	sbarrier.arrive $0xFFFF  }
0xdb: {  	[sflag:s0] =	ssyncadd.tile.s32 @!p0 $0x1;
	_ =	shalt  }
.Lfunc_end2:
_tile_overlayer_lowered:
.L_overlay_start_2:
0xdc: {  	(tag) =	ssettag $0x2  }
0xdd: {  	s0 =	rddreg [dreg:$0x0];
	s2 =	stileid.u32  }
0xde: {  	s1 =	rddreg [dreg:$0x1];
	p0 =	sne.s32 s2, $0x0  }
0xdf: {  	s3 =	rddreg [dreg:$0x2];
	[bflag:$0x3] =	sbarrier.arrive $0xFFFF;
	s2 =	simm.s32 @!p0 $0x1C04  }
0xe0: {  	[timem:s3], [sflag:s2] =	dma.local @!p0 [hbm:s0], s1  }
0xe1: {  	s0 =	simm.s32 @!p0 $0x4  }
0xe2: {  	_ =	swait.ge @!p0 [sflag:s0], s1  }
0xe3: {  	s1 =	ssub.s32 @!p0 $0x0, s1;
	[sflag:s0] =	ssyncset.done @!p0 $0x0  }
0xe4: {  	[sflag:s0] =	ssyncadd.s32 @!p0 s1  }
0xe5: {  	[bflag:$0x3] =	sbarrier.arrive $0xFFFF  }
0xe6: {  	_ =	shalt  }

// kernel: kernel.18.cloned.1.call-start
scs
__scs_entry_jumppad:
0x0: {  	(pc) =	sbr.rel $0x88, $3  }
0x1: {  	(tag) =	ssettag $0x0;
	lr =	simm.s32 $0x1  }
0x2: {  	[smem:$0x3F95] =	sst lr;
	_ =	strace $0xD0000000  }
0x3: {  	_ = 	snop  }
0x4: {  	_ = 	snop  }
0x5: {  	_ = 	snop  }
0x6: {  	_ = 	snop  }
0x7: {  	_ = 	snop  }
__scs_overlays_trampoline_lowered:
0x8: {  	[smem:$0x3FA4] =	sst s0  }
0x9: {  	[smem:$0x3FA5] =	sst s1  }
0xa: {  	[smem:$0x3FA6] =	sst s2  }
0xb: {  	[smem:$0x3FA7] =	sst s3  }
0xc: {  	[smem:$0x3FA8] =	sst s4  }
0xd: {  	[smem:$0x3FA9] =	sst s5  }
0xe: {  	[smem:$0x3FAA] =	sst s6  }
0xf: {  	[smem:$0x3FAB] =	sst s7  }
0x10: {  	[smem:$0x3FAC] =	sst s8  }
0x11: {  	[smem:$0x3FAD] =	sst s9;
	s0 =	simm.s32 @!p0 $0x0  }
0x12: {  	s1 =	sld [smem:$0x3F93];
	s0 =	simm.s32 @p0 $0x1  }
0x13: {  	[smem:$0x3FAE] =	sst s0;
	s0 =	simm.s32 @!p1 $0x0  }
0x14: {  	s2 =	sld [smem:$0x3F92];
	s0 =	simm.s32 @p1 $0x1  }
0x15: {  	[smem:$0x3FAF] =	sst s0;
	s0 =	simm.s32 @!p2 $0x0  }
0x16: {  	s3 =	sld [smem:$0x3FDB];
	s0 =	simm.s32 @p2 $0x1  }
0x17: {  	s4 =	simm.s32 $0x1BF5;
	[smem:$0x3FB1] =	sst s0  }
0x18: {  	s0 =	sld [smem:$0x3F94];
	_ =	swait.ge [sflag:s4], $0x0  }
0x19: {  	s7 =	sld [smem:$0x3F95]  }
0x1a: {  	s8 =	sadd.s32 $0xFFFFE003, lr  }
0x1b: {  	s9 =	sadd.s32 $0xFFFFFEF7, lr;
	s5 =	simm.s32 $0xFFFFFFFF;
	p2 =	slt.u32 s8, $0xFFFFF086  }
0x1c: {  	p1 =	slt.u32 s9, $0xF7A;
	s5 =	simm.s32 @!p2 $0x0  }
0x1d: {  	s5 =	simm.s32 @p1 $0x1;
	p0 =	seq.s32 s7, s2  }
0x1e: {  	s7 =	smul.u32 @!p0 $0xF7A, s2;
	p2 =	seq.s32 @!p0 s5, $0x0  }
0x1f: {  	s9 =	smul.u32 $0xF7A, s1;
	s8 =	simm.s32 @!p0 $0x1BF5;
	p2 =	por !p2, p0  }
0x20: {  	[sflag:s8] =	ssyncset.s32 @!p0 $0xFFFFF086;
	s6 =	sadd.s32 @!p0 s3, s7;
	s7 =	simm.s32 @!p0 $0x108  }
0x21: {  	s3 =	sadd.s32 s3, s9;
	s6 =	sadd.s32 @!p0 $0x88, s6;
	s7 =	simm.s32 @p2 $0x1082  }
0x22: {  	[simem:s7], [sflag:s8] =	dma.local @!p0 [hbm:s6], $0xF7A  }
0x23: {  	s9 =	sor.u32 $0xD0000000, s2;
	s6 =	simm.s32 $0x108;
	_ =	swait.ge @!p0 [sflag:s8], $0x0  }
0x24: {  	s3 =	sadd.s32 $0x88, s3;
	s6 =	simm.s32 @!p1 $0x1082;
	[sflag:s4] =	ssyncset.s32 $0xFFFFF086  }
0x25: {  	[simem:s6], [sflag:s4] =	dma.local [hbm:s3], $0xF7A  }
0x26: {  	[smem:$0x3F95] =	sst s1;
	(tag) =	ssettag s2;
	_ =	strace s9  }
0x27: {  	s1 =	sld [smem:$0x3FA5]  }
0x28: {  	s2 =	sld [smem:$0x3FA6]  }
0x29: {  	s4 =	sld [smem:$0x3FA8]  }
0x2a: {  	p0 =	seq.s32 s5, $0x0;
	s5 =	sld [smem:$0x3FA9]  }
0x2b: {  	s6 =	sld [smem:$0x3FAA]  }
0x2c: {  	s7 =	sld [smem:$0x3FAB]  }
0x2d: {  	s3 =	simm.s32 $0x108;
	s8 =	sld [smem:$0x3FAC]  }
0x2e: {  	s3 =	simm.s32 @!p0 $0x1082;
	s9 =	sld [smem:$0x3FAD]  }
0x2f: {  	lr =	sadd.s32 s0, s3;
	s0 =	sld [smem:$0x3FA4]  }
0x30: {  	s3 =	sld [smem:$0x3FA7]  }
0x31: {  	[smem:$0x3FB0] =	sst s10  }
0x32: {  	s10 =	sld [smem:$0x3FAE];
	_ =	sdelay $0x3  }
0x33: {  	p0 =	seq.s32 s10, $0x1;
	s10 =	sld [smem:$0x3FB0];
	_ =	sdelay $0x3  }
0x34: {  	[smem:$0x3FB0] =	sst s10  }
0x35: {  	s10 =	sld [smem:$0x3FAF];
	_ =	sdelay $0x3  }
0x36: {  	p1 =	seq.s32 s10, $0x1;
	s10 =	sld [smem:$0x3FB0];
	_ =	sdelay $0x3  }
0x37: {  	[smem:$0x3FB0] =	sst s10  }
0x38: {  	s10 =	sld [smem:$0x3FB1]  }
0x39: {  	_ = 	snop;
	(pc) =	sbr.ind lr, $3  }
0x3a: {  	_ = 	snop  }
0x3b: {  	_ = 	snop  }
0x3c: {  	p2 =	seq.s32 s10, $0x1;
	s10 =	sld [smem:$0x3FB0]  }
0x3d: {  	_ =	shalt  }
0x3e: {  	_ =	shalt  }
0x3f: {  	_ =	shalt  }
0x40: {  	_ =	shalt  }
0x41: {  	_ =	shalt  }
0x42: {  	_ =	shalt  }
0x43: {  	_ =	shalt  }
0x44: {  	_ =	shalt  }
0x45: {  	_ =	shalt  }
0x46: {  	_ =	shalt  }
0x47: {  	_ =	shalt  }
0x48: {  	_ =	shalt  }
0x49: {  	_ =	shalt  }
0x4a: {  	_ =	shalt  }
0x4b: {  	_ =	shalt  }
0x4c: {  	_ =	shalt  }
0x4d: {  	_ =	shalt  }
0x4e: {  	_ =	shalt  }
0x4f: {  	_ =	shalt  }
0x50: {  	_ =	shalt  }
0x51: {  	_ =	shalt  }
0x52: {  	_ =	shalt  }
0x53: {  	_ =	shalt  }
0x54: {  	_ =	shalt  }
0x55: {  	_ =	shalt  }
0x56: {  	_ =	shalt  }
0x57: {  	_ =	shalt  }
0x58: {  	_ =	shalt  }
0x59: {  	_ =	shalt  }
0x5a: {  	_ =	shalt  }
0x5b: {  	_ =	shalt  }
0x5c: {  	_ =	shalt  }
0x5d: {  	_ =	shalt  }
0x5e: {  	_ =	shalt  }
0x5f: {  	_ =	shalt  }
0x60: {  	_ =	shalt  }
0x61: {  	_ =	shalt  }
0x62: {  	_ =	shalt  }
0x63: {  	_ =	shalt  }
0x64: {  	_ =	shalt  }
0x65: {  	_ =	shalt  }
0x66: {  	_ =	shalt  }
0x67: {  	_ =	shalt  }
0x68: {  	_ =	shalt  }
0x69: {  	_ =	shalt  }
0x6a: {  	_ =	shalt  }
0x6b: {  	_ =	shalt  }
0x6c: {  	_ =	shalt  }
0x6d: {  	_ =	shalt  }
0x6e: {  	_ =	shalt  }
0x6f: {  	_ =	shalt  }
0x70: {  	_ =	shalt  }
0x71: {  	_ =	shalt  }
0x72: {  	_ =	shalt  }
0x73: {  	_ =	shalt  }
0x74: {  	_ =	shalt  }
0x75: {  	_ =	shalt  }
0x76: {  	_ =	shalt  }
0x77: {  	_ =	shalt  }
0x78: {  	_ =	shalt  }
0x79: {  	_ =	shalt  }
0x7a: {  	_ =	shalt  }
0x7b: {  	_ =	shalt  }
0x7c: {  	_ =	shalt  }
0x7d: {  	_ =	shalt  }
0x7e: {  	_ =	shalt  }
0x7f: {  	_ =	shalt  }
0x80: {  	_ =	shalt  }
0x81: {  	_ =	shalt  }
0x82: {  	_ =	shalt  }
0x83: {  	_ =	shalt  }
0x84: {  	_ =	shalt  }
0x85: {  	_ =	shalt  }
0x86: {  	_ =	shalt  }
0x87: {  	_ =	shalt  }
.Lfunc_end0:
.L_simem_size_0:
called_computation.2_lowered:
.L_overlay_start_0:
0x88: {  	s2 =	sld [smem:$0x3FD9]  }
0x89: {  	s3 =	sld [smem:$0x3FFE];
	_ =	sdelay $0x1  }
0x8a: {  	s1 =	srdreg.scid  }
0x8b: {  	s0 =	sand.u32 $0x1, s1  }
0x8c: {  	s16 =	sshll.u32 s0, $0xA;
	s2 =	sadd.s32 s3, s2  }
0x8d: {  	s2 =	sadd.s32 s2, s16  }
0x8e: {  	[smem:$0x3FBC] =	sst s2  }
0x8f: {  	_ = 	snop  }
0x90: {  	(tm) =	ssettm $0x1  }
0x91: {  	s17 =	sld [smem:$0x3FFB];
	_ =	sdelay $0x3  }
0x92: {  	_ =	strace s17  }
0x93: {  	s2 =	sld [smem:$0x3FFC];
	_ =	sdelay $0x3  }
0x94: {  	_ =	strace s2  }
0x95: {  	s2 =	sld [smem:$0x3FFD];
	_ =	sdelay $0x3  }
0x96: {  	_ =	strace s2  }
0x97: {  	_ =	strace $0x8FFFFFFF  }
0x98: {  	s18 =	sld [smem:$0x3FDB];
	_ =	sdelay $0x1  }
0x99: {  	s19 =	simm.s32 $_scs_section_size  }
0x9a: {  	s4 =	simm.s32 $_size__tile_overlayer_lowered;
	s5 =	simm.s32 $_tile_overlayer_lowered  }
0x9b: {  	s22 =	simm.s32 $0x1BFF;
	s21 =	sshll.u32 s5, $0x1;
	s2 =	sadd.s32 s19, s18  }
0x9c: {  	s6 =	simm.s32 $0x0;
	s20 =	sshll.u32 s4, $0x1;
	s4 =	sadd.s32 s21, s2  }
0x9d: {  	[timem:s6], [sflag:s22] =	dma.local [hbm:s4], s20  }
0x9e: {  	_ =	swait.ge [sflag:s22], s20  }
0x9f: {  	s3 =	ssub.s32 $0x0, s20;
	[sflag:s22] =	ssyncset.done $0x0  }
0xa0: {  	[sflag:s22] =	ssyncadd.s32 s3;
	_ =	sdelay $0x1  }
0xa1: {  	s23 =	simm.s32 $0x1B8B  }
0xa2: {  	_ =	swait.ge [sflag:s23], $0x1  }
0xa3: {  	[sflag:s23] =	ssyncset.done $0x0  }
0xa4: {  	s25 =	simm.s32 $0x1B8E;
	s24 =	sld [smem:$0x3FFE];
	[sflag:s23] =	ssyncadd.s32 $0xFFFFFFFF  }
0xa5: {  	s26 =	simm.s32 $execute0_lowered;
	[smem:$0x3FD2] =	sst s25  }
0xa6: {  	s4 =	sshll.u32 s26, $0x1;
	_ =	strace $0x80000049;
	[dreg:$0x1] =	wrdreg $0xFFFFFFFF  }
0xa7: {  	s28 =	simm.s32 $_size_execute0_lowered;
	s2 =	sadd.s32 s2, s4;
	[dreg:$0x0] =	wrdreg $0x0  }
0xa8: {  	s4 =	sshll.u32 s28, $0x1;
	[dreg:$0x2] =	wrdreg s2  }
0xa9: {  	[dreg:$0x3] =	wrdreg s4  }
0xaa: {  	[dreg:$0x4] =	wrdreg $0xC0  }
0xab: {  	_ =	task [dreg:s6], $0x5FFFF  }
0xac: {  	[dreg:$0x1] =	wrdreg $0xFFFFFFFF  }
0xad: {  	[dreg:$0x0] =	wrdreg $0x60  }
0xae: {  	[dreg:$0x2] =	wrdreg s24  }
0xaf: {  	[dreg:$0x3] =	wrdreg $0xA  }
0xb0: {  	_ =	task.clear_ibuf [dreg:s6], $0x4FFFF;
	_ =	strace $0x90000049  }
0xb1: {  	s29 =	simm.s32 $0xA;
	_ =	strace $0x8000004B  }
0xb2: {  	_ =	swait.ge [sflag:s29], $0x1  }
0xb3: {  	[sflag:s29] =	ssyncadd.s32 $0xFFFFFFFF  }
0xb4: {  	_ =	strace $0x9000004B  }
0xb5: {  	_ =	sfence  }
0xb6: {  	s30 =	sld [smem:$0x0];
	_ =	sdelay $0x2  }
0xb7: {  	s31 =	sshll.u32 s1, $0xD;
	s1 =	sshrl.u32 s1, $0x2  }
0xb8: {  	s3 =	sand.u32 $0x4000, s31;
	s1 =	sadd.s32 s1, s30  }
0xb9: {  	s0 =	sor.u32 s3, s0;
	s1 =	sshll.u32 s1, $0x11  }
0xba: {  	s0 =	sor.u32 s1, s0  }
0xbb: {  	s0 =	sadd.s32 $0x8F2B, s0  }
0xbc: {  	[sflag:s0] =	ssyncadd.remote.s32 $0x1  }
0xbd: {  	_ =	sfence.sel $0xFFFF  }
0xbe: {  	[dreg:$0x0] =	wrdreg $0xFFFFFFFF;
	(pc) =	sbr.abs _section_cstart, $3  }
0xbf: {  	[dreg:$0x1] =	wrdreg $0xFFFFFFFF  }
0xc0: {  	_ =	task.clear_ibuf [dreg:s6], $0x2FFFF;
	_ =	strace $0x9FFFFFFF  }
0xc1: {  	(tm) =	ssettm $0x7FFFFFFF  }
tec
execute0_lowered:
.L_overlay_start_1:
0x0: {  	(tag) =	ssettag $0x1  }
0x1: {  	s1 =	srdreg.scid  }
0x2: {  	s0 =	stileid.u32;
	s4 =	rddreg [dreg:$0x0];
	s17 =	simm.s32 $0x19C00  }
0x3: {  	s18 =	simm.s32 $0x1;
	s19 =	simm.s32 $0x2;
	s20 =	simm.s32 $0x1B000  }
0x4: {  	s21 =	simm.s32 $0x1C400;
	s22 =	simm.s32 $0xC400;
	s23 =	simm.s32 $0x3  }
0x5: {  	s24 =	simm.s32 $0x80;
	s28 =	simm.s32 $0x0;
	s5 =	sand.u32 $0x1, s1  }
0x6: {  	s2 =	sshll.u32 s0, $0x1;
	s1 =	rddreg [dreg:$0x1];
	s6 =	sshrl.u32 s0, $0x2  }
0x7: {  	s12 =	sadd.s32 $0x2800, s4;
	s13 =	sadd.s32 $0x1B000, s4;
	s3 =	sor.u32 s5, s2  }
0x8: {  	s2 =	simm.s32 $0x0;
	s6 =	smul.u32 $0x62000, s6;
	s25 =	ssub.s32 $0x2, s5  }
0x9: {  	s7 =	sshll.u32 s3, $0x7;
	[smem:$0x7FF] =	sst s2;
	s9 =	smul.u32 $0x61A8, s3  }
0xa: {  	s3 =	sadd.s32 $0x33800, s4;
	s5 =	sshrl.u32 s25, $0x1;
	s7 =	sand.u32 $0x380, s7  }
0xb: {  	_ =	strace $0x8000004A;
	s15 =	ssub.s32 s25, s5;
	s25 =	simm.s32 $0x400  }
0xc: {  	s6 =	sor.u32 s6, s7;
	s10 =	sshrl.u32 s9, $0x3;
	s26 =	sadd.s32 $0x1388, s9  }
0xd: {  	s16 =	sadd.s32 $0x3A98, s9;
	s15 =	smax.u32 s15, $0x1;
	s6 =	sshrl.u32 s6, $0x3  }
0xe: {  	s29 =	sshrl.u32 s26, $0x3;
	s5 =	sadd.s32 s13, s10;
	s11 =	sadd.s32 $0x4E2, s10  }
0xf: {  	s30 =	sshrl.u32 s16, $0x3;
	s31 =	sadd.s32 $0x9C4, s10;
	s16 =	simm.s32 $0x18800  }
0x10: {  	s26 =	simm.s32 $0x4;
	s14 =	sadd.s32 s6, s4;
	s4 =	sadd.s32 s12, s10  }
0x11: {  	s6 =	sadd.s32 s12, s29;
	s7 =	sadd.s32 s13, s29;
	s8 =	sadd.s32 s12, s11  }
0x12: {  	s9 =	sadd.s32 s13, s11;
	s10 =	sadd.s32 s12, s30;
	s11 =	sadd.s32 s13, s30  }
0x13: {  	v0 =	vimm.s32 $0x0;
	v1 =	vimm.f32 $0.0e+00;
	s12 =	sadd.s32 s12, s31;
	s13 =	sadd.s32 s13, s31;
	s14 =	sadd.s32 $0x36C00, s14  }
.LBB2_1:
0x14: {  	[tilespmem:s2], [sflag:$0x1] =	stream.linear.gather [hbm4b:s3+s2], $0xC400, $0x38;
	[tilespmem:$0x1D800] =	vst v63  }
0x15: {  	_ = 	snop  }
0x16: {  	[tilespmem:s16], [sflag:$0x2] =	stream.linear.gather [hbm4b:s4+s2], $0x1388, $0x38;
	[tilespmem:$0x1D800] =	vst v63  }
0x17: {  	_ = 	snop  }
0x18: {  	[tilespmem:s17], [sflag:$0x2] =	stream.linear.gather [hbm4b:s5+s2], $0x1388, $0x38;
	[tilespmem:$0x1D800] =	vst v63  }
0x19: {  	[tilespmem:$0x19B80] =	vst v0  }
0x1a: {  	[tilespmem:$0x1AF80] =	vst v0  }
0x1b: {  	[tilespmem:$0x1C380] =	vst v0  }
0x1c: {  	s29 =	simm.s32 $0x0;
	s30 =	simm.s32 $0x200;
	[tilespmem:$0x1D780] =	vst v0  }
.LBB2_2:
0x1d: {  	p0 =	sne.s32 s30, $0x30E00;
	[tilespmem:s29+$0xC470] =	vst v1  }
0x1e: {  	[tilespmem:s29+$0xC400] =	vst v1  }
0x1f: {  	[tilespmem:s29+$0xC410] =	vst v1  }
.Ltmp0:
0x20: {  	[tilespmem:s29+$0xC420] =	vst v1;
	(pc) =	sbr.rel @p0 .LBB2_2-.Ltmp0, $4  }
0x21: {  	[tilespmem:s29+$0xC430] =	vst v1  }
0x22: {  	[tilespmem:s29+$0xC440] =	vst v1  }
0x23: {  	[tilespmem:s29+$0xC450] =	vst v1  }
0x24: {  	[tilespmem:s29+$0xC460] =	vst v1;
	s29 =	sshra.s32 s30, $0x2;
	s30 =	sadd.s32 $0x200, s30  }
0x25: {  	[tilespmem:s29+$0xC470] =	vst v1  }
0x26: {  	[tilespmem:s29+$0xC400] =	vst v1  }
0x27: {  	[tilespmem:s29+$0xC410] =	vst v1  }
0x28: {  	[tilespmem:s29+$0xC420] =	vst v1  }
0x29: {  	[tilespmem:s29+$0xC430] =	vst v1  }
0x2a: {  	[tilespmem:s29+$0xC440] =	vst v1  }
0x2b: {  	[tilespmem:s29+$0xC450] =	vst v1  }
0x2c: {  	[tilespmem:s29+$0xC460] =	vst v1  }
0x2d: {  	_ =	swait.ge [sflag:s18], $0xC400  }
0x2e: {  	[sflag:s18] =	ssyncset.done $0x0  }
0x2f: {  	[sflag:s18] =	ssyncadd.s32 $0xFFFF3C00  }
0x30: {  	_ =	swait.ge [sflag:s19], $0x1388  }
0x31: {  	[sflag:s19] =	ssyncset.done $0x0  }
0x32: {  	[sflag:s19] =	ssyncadd.s32 $0xFFFFEC78  }
0x33: {  	_ =	swait.ge [sflag:s19], $0x1388  }
0x34: {  	[sflag:s19] =	ssyncset.done $0x0  }
0x35: {  	s29 =	simm.s32 $0x0;
	[sflag:s19] =	ssyncadd.s32 $0xFFFFEC78  }
0x36: {  	[tilespmem:s20], [sflag:$0x3] =	stream.linear.gather [hbm4b:s6+s29], $0x1388, $0x38;
	[tilespmem:$0x1D800] =	vst v63  }
0x37: {  	_ = 	snop  }
0x38: {  	[tilespmem:s21], [sflag:$0x3] =	stream.linear.gather [hbm4b:s7+s29], $0x1388, $0x38;
	[tilespmem:$0x1D800] =	vst v63  }
.LBB2_4:
0x39: {  	s30 =	sshra.s32 s29, $0x2  }
0x3a: {  	v2 =	vld [tilespmem:s30+$0x19C00];
	_ =	sdelay $0x4  }
0x3b: {  	v3 =	vld [tilespmem:s30+$0x18800];
	_ =	sdelay $0x2  }
0x3c: {  	v2 =	vld.idx.msk [tilespmem:v2+s2+$0x0], $0xffff;
	_ =	sdelay $0x4  }
0x3d: {  	[tilespmem:v3+s22+$0x0] =	vst.idx.add.f32.msk $0xffff, v2  }
0x3e: {  	v2 =	vld [tilespmem:s30+$0x19C10];
	_ =	sdelay $0x4  }
0x3f: {  	v3 =	vld [tilespmem:s30+$0x18810];
	_ =	sdelay $0x2  }
0x40: {  	v2 =	vld.idx.msk [tilespmem:v2+s2+$0x0], $0xffff;
	_ =	sdelay $0x4  }
0x41: {  	[tilespmem:v3+s22+$0x0] =	vst.idx.add.f32.msk $0xffff, v2  }
0x42: {  	v2 =	vld [tilespmem:s30+$0x19C20];
	_ =	sdelay $0x4  }
0x43: {  	v3 =	vld [tilespmem:s30+$0x18820];
	_ =	sdelay $0x2  }
0x44: {  	v2 =	vld.idx.msk [tilespmem:v2+s2+$0x0], $0xffff;
	_ =	sdelay $0x4  }
0x45: {  	[tilespmem:v3+s22+$0x0] =	vst.idx.add.f32.msk $0xffff, v2  }
0x46: {  	v2 =	vld [tilespmem:s30+$0x19C30];
	_ =	sdelay $0x4  }
0x47: {  	v3 =	vld [tilespmem:s30+$0x18830];
	_ =	sdelay $0x2  }
0x48: {  	p0 =	sne.s32 s29, $0x4D00;
	v2 =	vld.idx.msk [tilespmem:v2+s2+$0x0], $0xffff  }
.Ltmp1:
0x49: {  	_ = 	snop;
	(pc) =	sbr.rel @p0 .LBB2_4-.Ltmp1, $2  }
0x4a: {  	_ =	sdelay $0x2  }
0x4b: {  	s29 =	sadd.s32 $0x100, s29;
	[tilespmem:v3+s22+$0x0] =	vst.idx.add.f32.msk $0xffff, v2  }
0x4c: {  	v2 =	vld [tilespmem:$0x1AF80];
	_ =	sdelay $0x4  }
0x4d: {  	v3 =	vld [tilespmem:$0x19B80];
	_ =	sdelay $0x1  }
0x4e: {  	s29 =	simm.s32 $0x0  }
0x4f: {  	v2 =	vld.idx.msk [tilespmem:v2+s29+$0x0], $0xff;
	_ =	sdelay $0x4  }
0x50: {  	[tilespmem:v3+s22+$0x0] =	vst.idx.add.f32.msk $0xff, v2  }
0x51: {  	_ =	swait.ge [sflag:s23], $0x1388  }
0x52: {  	[sflag:s23] =	ssyncset.done $0x0  }
0x53: {  	[sflag:s23] =	ssyncadd.s32 $0xFFFFEC78  }
0x54: {  	_ =	swait.ge [sflag:s23], $0x1388  }
0x55: {  	[sflag:s23] =	ssyncset.done $0x0  }
0x56: {  	[sflag:s23] =	ssyncadd.s32 $0xFFFFEC78  }
0x57: {  	[tilespmem:s16], [sflag:$0x2] =	stream.linear.gather [hbm4b:s8+s29], $0x1388, $0x38;
	[tilespmem:$0x1D800] =	vst v63  }
0x58: {  	_ = 	snop  }
0x59: {  	[tilespmem:s17], [sflag:$0x2] =	stream.linear.gather [hbm4b:s9+s29], $0x1388, $0x38;
	[tilespmem:$0x1D800] =	vst v63  }
.LBB2_6:
0x5a: {  	s30 =	sshra.s32 s29, $0x2  }
0x5b: {  	v2 =	vld [tilespmem:s30+$0x1C400];
	_ =	sdelay $0x4  }
0x5c: {  	v3 =	vld [tilespmem:s30+$0x1B000];
	_ =	sdelay $0x2  }
0x5d: {  	v2 =	vld.idx.msk [tilespmem:v2+s2+$0x0], $0xffff;
	_ =	sdelay $0x4  }
0x5e: {  	[tilespmem:v3+s22+$0x0] =	vst.idx.add.f32.msk $0xffff, v2  }
0x5f: {  	v2 =	vld [tilespmem:s30+$0x1C410];
	_ =	sdelay $0x4  }
0x60: {  	v3 =	vld [tilespmem:s30+$0x1B010];
	_ =	sdelay $0x2  }
0x61: {  	v2 =	vld.idx.msk [tilespmem:v2+s2+$0x0], $0xffff;
	_ =	sdelay $0x4  }
0x62: {  	[tilespmem:v3+s22+$0x0] =	vst.idx.add.f32.msk $0xffff, v2  }
0x63: {  	v2 =	vld [tilespmem:s30+$0x1C420];
	_ =	sdelay $0x4  }
0x64: {  	v3 =	vld [tilespmem:s30+$0x1B020];
	_ =	sdelay $0x2  }
0x65: {  	v2 =	vld.idx.msk [tilespmem:v2+s2+$0x0], $0xffff;
	_ =	sdelay $0x4  }
0x66: {  	[tilespmem:v3+s22+$0x0] =	vst.idx.add.f32.msk $0xffff, v2  }
0x67: {  	v2 =	vld [tilespmem:s30+$0x1C430];
	_ =	sdelay $0x4  }
0x68: {  	v3 =	vld [tilespmem:s30+$0x1B030];
	_ =	sdelay $0x2  }
0x69: {  	p0 =	sne.s32 s29, $0x4D00;
	v2 =	vld.idx.msk [tilespmem:v2+s2+$0x0], $0xffff  }
.Ltmp2:
0x6a: {  	_ = 	snop;
	(pc) =	sbr.rel @p0 .LBB2_6-.Ltmp2, $2  }
0x6b: {  	_ =	sdelay $0x2  }
0x6c: {  	s29 =	sadd.s32 $0x100, s29;
	[tilespmem:v3+s22+$0x0] =	vst.idx.add.f32.msk $0xffff, v2  }
0x6d: {  	v2 =	vld [tilespmem:$0x1D780];
	_ =	sdelay $0x4  }
0x6e: {  	v3 =	vld [tilespmem:$0x1C380];
	_ =	sdelay $0x1  }
0x6f: {  	s29 =	simm.s32 $0x0  }
0x70: {  	v2 =	vld.idx.msk [tilespmem:v2+s29+$0x0], $0xff;
	_ =	sdelay $0x4  }
0x71: {  	[tilespmem:v3+s22+$0x0] =	vst.idx.add.f32.msk $0xff, v2  }
0x72: {  	_ =	swait.ge [sflag:s19], $0x1388  }
0x73: {  	[sflag:s19] =	ssyncset.done $0x0  }
0x74: {  	[sflag:s19] =	ssyncadd.s32 $0xFFFFEC78  }
0x75: {  	_ =	swait.ge [sflag:s19], $0x1388  }
0x76: {  	[sflag:s19] =	ssyncset.done $0x0  }
0x77: {  	[sflag:s19] =	ssyncadd.s32 $0xFFFFEC78  }
0x78: {  	[tilespmem:s20], [sflag:$0x3] =	stream.linear.gather [hbm4b:s10+s29], $0x1388, $0x38;
	[tilespmem:$0x1D800] =	vst v63  }
0x79: {  	_ = 	snop  }
0x7a: {  	[tilespmem:s21], [sflag:$0x3] =	stream.linear.gather [hbm4b:s11+s29], $0x1388, $0x38;
	[tilespmem:$0x1D800] =	vst v63  }
.LBB2_8:
0x7b: {  	s30 =	sshra.s32 s29, $0x2  }
0x7c: {  	v2 =	vld [tilespmem:s30+$0x19C00];
	_ =	sdelay $0x4  }
0x7d: {  	v3 =	vld [tilespmem:s30+$0x18800];
	_ =	sdelay $0x2  }
0x7e: {  	v2 =	vld.idx.msk [tilespmem:v2+s2+$0x0], $0xffff;
	_ =	sdelay $0x4  }
0x7f: {  	[tilespmem:v3+s22+$0x0] =	vst.idx.add.f32.msk $0xffff, v2  }
0x80: {  	v2 =	vld [tilespmem:s30+$0x19C10];
	_ =	sdelay $0x4  }
0x81: {  	v3 =	vld [tilespmem:s30+$0x18810];
	_ =	sdelay $0x2  }
0x82: {  	v2 =	vld.idx.msk [tilespmem:v2+s2+$0x0], $0xffff;
	_ =	sdelay $0x4  }
0x83: {  	[tilespmem:v3+s22+$0x0] =	vst.idx.add.f32.msk $0xffff, v2  }
0x84: {  	v2 =	vld [tilespmem:s30+$0x19C20];
	_ =	sdelay $0x4  }
0x85: {  	v3 =	vld [tilespmem:s30+$0x18820];
	_ =	sdelay $0x2  }
0x86: {  	v2 =	vld.idx.msk [tilespmem:v2+s2+$0x0], $0xffff;
	_ =	sdelay $0x4  }
0x87: {  	[tilespmem:v3+s22+$0x0] =	vst.idx.add.f32.msk $0xffff, v2  }
0x88: {  	v2 =	vld [tilespmem:s30+$0x19C30];
	_ =	sdelay $0x4  }
0x89: {  	v3 =	vld [tilespmem:s30+$0x18830];
	_ =	sdelay $0x2  }
0x8a: {  	p0 =	sne.s32 s29, $0x4D00;
	v2 =	vld.idx.msk [tilespmem:v2+s2+$0x0], $0xffff  }
.Ltmp3:
0x8b: {  	_ = 	snop;
	(pc) =	sbr.rel @p0 .LBB2_8-.Ltmp3, $2  }
0x8c: {  	_ =	sdelay $0x2  }
0x8d: {  	s29 =	sadd.s32 $0x100, s29;
	[tilespmem:v3+s22+$0x0] =	vst.idx.add.f32.msk $0xffff, v2  }
0x8e: {  	v2 =	vld [tilespmem:$0x1AF80];
	_ =	sdelay $0x4  }
0x8f: {  	v3 =	vld [tilespmem:$0x19B80];
	_ =	sdelay $0x1  }
0x90: {  	s29 =	simm.s32 $0x0  }
0x91: {  	v2 =	vld.idx.msk [tilespmem:v2+s29+$0x0], $0xff;
	_ =	sdelay $0x4  }
0x92: {  	[tilespmem:v3+s22+$0x0] =	vst.idx.add.f32.msk $0xff, v2  }
0x93: {  	_ =	swait.ge [sflag:s23], $0x1388  }
0x94: {  	[sflag:s23] =	ssyncset.done $0x0  }
0x95: {  	[sflag:s23] =	ssyncadd.s32 $0xFFFFEC78  }
0x96: {  	_ =	swait.ge [sflag:s23], $0x1388  }
0x97: {  	[sflag:s23] =	ssyncset.done $0x0  }
0x98: {  	[sflag:s23] =	ssyncadd.s32 $0xFFFFEC78  }
0x99: {  	[tilespmem:s16], [sflag:$0x2] =	stream.linear.gather [hbm4b:s12+s29], $0x1388, $0x38;
	[tilespmem:$0x1D800] =	vst v63  }
0x9a: {  	_ = 	snop  }
0x9b: {  	[tilespmem:s17], [sflag:$0x2] =	stream.linear.gather [hbm4b:s13+s29], $0x1388, $0x38;
	[tilespmem:$0x1D800] =	vst v63  }
.LBB2_10:
0x9c: {  	s30 =	sshra.s32 s29, $0x2  }
0x9d: {  	v2 =	vld [tilespmem:s30+$0x1C400];
	_ =	sdelay $0x4  }
0x9e: {  	v3 =	vld [tilespmem:s30+$0x1B000];
	_ =	sdelay $0x2  }
0x9f: {  	v2 =	vld.idx.msk [tilespmem:v2+s2+$0x0], $0xffff;
	_ =	sdelay $0x4  }
0xa0: {  	[tilespmem:v3+s22+$0x0] =	vst.idx.add.f32.msk $0xffff, v2  }
0xa1: {  	v2 =	vld [tilespmem:s30+$0x1C410];
	_ =	sdelay $0x4  }
0xa2: {  	v3 =	vld [tilespmem:s30+$0x1B010];
	_ =	sdelay $0x2  }
0xa3: {  	v2 =	vld.idx.msk [tilespmem:v2+s2+$0x0], $0xffff;
	_ =	sdelay $0x4  }
0xa4: {  	[tilespmem:v3+s22+$0x0] =	vst.idx.add.f32.msk $0xffff, v2  }
0xa5: {  	v2 =	vld [tilespmem:s30+$0x1C420];
	_ =	sdelay $0x4  }
0xa6: {  	v3 =	vld [tilespmem:s30+$0x1B020];
	_ =	sdelay $0x2  }
0xa7: {  	v2 =	vld.idx.msk [tilespmem:v2+s2+$0x0], $0xffff;
	_ =	sdelay $0x4  }
0xa8: {  	[tilespmem:v3+s22+$0x0] =	vst.idx.add.f32.msk $0xffff, v2  }
0xa9: {  	v2 =	vld [tilespmem:s30+$0x1C430];
	_ =	sdelay $0x4  }
0xaa: {  	v3 =	vld [tilespmem:s30+$0x1B030];
	_ =	sdelay $0x2  }
0xab: {  	p0 =	sne.s32 s29, $0x4D00;
	v2 =	vld.idx.msk [tilespmem:v2+s2+$0x0], $0xffff  }
.Ltmp4:
0xac: {  	_ = 	snop;
	(pc) =	sbr.rel @p0 .LBB2_10-.Ltmp4, $2  }
0xad: {  	_ =	sdelay $0x2  }
0xae: {  	s29 =	sadd.s32 $0x100, s29;
	[tilespmem:v3+s22+$0x0] =	vst.idx.add.f32.msk $0xffff, v2  }
0xaf: {  	v2 =	vld [tilespmem:$0x1D780];
	_ =	sdelay $0x4  }
0xb0: {  	v3 =	vld [tilespmem:$0x1C380];
	_ =	sdelay $0x1  }
0xb1: {  	s29 =	simm.s32 $0x0  }
0xb2: {  	v2 =	vld.idx.msk [tilespmem:v2+s29+$0x0], $0xff;
	_ =	sdelay $0x4  }
0xb3: {  	[tilespmem:v3+s22+$0x0] =	vst.idx.add.f32.msk $0xff, v2  }
0xb4: {  	_ =	swait.ge [sflag:s19], $0x1388  }
0xb5: {  	[sflag:s19] =	ssyncset.done $0x0  }
0xb6: {  	[sflag:s19] =	ssyncadd.s32 $0xFFFFEC78  }
0xb7: {  	_ =	swait.ge [sflag:s19], $0x1388  }
0xb8: {  	[sflag:s19] =	ssyncset.done $0x0  }
0xb9: {  	[sflag:s19] =	ssyncadd.s32 $0xFFFFEC78  }
.LBB2_12:
0xba: {  	s30 =	sshra.s32 s29, $0x2  }
0xbb: {  	v2 =	vld [tilespmem:s30+$0x19C00];
	_ =	sdelay $0x4  }
0xbc: {  	v3 =	vld [tilespmem:s30+$0x18800];
	_ =	sdelay $0x2  }
0xbd: {  	v2 =	vld.idx.msk [tilespmem:v2+s2+$0x0], $0xffff;
	_ =	sdelay $0x4  }
0xbe: {  	[tilespmem:v3+s22+$0x0] =	vst.idx.add.f32.msk $0xffff, v2  }
0xbf: {  	v2 =	vld [tilespmem:s30+$0x19C10];
	_ =	sdelay $0x4  }
0xc0: {  	v3 =	vld [tilespmem:s30+$0x18810];
	_ =	sdelay $0x2  }
0xc1: {  	v2 =	vld.idx.msk [tilespmem:v2+s2+$0x0], $0xffff;
	_ =	sdelay $0x4  }
0xc2: {  	[tilespmem:v3+s22+$0x0] =	vst.idx.add.f32.msk $0xffff, v2  }
0xc3: {  	v2 =	vld [tilespmem:s30+$0x19C20];
	_ =	sdelay $0x4  }
0xc4: {  	v3 =	vld [tilespmem:s30+$0x18820];
	_ =	sdelay $0x2  }
0xc5: {  	v2 =	vld.idx.msk [tilespmem:v2+s2+$0x0], $0xffff;
	_ =	sdelay $0x4  }
0xc6: {  	[tilespmem:v3+s22+$0x0] =	vst.idx.add.f32.msk $0xffff, v2  }
0xc7: {  	v2 =	vld [tilespmem:s30+$0x19C30];
	_ =	sdelay $0x4  }
0xc8: {  	v3 =	vld [tilespmem:s30+$0x18830];
	_ =	sdelay $0x2  }
0xc9: {  	p0 =	sne.s32 s29, $0x4D00;
	v2 =	vld.idx.msk [tilespmem:v2+s2+$0x0], $0xffff  }
.Ltmp5:
0xca: {  	_ = 	snop;
	(pc) =	sbr.rel @p0 .LBB2_12-.Ltmp5, $2  }
0xcb: {  	_ =	sdelay $0x2  }
0xcc: {  	s29 =	sadd.s32 $0x100, s29;
	[tilespmem:v3+s22+$0x0] =	vst.idx.add.f32.msk $0xffff, v2  }
0xcd: {  	v2 =	vld [tilespmem:$0x1AF80];
	_ =	sdelay $0x4  }
0xce: {  	v3 =	vld [tilespmem:$0x19B80];
	_ =	sdelay $0x2  }
0xcf: {  	v2 =	vld.idx.msk [tilespmem:v2+s2+$0x0], $0xff;
	_ =	sdelay $0x2  }
0xd0: {  	s28 =	sadd.s32 $0x1, s28  }
0xd1: {  	p0 =	sne.s32 s28, s15  }
.Ltmp6:
0xd2: {  	[tilespmem:v3+s22+$0x0] =	vst.idx.add.f32.msk $0xff, v2;
	(pc) =	sbr.rel @p0 .LBB2_1-.Ltmp6, $4  }
0xd3: {  	[hbm4b:s14+s24] =	stream.strided.scatter [tilespmem:s22], [sflag:$0x4], $0xC400, s25, s24, $0x38;
	[tilespmem:$0x1D800] =	vst v63  }
0xd4: {  	_ =	swait.ge [sflag:s26], $0xC400  }
0xd5: {  	[sflag:s26] =	ssyncset.done $0x0  }
0xd6: {  	[sflag:s26] =	ssyncadd.s32 $0xFFFF3C00  }
0xd7: {  	_ =	sfence.sel $0x180000  }
0xd8: {  	[bflag:$0x0] =	sbarrier.arrive $0xFFFF  }
0xd9: {  	p0 =	sne.s32 s0, $0x0;
	_ =	strace $0x9000004A  }
0xda: {  	s0 =	sadd.s32 @!p0 $0x100000, s1;
	[bflag:$0x2] =	sbarrier.arrive $0xFFFF  }
0xdb: {  	[sflag:s0] =	ssyncadd.tile.s32 @!p0 $0x1;
	_ =	shalt  }
.Lfunc_end2:
_tile_overlayer_lowered:
.L_overlay_start_2:
0xdc: {  	(tag) =	ssettag $0x2  }
0xdd: {  	s0 =	rddreg [dreg:$0x0];
	s2 =	stileid.u32  }
0xde: {  	s1 =	rddreg [dreg:$0x1];
	p0 =	sne.s32 s2, $0x0  }
0xdf: {  	s3 =	rddreg [dreg:$0x2];
	[bflag:$0x3] =	sbarrier.arrive $0xFFFF;
	s2 =	simm.s32 @!p0 $0x1C04  }
0xe0: {  	[timem:s3], [sflag:s2] =	dma.local @!p0 [hbm:s0], s1  }
0xe1: {  	s0 =	simm.s32 @!p0 $0x4  }
0xe2: {  	_ =	swait.ge @!p0 [sflag:s0], s1  }
0xe3: {  	s1 =	ssub.s32 @!p0 $0x0, s1;
	[sflag:s0] =	ssyncset.done @!p0 $0x0  }
0xe4: {  	[sflag:s0] =	ssyncadd.s32 @!p0 s1  }
0xe5: {  	[bflag:$0x3] =	sbarrier.arrive $0xFFFF  }
0xe6: {  	_ =	shalt  }

// kernel: kernel.21.cloned.1.call-start
scs
__scs_entry_jumppad:
0x0: {  	(pc) =	sbr.rel $0x88, $3  }
0x1: {  	(tag) =	ssettag $0x0;
	lr =	simm.s32 $0x1  }
0x2: {  	[smem:$0x3F95] =	sst lr;
	_ =	strace $0xD0000000  }
0x3: {  	_ = 	snop  }
0x4: {  	_ = 	snop  }
0x5: {  	_ = 	snop  }
0x6: {  	_ = 	snop  }
0x7: {  	_ = 	snop  }
__scs_overlays_trampoline_lowered:
0x8: {  	[smem:$0x3FA4] =	sst s0  }
0x9: {  	[smem:$0x3FA5] =	sst s1  }
0xa: {  	[smem:$0x3FA6] =	sst s2  }
0xb: {  	[smem:$0x3FA7] =	sst s3  }
0xc: {  	[smem:$0x3FA8] =	sst s4  }
0xd: {  	[smem:$0x3FA9] =	sst s5  }
0xe: {  	[smem:$0x3FAA] =	sst s6  }
0xf: {  	[smem:$0x3FAB] =	sst s7  }
0x10: {  	[smem:$0x3FAC] =	sst s8  }
0x11: {  	[smem:$0x3FAD] =	sst s9;
	s0 =	simm.s32 @!p0 $0x0  }
0x12: {  	s1 =	sld [smem:$0x3F93];
	s0 =	simm.s32 @p0 $0x1  }
0x13: {  	[smem:$0x3FAE] =	sst s0;
	s0 =	simm.s32 @!p1 $0x0  }
0x14: {  	s2 =	sld [smem:$0x3F92];
	s0 =	simm.s32 @p1 $0x1  }
0x15: {  	[smem:$0x3FAF] =	sst s0;
	s0 =	simm.s32 @!p2 $0x0  }
0x16: {  	s3 =	sld [smem:$0x3FDB];
	s0 =	simm.s32 @p2 $0x1  }
0x17: {  	s4 =	simm.s32 $0x1BF5;
	[smem:$0x3FB1] =	sst s0  }
0x18: {  	s0 =	sld [smem:$0x3F94];
	_ =	swait.ge [sflag:s4], $0x0  }
0x19: {  	s7 =	sld [smem:$0x3F95]  }
0x1a: {  	s8 =	sadd.s32 $0xFFFFE003, lr  }
0x1b: {  	s9 =	sadd.s32 $0xFFFFFEF7, lr;
	s5 =	simm.s32 $0xFFFFFFFF;
	p2 =	slt.u32 s8, $0xFFFFF086  }
0x1c: {  	p1 =	slt.u32 s9, $0xF7A;
	s5 =	simm.s32 @!p2 $0x0  }
0x1d: {  	s5 =	simm.s32 @p1 $0x1;
	p0 =	seq.s32 s7, s2  }
0x1e: {  	s7 =	smul.u32 @!p0 $0xF7A, s2;
	p2 =	seq.s32 @!p0 s5, $0x0  }
0x1f: {  	s9 =	smul.u32 $0xF7A, s1;
	s8 =	simm.s32 @!p0 $0x1BF5;
	p2 =	por !p2, p0  }
0x20: {  	[sflag:s8] =	ssyncset.s32 @!p0 $0xFFFFF086;
	s6 =	sadd.s32 @!p0 s3, s7;
	s7 =	simm.s32 @!p0 $0x108  }
0x21: {  	s3 =	sadd.s32 s3, s9;
	s6 =	sadd.s32 @!p0 $0x88, s6;
	s7 =	simm.s32 @p2 $0x1082  }
0x22: {  	[simem:s7], [sflag:s8] =	dma.local @!p0 [hbm:s6], $0xF7A  }
0x23: {  	s9 =	sor.u32 $0xD0000000, s2;
	s6 =	simm.s32 $0x108;
	_ =	swait.ge @!p0 [sflag:s8], $0x0  }
0x24: {  	s3 =	sadd.s32 $0x88, s3;
	s6 =	simm.s32 @!p1 $0x1082;
	[sflag:s4] =	ssyncset.s32 $0xFFFFF086  }
0x25: {  	[simem:s6], [sflag:s4] =	dma.local [hbm:s3], $0xF7A  }
0x26: {  	[smem:$0x3F95] =	sst s1;
	(tag) =	ssettag s2;
	_ =	strace s9  }
0x27: {  	s1 =	sld [smem:$0x3FA5]  }
0x28: {  	s2 =	sld [smem:$0x3FA6]  }
0x29: {  	s4 =	sld [smem:$0x3FA8]  }
0x2a: {  	p0 =	seq.s32 s5, $0x0;
	s5 =	sld [smem:$0x3FA9]  }
0x2b: {  	s6 =	sld [smem:$0x3FAA]  }
0x2c: {  	s7 =	sld [smem:$0x3FAB]  }
0x2d: {  	s3 =	simm.s32 $0x108;
	s8 =	sld [smem:$0x3FAC]  }
0x2e: {  	s3 =	simm.s32 @!p0 $0x1082;
	s9 =	sld [smem:$0x3FAD]  }
0x2f: {  	lr =	sadd.s32 s0, s3;
	s0 =	sld [smem:$0x3FA4]  }
0x30: {  	s3 =	sld [smem:$0x3FA7]  }
0x31: {  	[smem:$0x3FB0] =	sst s10  }
0x32: {  	s10 =	sld [smem:$0x3FAE];
	_ =	sdelay $0x3  }
0x33: {  	p0 =	seq.s32 s10, $0x1;
	s10 =	sld [smem:$0x3FB0];
	_ =	sdelay $0x3  }
0x34: {  	[smem:$0x3FB0] =	sst s10  }
0x35: {  	s10 =	sld [smem:$0x3FAF];
	_ =	sdelay $0x3  }
0x36: {  	p1 =	seq.s32 s10, $0x1;
	s10 =	sld [smem:$0x3FB0];
	_ =	sdelay $0x3  }
0x37: {  	[smem:$0x3FB0] =	sst s10  }
0x38: {  	s10 =	sld [smem:$0x3FB1]  }
0x39: {  	_ = 	snop;
	(pc) =	sbr.ind lr, $3  }
0x3a: {  	_ = 	snop  }
0x3b: {  	_ = 	snop  }
0x3c: {  	p2 =	seq.s32 s10, $0x1;
	s10 =	sld [smem:$0x3FB0]  }
0x3d: {  	_ =	shalt  }
0x3e: {  	_ =	shalt  }
0x3f: {  	_ =	shalt  }
0x40: {  	_ =	shalt  }
0x41: {  	_ =	shalt  }
0x42: {  	_ =	shalt  }
0x43: {  	_ =	shalt  }
0x44: {  	_ =	shalt  }
0x45: {  	_ =	shalt  }
0x46: {  	_ =	shalt  }
0x47: {  	_ =	shalt  }
0x48: {  	_ =	shalt  }
0x49: {  	_ =	shalt  }
0x4a: {  	_ =	shalt  }
0x4b: {  	_ =	shalt  }
0x4c: {  	_ =	shalt  }
0x4d: {  	_ =	shalt  }
0x4e: {  	_ =	shalt  }
0x4f: {  	_ =	shalt  }
0x50: {  	_ =	shalt  }
0x51: {  	_ =	shalt  }
0x52: {  	_ =	shalt  }
0x53: {  	_ =	shalt  }
0x54: {  	_ =	shalt  }
0x55: {  	_ =	shalt  }
0x56: {  	_ =	shalt  }
0x57: {  	_ =	shalt  }
0x58: {  	_ =	shalt  }
0x59: {  	_ =	shalt  }
0x5a: {  	_ =	shalt  }
0x5b: {  	_ =	shalt  }
0x5c: {  	_ =	shalt  }
0x5d: {  	_ =	shalt  }
0x5e: {  	_ =	shalt  }
0x5f: {  	_ =	shalt  }
0x60: {  	_ =	shalt  }
0x61: {  	_ =	shalt  }
0x62: {  	_ =	shalt  }
0x63: {  	_ =	shalt  }
0x64: {  	_ =	shalt  }
0x65: {  	_ =	shalt  }
0x66: {  	_ =	shalt  }
0x67: {  	_ =	shalt  }
0x68: {  	_ =	shalt  }
0x69: {  	_ =	shalt  }
0x6a: {  	_ =	shalt  }
0x6b: {  	_ =	shalt  }
0x6c: {  	_ =	shalt  }
0x6d: {  	_ =	shalt  }
0x6e: {  	_ =	shalt  }
0x6f: {  	_ =	shalt  }
0x70: {  	_ =	shalt  }
0x71: {  	_ =	shalt  }
0x72: {  	_ =	shalt  }
0x73: {  	_ =	shalt  }
0x74: {  	_ =	shalt  }
0x75: {  	_ =	shalt  }
0x76: {  	_ =	shalt  }
0x77: {  	_ =	shalt  }
0x78: {  	_ =	shalt  }
0x79: {  	_ =	shalt  }
0x7a: {  	_ =	shalt  }
0x7b: {  	_ =	shalt  }
0x7c: {  	_ =	shalt  }
0x7d: {  	_ =	shalt  }
0x7e: {  	_ =	shalt  }
0x7f: {  	_ =	shalt  }
0x80: {  	_ =	shalt  }
0x81: {  	_ =	shalt  }
0x82: {  	_ =	shalt  }
0x83: {  	_ =	shalt  }
0x84: {  	_ =	shalt  }
0x85: {  	_ =	shalt  }
0x86: {  	_ =	shalt  }
0x87: {  	_ =	shalt  }
.Lfunc_end0:
.L_simem_size_0:
called_computation.3_lowered:
.L_overlay_start_0:
0x88: {  	s2 =	sld [smem:$0x3FD9]  }
0x89: {  	s3 =	sld [smem:$0x3FFE];
	_ =	sdelay $0x1  }
0x8a: {  	s1 =	srdreg.scid  }
0x8b: {  	s0 =	sand.u32 $0x1, s1  }
0x8c: {  	s17 =	sshll.u32 s0, $0xA;
	s2 =	sadd.s32 s3, s2  }
0x8d: {  	s2 =	sadd.s32 s2, s17  }
0x8e: {  	[smem:$0x3FBC] =	sst s2  }
0x8f: {  	_ = 	snop  }
0x90: {  	(tm) =	ssettm $0x1  }
0x91: {  	s18 =	sld [smem:$0x3FFB];
	_ =	sdelay $0x3  }
0x92: {  	_ =	strace s18  }
0x93: {  	s2 =	sld [smem:$0x3FFC];
	_ =	sdelay $0x3  }
0x94: {  	_ =	strace s2  }
0x95: {  	s2 =	sld [smem:$0x3FFD];
	_ =	sdelay $0x3  }
0x96: {  	_ =	strace s2  }
0x97: {  	_ =	strace $0x8FFFFFFF  }
0x98: {  	s19 =	sld [smem:$0x3FDB];
	_ =	sdelay $0x1  }
0x99: {  	s20 =	simm.s32 $_scs_section_size  }
0x9a: {  	s4 =	simm.s32 $_size__tile_overlayer_lowered;
	s5 =	simm.s32 $_tile_overlayer_lowered  }
0x9b: {  	s6 =	simm.s32 $0x1BFF;
	s21 =	sshll.u32 s5, $0x1;
	s3 =	sadd.s32 s20, s19  }
0x9c: {  	s22 =	simm.s32 $0x0;
	s4 =	sshll.u32 s4, $0x1;
	s5 =	sadd.s32 s21, s3  }
0x9d: {  	[timem:s22], [sflag:s6] =	dma.local [hbm:s5], s4  }
0x9e: {  	_ =	swait.ge [sflag:s6], s4  }
0x9f: {  	s4 =	ssub.s32 $0x0, s4;
	[sflag:s6] =	ssyncset.done $0x0  }
0xa0: {  	[sflag:s6] =	ssyncadd.s32 s4;
	_ =	sdelay $0x1  }
0xa1: {  	s23 =	simm.s32 $0x1B8B  }
0xa2: {  	_ =	swait.ge [sflag:s23], $0x1  }
0xa3: {  	[sflag:s23] =	ssyncset.done $0x0  }
0xa4: {  	[sflag:s23] =	ssyncadd.s32 $0xFFFFFFFF  }
0xa5: {  	s4 =	sld [smem:$0x0]  }
0xa6: {  	s5 =	sand.u32 $0xFFFFFFFE, s1  }
0xa7: {  	p0 =	sne.s32 s1, s5  }
0xa8: {  	s5 =	sshll.u32 @p0 s5, $0xE  }
0xa9: {  	s5 =	sadd.s32 @p0 $0x11B8D, s5;
	s6 =	sshll.u32 @p0 s4, $0x11  }
0xaa: {  	s5 =	sor.u32 @p0 s6, s5  }
0xab: {  	[sflag:s5] =	ssyncadd.remote.s32 @p0 $0x1;
	_ =	sdelay $0x1  }
0xac: {  	s5 =	simm.s32 @p0 $0x1B8D  }
0xad: {  	_ =	swait.eq @p0 [sflag:s5], $0x1  }
0xae: {  	[sflag:s5] =	ssyncadd.s32 @p0 $0xFFFFFFFF  }
0xaf: {  	s6 =	sshll.u32 @!p0 s1, $0xE  }
0xb0: {  	s6 =	sor.u32 @!p0 $0x4000, s6;
	s5 =	simm.s32 @!p0 $0x1B8D  }
0xb1: {  	s4 =	sshll.u32 @!p0 s4, $0x11;
	s6 =	sadd.s32 @!p0 $0x11B8D, s6;
	_ =	swait.eq @!p0 [sflag:s5], $0x1  }
0xb2: {  	s4 =	sor.u32 @!p0 s4, s6;
	[sflag:s5] =	ssyncadd.s32 @!p0 $0xFFFFFFFF  }
0xb3: {  	s25 =	simm.s32 $0x1B8E;
	s24 =	sld [smem:$0x3FFE];
	[sflag:s4] =	ssyncadd.remote.s32 @!p0 $0x1  }
0xb4: {  	s26 =	simm.s32 $execute0_lowered;
	[smem:$0x3FD2] =	sst s25  }
0xb5: {  	s5 =	sshll.u32 s26, $0x1;
	_ =	strace $0x8000004F;
	[dreg:$0x1] =	wrdreg $0xFFFFFFFF  }
0xb6: {  	s28 =	simm.s32 $_size_execute0_lowered;
	s3 =	sadd.s32 s3, s5;
	[dreg:$0x0] =	wrdreg $0x0  }
0xb7: {  	s5 =	sshll.u32 s28, $0x1;
	[dreg:$0x2] =	wrdreg s3  }
0xb8: {  	[dreg:$0x3] =	wrdreg s5  }
0xb9: {  	[dreg:$0x4] =	wrdreg $0xC0  }
0xba: {  	_ =	task [dreg:s22], $0x5FFFF  }
0xbb: {  	[dreg:$0x1] =	wrdreg $0xFFFFFFFF  }
0xbc: {  	[dreg:$0x0] =	wrdreg $0x60  }
0xbd: {  	[dreg:$0x2] =	wrdreg s24  }
0xbe: {  	[dreg:$0x3] =	wrdreg $0x73000  }
0xbf: {  	[dreg:$0x4] =	wrdreg $0xA  }
0xc0: {  	_ =	task.clear_ibuf [dreg:s22], $0x5FFFF;
	_ =	strace $0x9000004F  }
0xc1: {  	s29 =	simm.s32 $0xA;
	_ =	strace $0x80000051  }
0xc2: {  	_ =	swait.ge [sflag:s29], $0x1  }
0xc3: {  	[sflag:s29] =	ssyncadd.s32 $0xFFFFFFFF  }
0xc4: {  	_ =	strace $0x90000051  }
0xc5: {  	_ =	sfence  }
0xc6: {  	s30 =	sld [smem:$0x0];
	_ =	sdelay $0x2  }
0xc7: {  	s31 =	sshll.u32 s1, $0xD;
	s1 =	sshrl.u32 s1, $0x2  }
0xc8: {  	s4 =	sand.u32 $0x4000, s31;
	s1 =	sadd.s32 s1, s30  }
0xc9: {  	s0 =	sor.u32 s4, s0;
	s1 =	sshll.u32 s1, $0x11  }
0xca: {  	s0 =	sor.u32 s1, s0  }
0xcb: {  	s0 =	sadd.s32 $0x8F2B, s0  }
0xcc: {  	[sflag:s0] =	ssyncadd.remote.s32 $0x1  }
0xcd: {  	_ =	sfence.sel $0xFFFF  }
0xce: {  	[dreg:$0x0] =	wrdreg $0xFFFFFFFF;
	(pc) =	sbr.abs _section_cstart, $3  }
0xcf: {  	[dreg:$0x1] =	wrdreg $0xFFFFFFFF  }
0xd0: {  	_ =	task.clear_ibuf [dreg:s22], $0x2FFFF;
	_ =	strace $0x9FFFFFFF  }
0xd1: {  	(tm) =	ssettm $0x7FFFFFFF  }
tec
execute0_lowered:
.L_overlay_start_1:
0x0: {  	(tag) =	ssettag $0x1  }
0x1: {  	s7 =	rddreg [dreg:$0x0]  }
0x2: {  	s1 =	rddreg [dreg:$0x1]  }
0x3: {  	s2 =	srdreg.scid;
	s0 =	rddreg [dreg:$0x2]  }
0x4: {  	s3 =	simm.s32 $0x0;
	s15 =	simm.s32 $0x1;
	s16 =	simm.s32 $0x80  }
0x5: {  	s17 =	simm.s32 $0x3300;
	s18 =	simm.s32 $0x5300;
	s19 =	simm.s32 $0x2  }
0x6: {  	s20 =	simm.s32 $0x3200;
	s21 =	simm.s32 $0x3;
	s8 =	sand.u32 $0x1, s2  }
0x7: {  	s22 =	simm.s32 $0x3280;
	s2 =	stileid.u32;
	s23 =	smul.u32 $0x6200, s8  }
0x8: {  	[smem:$0x7FF] =	sst s3;
	s4 =	sadd.s32 $0xB1C00, s7;
	s9 =	smul.u32 $0x620, s2  }
0x9: {  	s5 =	sadd.s32 $0x98C00, s7;
	s6 =	sadd.s32 $0x1F0C00, s7;
	s10 =	smul.u32 $0x18C00, s2  }
0xa: {  	_ =	strace $0x80000050;
	s8 =	ssub.s32 $0x2, s8;
	s28 =	smul.u32 $0x62000, s2  }
0xb: {  	s29 =	sshll.u32 s2, $0x6;
	s30 =	sshll.u32 s2, $0x4;
	s26 =	sshrl.u32 s8, $0x1  }
0xc: {  	s24 =	sor.u32 $0x6200, s30;
	s9 =	sadd.s32 s9, s23;
	s11 =	sshrl.u32 s10, $0x3  }
0xd: {  	v0 =	vlaneseq.u32;
	s13 =	ssub.s32 s8, s26;
	s14 =	sadd.s32 s10, s1;
	s8 =	sor.u32 $0x1C06, s29  }
0xe: {  	s31 =	sshrl.u32 s28, $0x2;
	v0 =	vor.u32 s24, v0;
	v1 =	vmov s23;
	s23 =	simm.s32 $0x4;
	s24 =	simm.s32 $0x5  }
0xf: {  	s9 =	sshll.u32 s9, $0x3;
	s11 =	sadd.s32 s11, s7;
	s25 =	sadd.s32 s31, s1  }
0x10: {  	s12 =	sadd.s32 s9, s7;
	s7 =	sadd.s32 $0x12CC00, s11;
	s9 =	smul.u32 $0xC800, s2  }
0x11: {  	s11 =	smax.u32 s13, $0x1;
	s13 =	simm.s32 $0x6;
	s25 =	sshrl.u32 s25, $0x3  }
0x12: {  	s10 =	sadd.s32 $0x15E400, s12;
	s12 =	sshrl.u32 s14, $0x3;
	s14 =	simm.s32 $0x1900  }
.LBB2_1:
0x13: {  	[spmem:s12], [sflag:s8] =	dma.local [hbm:s7], $0x3180  }
0x14: {  	_ =	swait.ge [sflag:s13], $0x3180  }
0x15: {  	[sflag:s13] =	ssyncset.done $0x0  }
0x16: {  	[sflag:s13] =	ssyncadd.s32 $0xFFFFCE80  }
0x17: {  	s26 =	simm.s32 $0x0;
	[bflag:$0x0] =	sbarrier.arrive $0xFFFF  }
.LBB2_2:
0x18: {  	s28 =	smul.u32 $0x1900, s26;
	_ =	sdelay $0x1  }
0x19: {  	s28 =	sadd.s32 s9, s28  }
0x1a: {  	s28 =	sshrl.u32 s28, $0x3  }
0x1b: {  	s30 =	simm.s32 $0x0;
	s29 =	sadd.s32 s4, s28  }
0x1c: {  	[tilespmem:s30], [sflag:$0x1] =	stream.linear.gather [hbm4b:s29+s30], $0x1900, $0x38;
	[tilespmem:$0x1FF00] =	vst v63  }
0x1d: {  	s28 =	sadd.s32 s5, s28  }
0x1e: {  	[tilespmem:s14], [sflag:$0x1] =	stream.linear.gather [hbm4b:s28+s30], $0x1900, $0x38;
	[tilespmem:$0x1FF00] =	vst v63  }
0x1f: {  	_ =	swait.ge [sflag:s15], $0x1900  }
0x20: {  	[sflag:s15] =	ssyncset.done $0x0  }
0x21: {  	[sflag:s15] =	ssyncadd.s32 $0xFFFFE700  }
0x22: {  	_ =	swait.ge [sflag:s15], $0x1900  }
0x23: {  	[sflag:s15] =	ssyncset.done $0x0  }
0x24: {  	s28 =	simm.s32 $0x0;
	[sflag:s15] =	ssyncadd.s32 $0xFFFFE700  }
0x25: {  	[tilespmem:s17], [sflag:$0x2] =	stream.indirect.gather [hbm4b:s6+s16], $0x40, s28, s16, $0xb8;
	[tilespmem:$0x1FF00] =	vst v63  }
0x26: {  	s30 =	simm.s32 $0x80  }
0x27: {  	[tilespmem:s18], [sflag:$0x3] =	stream.indirect.gather [hbm4b:s6+s16], $0x40, s30, s16, $0xb8;
	[tilespmem:$0x1FF00] =	vst v63  }
0x28: {  	v2 =	vld [tilespmem:s28+$0x1900];
	_ =	sdelay $0x4  }
0x29: {  	v2 =	vsub.s32 v2, v1  }
0x2a: {  	vm0 =	vlt.u32 v2, $0x6200  }
0x2b: {  	v2 =	vsel vm0, v2, v0  }
0x2c: {  	[tilespmem:$0x3200] =	vst v2  }
0x2d: {  	v2 =	vld [tilespmem:s28+$0x1910];
	_ =	sdelay $0x4  }
0x2e: {  	v2 =	vsub.s32 v2, v1  }
0x2f: {  	vm13 =	vlt.u32 v2, $0x6200  }
0x30: {  	v2 =	vsel vm13, v2, v0  }
0x31: {  	[tilespmem:$0x3210] =	vst v2  }
0x32: {  	v2 =	vld [tilespmem:s28+$0x1920];
	_ =	sdelay $0x4  }
0x33: {  	v2 =	vsub.s32 v2, v1  }
0x34: {  	vm14 =	vlt.u32 v2, $0x6200  }
0x35: {  	v2 =	vsel vm14, v2, v0  }
0x36: {  	[tilespmem:$0x3220] =	vst v2  }
0x37: {  	v2 =	vld [tilespmem:s28+$0x1930];
	_ =	sdelay $0x4  }
0x38: {  	v2 =	vsub.s32 v2, v1  }
0x39: {  	vm15 =	vlt.u32 v2, $0x6200  }
0x3a: {  	v2 =	vsel vm15, v2, v0  }
0x3b: {  	[tilespmem:$0x3230] =	vst v2  }
0x3c: {  	v2 =	vld [tilespmem:s28+$0x1940];
	_ =	sdelay $0x4  }
0x3d: {  	v2 =	vsub.s32 v2, v1  }
0x3e: {  	vm4 =	vlt.u32 v2, $0x6200  }
0x3f: {  	v2 =	vsel vm4, v2, v0  }
0x40: {  	[tilespmem:$0x3240] =	vst v2  }
0x41: {  	v2 =	vld [tilespmem:s28+$0x1950];
	_ =	sdelay $0x4  }
0x42: {  	v2 =	vsub.s32 v2, v1  }
0x43: {  	vm5 =	vlt.u32 v2, $0x6200  }
0x44: {  	v2 =	vsel vm5, v2, v0  }
0x45: {  	[tilespmem:$0x3250] =	vst v2  }
0x46: {  	v2 =	vld [tilespmem:s28+$0x1960];
	_ =	sdelay $0x4  }
0x47: {  	v2 =	vsub.s32 v2, v1  }
0x48: {  	vm6 =	vlt.u32 v2, $0x6200  }
0x49: {  	v2 =	vsel vm6, v2, v0  }
0x4a: {  	[tilespmem:$0x3260] =	vst v2  }
0x4b: {  	v2 =	vld [tilespmem:s28+$0x1970];
	_ =	sdelay $0x4  }
0x4c: {  	v2 =	vsub.s32 v2, v1  }
0x4d: {  	vm7 =	vlt.u32 v2, $0x6200  }
0x4e: {  	v2 =	vsel vm7, v2, v0  }
0x4f: {  	[tilespmem:$0x3270] =	vst v2  }
0x50: {  	v2 =	vld [tilespmem:s28+$0x1980];
	_ =	sdelay $0x4  }
0x51: {  	v2 =	vsub.s32 v2, v1  }
0x52: {  	vm8 =	vlt.u32 v2, $0x6200  }
0x53: {  	v2 =	vsel vm8, v2, v0  }
0x54: {  	[tilespmem:$0x3280] =	vst v2  }
0x55: {  	v2 =	vld [tilespmem:s28+$0x1990];
	_ =	sdelay $0x4  }
0x56: {  	v2 =	vsub.s32 v2, v1  }
0x57: {  	vm9 =	vlt.u32 v2, $0x6200  }
0x58: {  	v2 =	vsel vm9, v2, v0  }
0x59: {  	[tilespmem:$0x3290] =	vst v2  }
0x5a: {  	v2 =	vld [tilespmem:s28+$0x19A0];
	_ =	sdelay $0x4  }
0x5b: {  	v2 =	vsub.s32 v2, v1  }
0x5c: {  	vm10 =	vlt.u32 v2, $0x6200  }
0x5d: {  	v2 =	vsel vm10, v2, v0  }
0x5e: {  	[tilespmem:$0x32A0] =	vst v2  }
0x5f: {  	v2 =	vld [tilespmem:s28+$0x19B0];
	_ =	sdelay $0x4  }
0x60: {  	v2 =	vsub.s32 v2, v1  }
0x61: {  	vm11 =	vlt.u32 v2, $0x6200  }
0x62: {  	v2 =	vsel vm11, v2, v0  }
0x63: {  	[tilespmem:$0x32B0] =	vst v2  }
0x64: {  	v2 =	vld [tilespmem:s28+$0x19C0];
	_ =	sdelay $0x4  }
0x65: {  	v2 =	vsub.s32 v2, v1  }
0x66: {  	vm12 =	vlt.u32 v2, $0x6200  }
0x67: {  	v2 =	vsel vm12, v2, v0  }
0x68: {  	[tilespmem:$0x32C0] =	vst v2  }
0x69: {  	v2 =	vld [tilespmem:s28+$0x19D0];
	_ =	sdelay $0x4  }
0x6a: {  	v2 =	vsub.s32 v2, v1  }
0x6b: {  	vm13 =	vlt.u32 v2, $0x6200  }
0x6c: {  	v2 =	vsel vm13, v2, v0  }
0x6d: {  	[tilespmem:$0x32D0] =	vst v2  }
0x6e: {  	v2 =	vld [tilespmem:s28+$0x19E0];
	_ =	sdelay $0x4  }
0x6f: {  	v2 =	vsub.s32 v2, v1  }
0x70: {  	vm14 =	vlt.u32 v2, $0x6200  }
0x71: {  	v2 =	vsel vm14, v2, v0  }
0x72: {  	[tilespmem:$0x32E0] =	vst v2  }
0x73: {  	v2 =	vld [tilespmem:s28+$0x19F0];
	_ =	sdelay $0x4  }
0x74: {  	v2 =	vsub.s32 v2, v1  }
0x75: {  	vm15 =	vlt.u32 v2, $0x6200  }
0x76: {  	v2 =	vsel vm15, v2, v0  }
0x77: {  	[tilespmem:$0x32F0] =	vst v2  }
0x78: {  	_ =	swait.ge [sflag:s19], $0x2000  }
0x79: {  	[sflag:s19] =	ssyncset.done $0x0  }
0x7a: {  	[sflag:s19] =	ssyncadd.s32 $0xFFFFE000  }
0x7b: {  	[spmem:s1] =	stream.indirect.scatter.add.f32 [tilespmem:s17], [sflag:$0x4], $0x40, s20, s16, $0xb8;
	[tilespmem:$0x1FF00] =	vst v63  }
0x7c: {  	_ =	swait.ge [sflag:s21], $0x2000  }
0x7d: {  	[sflag:s21] =	ssyncset.done $0x0  }
0x7e: {  	[sflag:s21] =	ssyncadd.s32 $0xFFFFE000  }
0x7f: {  	[spmem:s1] =	stream.indirect.scatter.add.f32 [tilespmem:s18], [sflag:$0x5], $0x40, s22, s16, $0xb8;
	[tilespmem:$0x1FF00] =	vst v63  }
0x80: {  	_ =	swait.ge [sflag:s23], $0x2000  }
0x81: {  	[sflag:s23] =	ssyncset.done $0x0  }
0x82: {  	[sflag:s23] =	ssyncadd.s32 $0xFFFFE000  }
0x83: {  	_ =	swait.ge [sflag:s24], $0x2000  }
0x84: {  	s31 =	simm.s32 $0x800;
	s28 =	simm.s32 $0x400;
	[sflag:s24] =	ssyncset.done $0x0  }
.LBB2_3:
0x85: {  	s30 =	sshra.s32 s28, $0x2  }
0x86: {  	[sflag:s24] =	ssyncadd.s32 $0xFFFFE000;
	s28 =	smov.u32 s31;
	s29 =	sadd.s32 $0x400, s31  }
0x87: {  	[tilespmem:s17], [sflag:$0x2] =	stream.indirect.gather [hbm4b:s6+s16], $0x40, s30, s16, $0xb8;
	[tilespmem:$0x1FF00] =	vst v63  }
0x88: {  	p0 =	sne.s32 s31, $0x6000;
	s31 =	sadd.s32 $0x80, s30  }
0x89: {  	[tilespmem:s18], [sflag:$0x3] =	stream.indirect.gather [hbm4b:s6+s16], $0x40, s31, s16, $0xb8;
	[tilespmem:$0x1FF00] =	vst v63  }
0x8a: {  	v2 =	vld [tilespmem:s30+$0x1900];
	_ =	sdelay $0x4  }
0x8b: {  	v2 =	vsub.s32 v2, v1  }
0x8c: {  	vm0 =	vlt.u32 v2, $0x6200  }
0x8d: {  	v2 =	vsel vm0, v2, v0  }
0x8e: {  	[tilespmem:$0x3200] =	vst v2  }
0x8f: {  	v2 =	vld [tilespmem:s30+$0x1910];
	_ =	sdelay $0x4  }
0x90: {  	v2 =	vsub.s32 v2, v1  }
0x91: {  	vm0 =	vlt.u32 v2, $0x6200  }
0x92: {  	v2 =	vsel vm0, v2, v0  }
0x93: {  	[tilespmem:$0x3210] =	vst v2  }
0x94: {  	v2 =	vld [tilespmem:s30+$0x1920];
	_ =	sdelay $0x4  }
0x95: {  	v2 =	vsub.s32 v2, v1  }
0x96: {  	vm0 =	vlt.u32 v2, $0x6200  }
0x97: {  	v2 =	vsel vm0, v2, v0  }
0x98: {  	[tilespmem:$0x3220] =	vst v2  }
0x99: {  	v2 =	vld [tilespmem:s30+$0x1930];
	_ =	sdelay $0x4  }
0x9a: {  	v2 =	vsub.s32 v2, v1  }
0x9b: {  	vm0 =	vlt.u32 v2, $0x6200  }
0x9c: {  	v2 =	vsel vm0, v2, v0  }
0x9d: {  	[tilespmem:$0x3230] =	vst v2  }
0x9e: {  	v2 =	vld [tilespmem:s30+$0x1940];
	_ =	sdelay $0x4  }
0x9f: {  	v2 =	vsub.s32 v2, v1  }
0xa0: {  	vm0 =	vlt.u32 v2, $0x6200  }
0xa1: {  	v2 =	vsel vm0, v2, v0  }
0xa2: {  	[tilespmem:$0x3240] =	vst v2  }
0xa3: {  	v2 =	vld [tilespmem:s30+$0x1950];
	_ =	sdelay $0x4  }
0xa4: {  	v2 =	vsub.s32 v2, v1  }
0xa5: {  	vm0 =	vlt.u32 v2, $0x6200  }
0xa6: {  	v2 =	vsel vm0, v2, v0  }
0xa7: {  	[tilespmem:$0x3250] =	vst v2  }
0xa8: {  	v2 =	vld [tilespmem:s30+$0x1960];
	_ =	sdelay $0x4  }
0xa9: {  	v2 =	vsub.s32 v2, v1  }
0xaa: {  	vm0 =	vlt.u32 v2, $0x6200  }
0xab: {  	v2 =	vsel vm0, v2, v0  }
0xac: {  	[tilespmem:$0x3260] =	vst v2  }
0xad: {  	v2 =	vld [tilespmem:s30+$0x1970];
	_ =	sdelay $0x4  }
0xae: {  	v2 =	vsub.s32 v2, v1  }
0xaf: {  	vm0 =	vlt.u32 v2, $0x6200  }
0xb0: {  	v2 =	vsel vm0, v2, v0  }
0xb1: {  	[tilespmem:$0x3270] =	vst v2  }
0xb2: {  	v2 =	vld [tilespmem:s30+$0x1980];
	_ =	sdelay $0x4  }
0xb3: {  	v2 =	vsub.s32 v2, v1  }
0xb4: {  	vm0 =	vlt.u32 v2, $0x6200  }
0xb5: {  	v2 =	vsel vm0, v2, v0  }
0xb6: {  	[tilespmem:$0x3280] =	vst v2  }
0xb7: {  	v2 =	vld [tilespmem:s30+$0x1990];
	_ =	sdelay $0x4  }
0xb8: {  	v2 =	vsub.s32 v2, v1  }
0xb9: {  	vm0 =	vlt.u32 v2, $0x6200  }
0xba: {  	v2 =	vsel vm0, v2, v0  }
0xbb: {  	[tilespmem:$0x3290] =	vst v2  }
0xbc: {  	v2 =	vld [tilespmem:s30+$0x19A0];
	_ =	sdelay $0x4  }
0xbd: {  	v2 =	vsub.s32 v2, v1  }
0xbe: {  	vm0 =	vlt.u32 v2, $0x6200  }
0xbf: {  	v2 =	vsel vm0, v2, v0  }
0xc0: {  	[tilespmem:$0x32A0] =	vst v2  }
0xc1: {  	v2 =	vld [tilespmem:s30+$0x19B0];
	_ =	sdelay $0x4  }
0xc2: {  	v2 =	vsub.s32 v2, v1  }
0xc3: {  	vm0 =	vlt.u32 v2, $0x6200  }
0xc4: {  	v2 =	vsel vm0, v2, v0  }
0xc5: {  	[tilespmem:$0x32B0] =	vst v2  }
0xc6: {  	v2 =	vld [tilespmem:s30+$0x19C0];
	_ =	sdelay $0x4  }
0xc7: {  	v2 =	vsub.s32 v2, v1  }
0xc8: {  	vm0 =	vlt.u32 v2, $0x6200  }
0xc9: {  	v2 =	vsel vm0, v2, v0  }
0xca: {  	[tilespmem:$0x32C0] =	vst v2  }
0xcb: {  	v2 =	vld [tilespmem:s30+$0x19D0];
	_ =	sdelay $0x4  }
0xcc: {  	v2 =	vsub.s32 v2, v1  }
0xcd: {  	vm0 =	vlt.u32 v2, $0x6200  }
0xce: {  	v2 =	vsel vm0, v2, v0  }
0xcf: {  	[tilespmem:$0x32D0] =	vst v2  }
0xd0: {  	v2 =	vld [tilespmem:s30+$0x19E0];
	_ =	sdelay $0x4  }
0xd1: {  	v2 =	vsub.s32 v2, v1  }
0xd2: {  	vm0 =	vlt.u32 v2, $0x6200  }
0xd3: {  	v2 =	vsel vm0, v2, v0  }
0xd4: {  	[tilespmem:$0x32E0] =	vst v2  }
0xd5: {  	v2 =	vld [tilespmem:s30+$0x19F0];
	_ =	sdelay $0x4  }
0xd6: {  	v2 =	vsub.s32 v2, v1  }
0xd7: {  	vm0 =	vlt.u32 v2, $0x6200  }
0xd8: {  	v2 =	vsel vm0, v2, v0  }
0xd9: {  	[tilespmem:$0x32F0] =	vst v2  }
0xda: {  	_ =	swait.ge [sflag:s19], $0x2000  }
0xdb: {  	[sflag:s19] =	ssyncset.done $0x0  }
0xdc: {  	[sflag:s19] =	ssyncadd.s32 $0xFFFFE000  }
0xdd: {  	[spmem:s1] =	stream.indirect.scatter.add.f32 [tilespmem:s17], [sflag:$0x4], $0x40, s20, s16, $0xb8;
	[tilespmem:$0x1FF00] =	vst v63  }
0xde: {  	_ =	swait.ge [sflag:s21], $0x2000  }
0xdf: {  	[sflag:s21] =	ssyncset.done $0x0  }
0xe0: {  	[sflag:s21] =	ssyncadd.s32 $0xFFFFE000  }
0xe1: {  	[spmem:s1] =	stream.indirect.scatter.add.f32 [tilespmem:s18], [sflag:$0x5], $0x40, s22, s16, $0xb8;
	[tilespmem:$0x1FF00] =	vst v63  }
.Ltmp0:
0xe2: {  	_ =	swait.ge [sflag:s23], $0x2000;
	(pc) =	sbr.rel @p0 .LBB2_3-.Ltmp0, $4  }
0xe3: {  	[sflag:s23] =	ssyncset.done $0x0  }
0xe4: {  	[sflag:s23] =	ssyncadd.s32 $0xFFFFE000  }
0xe5: {  	_ =	swait.ge [sflag:s24], $0x2000  }
0xe6: {  	s31 =	smov.u32 s29;
	[sflag:s24] =	ssyncset.done $0x0  }
0xe7: {  	s28 =	sshra.s32 s28, $0x2;
	[sflag:s24] =	ssyncadd.s32 $0xFFFFE000  }
0xe8: {  	[tilespmem:s17], [sflag:$0x2] =	stream.indirect.gather [hbm4b:s6+s16], $0x40, s28, s16, $0xb8;
	[tilespmem:$0x1FF00] =	vst v63  }
0xe9: {  	s29 =	sadd.s32 $0x80, s28  }
0xea: {  	[tilespmem:s18], [sflag:$0x3] =	stream.indirect.gather [hbm4b:s6+s16], $0x40, s29, s16, $0xb8;
	[tilespmem:$0x1FF00] =	vst v63  }
0xeb: {  	v2 =	vld [tilespmem:s28+$0x1900];
	_ =	sdelay $0x4  }
0xec: {  	v2 =	vsub.s32 v2, v1  }
0xed: {  	vm0 =	vlt.u32 v2, $0x6200  }
0xee: {  	v2 =	vsel vm0, v2, v0  }
0xef: {  	[tilespmem:$0x3200] =	vst v2  }
0xf0: {  	v2 =	vld [tilespmem:s28+$0x1910];
	_ =	sdelay $0x4  }
0xf1: {  	v2 =	vsub.s32 v2, v1  }
0xf2: {  	vm13 =	vlt.u32 v2, $0x6200  }
0xf3: {  	v2 =	vsel vm13, v2, v0  }
0xf4: {  	[tilespmem:$0x3210] =	vst v2  }
0xf5: {  	v2 =	vld [tilespmem:s28+$0x1920];
	_ =	sdelay $0x4  }
0xf6: {  	v2 =	vsub.s32 v2, v1  }
0xf7: {  	vm14 =	vlt.u32 v2, $0x6200  }
0xf8: {  	v2 =	vsel vm14, v2, v0  }
0xf9: {  	[tilespmem:$0x3220] =	vst v2  }
0xfa: {  	v2 =	vld [tilespmem:s28+$0x1930];
	_ =	sdelay $0x4  }
0xfb: {  	v2 =	vsub.s32 v2, v1  }
0xfc: {  	vm15 =	vlt.u32 v2, $0x6200  }
0xfd: {  	v2 =	vsel vm15, v2, v0  }
0xfe: {  	[tilespmem:$0x3230] =	vst v2  }
0xff: {  	v2 =	vld [tilespmem:s28+$0x1940];
	_ =	sdelay $0x4  }
0x100: {  	v2 =	vsub.s32 v2, v1  }
0x101: {  	vm4 =	vlt.u32 v2, $0x6200  }
0x102: {  	v2 =	vsel vm4, v2, v0  }
0x103: {  	[tilespmem:$0x3240] =	vst v2  }
0x104: {  	v2 =	vld [tilespmem:s28+$0x1950];
	_ =	sdelay $0x4  }
0x105: {  	v2 =	vsub.s32 v2, v1  }
0x106: {  	vm5 =	vlt.u32 v2, $0x6200  }
0x107: {  	v2 =	vsel vm5, v2, v0  }
0x108: {  	[tilespmem:$0x3250] =	vst v2  }
0x109: {  	v2 =	vld [tilespmem:s28+$0x1960];
	_ =	sdelay $0x4  }
0x10a: {  	v2 =	vsub.s32 v2, v1  }
0x10b: {  	vm6 =	vlt.u32 v2, $0x6200  }
0x10c: {  	v2 =	vsel vm6, v2, v0  }
0x10d: {  	[tilespmem:$0x3260] =	vst v2  }
0x10e: {  	v2 =	vld [tilespmem:s28+$0x1970];
	_ =	sdelay $0x4  }
0x10f: {  	v2 =	vsub.s32 v2, v1  }
0x110: {  	vm7 =	vlt.u32 v2, $0x6200  }
0x111: {  	v2 =	vsel vm7, v2, v0  }
0x112: {  	[tilespmem:$0x3270] =	vst v2  }
0x113: {  	v2 =	vld [tilespmem:s28+$0x1980];
	_ =	sdelay $0x4  }
0x114: {  	v2 =	vsub.s32 v2, v1  }
0x115: {  	vm8 =	vlt.u32 v2, $0x6200  }
0x116: {  	v2 =	vsel vm8, v2, v0  }
0x117: {  	[tilespmem:$0x3280] =	vst v2  }
0x118: {  	v2 =	vld [tilespmem:s28+$0x1990];
	_ =	sdelay $0x4  }
0x119: {  	v2 =	vsub.s32 v2, v1  }
0x11a: {  	vm9 =	vlt.u32 v2, $0x6200  }
0x11b: {  	v2 =	vsel vm9, v2, v0  }
0x11c: {  	[tilespmem:$0x3290] =	vst v2  }
0x11d: {  	v2 =	vld [tilespmem:s28+$0x19A0];
	_ =	sdelay $0x4  }
0x11e: {  	v2 =	vsub.s32 v2, v1  }
0x11f: {  	vm10 =	vlt.u32 v2, $0x6200  }
0x120: {  	v2 =	vsel vm10, v2, v0  }
0x121: {  	[tilespmem:$0x32A0] =	vst v2  }
0x122: {  	v2 =	vld [tilespmem:s28+$0x19B0];
	_ =	sdelay $0x4  }
0x123: {  	v2 =	vsub.s32 v2, v1  }
0x124: {  	vm11 =	vlt.u32 v2, $0x6200  }
0x125: {  	v2 =	vsel vm11, v2, v0  }
0x126: {  	[tilespmem:$0x32B0] =	vst v2  }
0x127: {  	v2 =	vld [tilespmem:s28+$0x19C0];
	_ =	sdelay $0x4  }
0x128: {  	v2 =	vsub.s32 v2, v1  }
0x129: {  	vm12 =	vlt.u32 v2, $0x6200  }
0x12a: {  	v2 =	vsel vm12, v2, v0  }
0x12b: {  	[tilespmem:$0x32C0] =	vst v2  }
0x12c: {  	v2 =	vld [tilespmem:s28+$0x19D0];
	_ =	sdelay $0x4  }
0x12d: {  	v2 =	vsub.s32 v2, v1  }
0x12e: {  	vm13 =	vlt.u32 v2, $0x6200  }
0x12f: {  	v2 =	vsel vm13, v2, v0  }
0x130: {  	[tilespmem:$0x32D0] =	vst v2  }
0x131: {  	v2 =	vld [tilespmem:s28+$0x19E0];
	_ =	sdelay $0x4  }
0x132: {  	v2 =	vsub.s32 v2, v1  }
0x133: {  	vm14 =	vlt.u32 v2, $0x6200  }
0x134: {  	v2 =	vsel vm14, v2, v0  }
0x135: {  	[tilespmem:$0x32E0] =	vst v2  }
0x136: {  	v2 =	vld [tilespmem:s28+$0x19F0];
	_ =	sdelay $0x4  }
0x137: {  	v2 =	vsub.s32 v2, v1  }
0x138: {  	vm15 =	vlt.u32 v2, $0x6200  }
0x139: {  	v2 =	vsel vm15, v2, v0  }
0x13a: {  	[tilespmem:$0x32F0] =	vst v2  }
0x13b: {  	_ =	swait.ge [sflag:s19], $0x2000  }
0x13c: {  	[sflag:s19] =	ssyncset.done $0x0  }
0x13d: {  	[sflag:s19] =	ssyncadd.s32 $0xFFFFE000  }
0x13e: {  	[spmem:s1] =	stream.indirect.scatter.add.f32 [tilespmem:s17], [sflag:$0x4], $0x40, s20, s16, $0xb8;
	[tilespmem:$0x1FF00] =	vst v63  }
0x13f: {  	_ =	swait.ge [sflag:s21], $0x2000  }
0x140: {  	[sflag:s21] =	ssyncset.done $0x0  }
0x141: {  	s26 =	sadd.s32 $0x1, s26;
	[sflag:s21] =	ssyncadd.s32 $0xFFFFE000  }
0x142: {  	[spmem:s1] =	stream.indirect.scatter.add.f32 [tilespmem:s18], [sflag:$0x5], $0x40, s22, s16, $0xb8;
	[tilespmem:$0x1FF00] =	vst v63  }
0x143: {  	p0 =	sne.s32 s26, $0x8;
	_ =	swait.ge [sflag:s23], $0x2000  }
.Ltmp1:
0x144: {  	[sflag:s23] =	ssyncset.done $0x0;
	(pc) =	sbr.rel @p0 .LBB2_2-.Ltmp1, $4  }
0x145: {  	[sflag:s23] =	ssyncadd.s32 $0xFFFFE000  }
0x146: {  	_ =	swait.ge [sflag:s24], $0x2000  }
0x147: {  	[sflag:s24] =	ssyncset.done $0x0  }
0x148: {  	[sflag:s24] =	ssyncadd.s32 $0xFFFFE000  }
0x149: {  	s3 =	sadd.s32 $0x1, s3  }
0x14a: {  	p0 =	sne.s32 s3, s11  }
.Ltmp2:
0x14b: {  	[bflag:$0x0] =	sbarrier.arrive $0xFFFF;
	(pc) =	sbr.rel @p0 .LBB2_1-.Ltmp2, $4  }
0x14c: {  	[hbm:s10], [sflag:s8] =	dma.local [spmem:s25], $0x3100  }
0x14d: {  	_ =	swait.ge [sflag:s13], $0x3100  }
0x14e: {  	[sflag:s13] =	ssyncset.done $0x0  }
0x14f: {  	[sflag:s13] =	ssyncadd.s32 $0xFFFFCF00  }
0x150: {  	_ =	sfence.sel $0x180000  }
0x151: {  	[bflag:$0x0] =	sbarrier.arrive $0xFFFF  }
0x152: {  	p0 =	sne.s32 s2, $0x0;
	_ =	strace $0x90000050  }
0x153: {  	s0 =	sadd.s32 @!p0 $0x100000, s0;
	[bflag:$0x2] =	sbarrier.arrive $0xFFFF  }
0x154: {  	[sflag:s0] =	ssyncadd.tile.s32 @!p0 $0x1;
	_ =	shalt  }
.Lfunc_end2:
_tile_overlayer_lowered:
.L_overlay_start_2:
0x155: {  	(tag) =	ssettag $0x2  }
0x156: {  	s0 =	rddreg [dreg:$0x0];
	s2 =	stileid.u32  }
0x157: {  	s1 =	rddreg [dreg:$0x1];
	p0 =	sne.s32 s2, $0x0  }
0x158: {  	s3 =	rddreg [dreg:$0x2];
	[bflag:$0x3] =	sbarrier.arrive $0xFFFF;
	s2 =	simm.s32 @!p0 $0x1C06  }
0x159: {  	[timem:s3], [sflag:s2] =	dma.local @!p0 [hbm:s0], s1  }
0x15a: {  	s0 =	simm.s32 @!p0 $0x6  }
0x15b: {  	_ =	swait.ge @!p0 [sflag:s0], s1  }
0x15c: {  	s1 =	ssub.s32 @!p0 $0x0, s1;
	[sflag:s0] =	ssyncset.done @!p0 $0x0  }
0x15d: {  	[sflag:s0] =	ssyncadd.s32 @!p0 s1  }
0x15e: {  	[bflag:$0x3] =	sbarrier.arrive $0xFFFF  }
0x15f: {  	_ =	shalt  }

</sc_bundles>
